<compile_context>
chip_gen: v7x
topology: tpu7x:2x2x1
jax: 0.10.2.dev20260603
libtpu: 0.0.44.dev20260713+nightly
codegen_flags: <defaults>
</compile_context>

<pallas_src>
import functools
import jax
import jax.numpy as jnp
from jax import lax
from jax.experimental import pallas as pl
from jax.experimental.pallas import tpu as pltpu
from jax.experimental.pallas import tpu_sc as plsc

N_USERS = 25000
N_ITEMS = 25000
N = N_USERS + N_ITEMS
E = 800000
D = 64
DH = D // 2
N_LAYERS = 3

NC = 2
NS = 16
HALF = N // NC
PER_TILE = 1568
ROWS = NS * PER_TILE
TRASH = HALF
K = 128
TILE_ITERS = (E // K + NS - 1) // NS
NCHUNK = TILE_ITERS * NS
EPAD = NCHUNK * K
W = 8

_mesh = plsc.VectorSubcoreMesh(core_axis_name="c", subcore_axis_name="s")
_sc_params = pltpu.CompilerParams(use_tc_tiling_on_sc=False)


def _fill_zero(buf, nrows, ncols):
    def row(r, _):
        for j in range(ncols // 16):
            buf[r, pl.ds(j * 16, 16)] = jnp.zeros((16,), jnp.float32)
        return 0
    lax.fori_loop(0, nrows, row, 0)


def _localize(dstv, ldstv, base):
    for j in range(K // 16):
        d = dstv[pl.ds(j * 16, 16)]
        ld = d - base
        ok = (ld >= 0) & (ld < HALF)
        ldstv[pl.ds(j * 16, 16)] = jnp.where(ok, ld, TRASH)


def _scatter_pass(idx_hbm, rows_src, agg_sh, idxv, ldstv, s, base):
    def body(i, _):
        start = (i * NS + s) * K
        pltpu.sync_copy(idx_hbm.at[pl.ds(start, K)], idxv)
        _localize(idxv, ldstv, base)
        pltpu.sync_copy(rows_src, agg_sh.at[ldstv], add=True)
        return 0

    lax.fori_loop(0, TILE_ITERS, body, 0)


@functools.partial(
    pl.kernel, mesh=_mesh, compiler_params=_sc_params,
    out_type=(jax.ShapeDtypeStruct((NC, ROWS, W), jnp.float32),
              jax.ShapeDtypeStruct((NC, ROWS, W), jnp.float32)),
    scratch_types=[
        pltpu.VMEM((K,), jnp.int32),
        pltpu.VMEM((K,), jnp.int32),
        pltpu.VMEM((K, W), jnp.float32),
        pltpu.VMEM((PER_TILE, W), jnp.float32),
        pltpu.VMEM_SHARED((ROWS, W), jnp.float32),
    ],
)
def _sc_degrees(src_hbm, dst_hbm, ones_hbm, zeros_hbm, dego_hbm, degi_hbm,
                idxv, ldstv, ones_v, zbuf_v, agg_sh):
    c = lax.axis_index("c")
    s = lax.axis_index("s")
    base = c * HALF
    pltpu.sync_copy(ones_hbm, ones_v)
    pltpu.sync_copy(zeros_hbm, zbuf_v)
    pltpu.sync_copy(zbuf_v, agg_sh.at[pl.ds(s * PER_TILE, PER_TILE)])
    plsc.subcore_barrier()
    _scatter_pass(src_hbm, ones_v, agg_sh, idxv, ldstv, s, base)
    plsc.subcore_barrier()
    pltpu.sync_copy(agg_sh.at[pl.ds(s * PER_TILE, PER_TILE)],
                    dego_hbm.at[c, pl.ds(s * PER_TILE, PER_TILE)])
    pltpu.sync_copy(zbuf_v, agg_sh.at[pl.ds(s * PER_TILE, PER_TILE)])
    plsc.subcore_barrier()
    _scatter_pass(dst_hbm, ones_v, agg_sh, idxv, ldstv, s, base)
    plsc.subcore_barrier()
    pltpu.sync_copy(agg_sh.at[pl.ds(s * PER_TILE, PER_TILE)],
                    degi_hbm.at[c, pl.ds(s * PER_TILE, PER_TILE)])


@functools.partial(
    pl.kernel, mesh=_mesh, compiler_params=_sc_params,
    out_type=jax.ShapeDtypeStruct((NC, 2, ROWS, DH), jnp.float32),
    scratch_types=[
        pltpu.VMEM((K,), jnp.int32),
        pltpu.VMEM((K,), jnp.int32),
        pltpu.VMEM((K,), jnp.int32),
        pltpu.VMEM((K,), jnp.int32),
        pltpu.VMEM((K, DH), jnp.float32),
        pltpu.VMEM((K, DH), jnp.float32),
        pltpu.VMEM((PER_TILE, DH), jnp.float32),
        pltpu.SemaphoreType.DMA,
        pltpu.SemaphoreType.DMA,
        pltpu.VMEM_SHARED((ROWS, DH), jnp.float32),
    ],
)
def _sc_layer(hs_lo_hbm, hs_hi_hbm, src_hbm, dst_hbm, agg_hbm,
              idxa, idxb, dstv, ldstv, rowsa, rowsb, zbuf_v,
              sema, semb, agg_sh):
    c = lax.axis_index("c")
    s = lax.axis_index("s")
    base = c * HALF
    _fill_zero(zbuf_v, PER_TILE, DH)
    for p, tab in ((0, hs_lo_hbm), (1, hs_hi_hbm)):
        pltpu.sync_copy(zbuf_v, agg_sh.at[pl.ds(s * PER_TILE, PER_TILE)])
        plsc.subcore_barrier()

        def issue(i, idxbuf, rowbuf, sem):
            start = (i * NS + s) * K
            pltpu.sync_copy(src_hbm.at[pl.ds(start, K)], idxbuf)
            pltpu.async_copy(tab.at[idxbuf], rowbuf, sem)

        def drain(i, idxbuf, rowbuf, sem):
            pltpu.make_async_copy(tab.at[idxbuf], rowbuf, sem).wait()
            start = (i * NS + s) * K
            pltpu.sync_copy(dst_hbm.at[pl.ds(start, K)], dstv)
            _localize(dstv, ldstv, base)
            pltpu.sync_copy(rowbuf, agg_sh.at[ldstv], add=True)

        issue(0, idxa, rowsa, sema)

        def body(j, _):
            i0 = 2 * j
            issue(i0 + 1, idxb, rowsb, semb)
            drain(i0, idxa, rowsa, sema)
            issue(i0 + 2, idxa, rowsa, sema)
            drain(i0 + 1, idxb, rowsb, semb)
            return 0

        lax.fori_loop(0, (TILE_ITERS - 1) // 2, body, 0)
        drain(TILE_ITERS - 1, idxa, rowsa, sema)

        plsc.subcore_barrier()
        pltpu.sync_copy(agg_sh.at[pl.ds(s * PER_TILE, PER_TILE)],
                        agg_hbm.at[c, p, pl.ds(s * PER_TILE, PER_TILE)])


def _tc_init_body(do_ref, di_ref, h0_ref,
                  no_ref, ni_ref, hslo_ref, hshi_ref, aclo_ref, achi_ref):
    do = do_ref[...]
    di = di_ref[...]
    h0 = h0_ref[...]
    no = jnp.where(do > 0, lax.rsqrt(jnp.maximum(do, 1e-30)), 0.0)
    ni = jnp.where(di > 0, lax.rsqrt(jnp.maximum(di, 1e-30)), 0.0)
    no_ref[...] = no
    ni_ref[...] = ni
    hslo_ref[...] = h0[:, :DH] * no
    hshi_ref[...] = h0[:, DH:] * no
    aclo_ref[...] = 0.25 * h0[:, :DH]
    achi_ref[...] = 0.25 * h0[:, DH:]


def _tc_layer_body(agg_ref, ni_ref, no_ref, acc_ref, accn_ref, hs_ref):
    h = agg_ref[...] * ni_ref[...]
    accn_ref[...] = acc_ref[...] + 0.25 * h
    hs_ref[...] = h * no_ref[...]


_RB = 1000


def _tc_init(do, di, h0):
    grid = (N // _RB,)
    col = pl.BlockSpec((_RB, 1), lambda i: (i, 0))
    mat = pl.BlockSpec((_RB, D), lambda i: (i, 0))
    half = pl.BlockSpec((_RB, DH), lambda i: (i, 0))
    return pl.pallas_call(
        _tc_init_body,
        grid=grid,
        in_specs=[col, col, mat],
        out_specs=[col, col, half, half, half, half],
        out_shape=[
            jax.ShapeDtypeStruct((N, 1), jnp.float32),
            jax.ShapeDtypeStruct((N, 1), jnp.float32),
            jax.ShapeDtypeStruct((N, DH), jnp.float32),
            jax.ShapeDtypeStruct((N, DH), jnp.float32),
            jax.ShapeDtypeStruct((N, DH), jnp.float32),
            jax.ShapeDtypeStruct((N, DH), jnp.float32),
        ],
    )(do, di, h0)


def _tc_layer(agg, ni, no, acc):
    grid = (N // _RB,)
    col = pl.BlockSpec((_RB, 1), lambda i: (i, 0))
    half = pl.BlockSpec((_RB, DH), lambda i: (i, 0))
    return pl.pallas_call(
        _tc_layer_body,
        grid=grid,
        in_specs=[half, col, col, half],
        out_specs=[half, half],
        out_shape=[
            jax.ShapeDtypeStruct((N, DH), jnp.float32),
            jax.ShapeDtypeStruct((N, DH), jnp.float32),
        ],
    )(agg, ni, no, acc)


@jax.jit
def kernel(embedding_user, embedding_item, edge_index):
    pad_trash = jnp.full((EPAD - E,), -1, jnp.int32)
    pad_zero = jnp.zeros((EPAD - E,), jnp.int32)
    src = jnp.concatenate([edge_index[0], pad_trash])
    dst = jnp.concatenate([edge_index[1], pad_trash])
    src_g = jnp.concatenate([edge_index[0], pad_zero])
    h0 = jnp.concatenate([embedding_user, embedding_item], axis=0)

    ones8 = jnp.ones((K, W), jnp.float32)
    zeros8 = jnp.zeros((PER_TILE, W), jnp.float32)
    dego2, degi2 = _sc_degrees(src, dst, ones8, zeros8)
    do = dego2[:, :HALF, 0].reshape(N, 1)
    di = degi2[:, :HALF, 0].reshape(N, 1)

    no, ni, hs_lo, hs_hi, acc_lo, acc_hi = _tc_init(do, di, h0)

    def step(carry, _):
        hlo, hhi, alo, ahi = carry
        agg4 = _sc_layer(hlo, hhi, src_g, dst)
        agg_lo = agg4[:, 0, :HALF, :].reshape(N, DH)
        agg_hi = agg4[:, 1, :HALF, :].reshape(N, DH)
        alo_n, hlo_n = _tc_layer(agg_lo, ni, no, alo)
        ahi_n, hhi_n = _tc_layer(agg_hi, ni, no, ahi)
        return (hlo_n, hhi_n, alo_n, ahi_n), None

    (_, _, acc_lo, acc_hi), _ = lax.scan(
        step, (hs_lo, hs_hi, acc_lo, acc_hi), None, length=N_LAYERS)
    return jnp.concatenate([acc_lo, acc_hi], axis=1)

# --- scband reference (transcript-rebuilt; emitter-appended) ---
"""Pipeline reference for scband-light-gcn-69329362092551 (READ-ONLY COPY).

The authoritative reference and input builder live on the scoring server;
editing this copy changes nothing except your own understanding.
"""

import jax, jax.numpy as jnp
import numpy as np

N_USERS = 25000
N_ITEMS = 25000
N = N_USERS + N_ITEMS
E = 800000
D = 64
N_LAYERS = 3


def setup_inputs(seed: int = 0) -> dict:
    key = jax.random.key(seed)
    k1, k2, k3 = jax.random.split(key, 3)
    embedding_user = jax.random.normal(k1, (N_USERS, D), dtype=jnp.float32) * 0.1
    embedding_item = jax.random.normal(k2, (N_ITEMS, D), dtype=jnp.float32) * 0.1
    edge_index = jax.random.randint(k3, (2, E), 0, N, dtype=jnp.int32)
    return {
        "embedding_user": embedding_user,
        "embedding_item": embedding_item,
        "edge_index": edge_index,
    }


def reference(embedding_user, embedding_item, edge_index):
    # LightGCN forward: embeddings propagated through n_layers of
    # symmetric-normalized graph convolution (dgl GraphConv, weight=False,
    # bias=False, norm='both'), then mean over layer outputs.
    src = edge_index[0]
    dst = edge_index[1]
    deg_out = jnp.bincount(src, length=N).astype(jnp.float32)
    deg_in = jnp.bincount(dst, length=N).astype(jnp.float32)
    norm_src = jnp.where(deg_out > 0, deg_out ** -0.5, 0.0)
    norm_dst = jnp.where(deg_in > 0, deg_in ** -0.5, 0.0)

    h = jnp.concatenate([embedding_user, embedding_item], axis=0)
    embs = [h]
    for _ in range(N_LAYERS):
        # message: h_src / sqrt(deg_out(src))  (gather)
        msg = h[src] * norm_src[src][:, None]
        # aggregate: sum over incoming edges (scatter-add)
        agg = jnp.zeros((N, D), dtype=h.dtype).at[dst].add(msg)
        # apply dst normalization: / sqrt(deg_in(dst))
        h = agg * norm_dst[:, None]
        embs.append(h)

    # mean over layer embeddings; user/item split-and-concat is identity
    # on the stacked node axis, so compute on the full node tensor.
    final = jnp.mean(jnp.stack(embs, axis=1), axis=1)
    return final

if __name__ == "__main__":
    import jax
    _d = setup_inputs()
    print(jax.jit(kernel)(*tuple(_d.values())))

</pallas_src>

<mosaic_0001>
#map = affine_map<(d0, d1) -> (0, 0)>
#map1 = affine_map<(d0, d1) -> (0)>
#map2 = affine_map<(d0, d1) -> (0, 0, 0, 0)>
module attributes {stable_mosaic.version = 14 : i64} {
  func.func @_sc_layer(%arg0: i32, %arg1: i32, %arg2: memref<50000x32xf32, #tpu.memory_space<hbm>>, %arg3: memref<50000x32xf32, #tpu.memory_space<hbm>>, %arg4: memref<800768xi32, #tpu.memory_space<hbm>>, %arg5: memref<800768xi32, #tpu.memory_space<hbm>>, %arg6: memref<2x2x25088x32xf32, #tpu.memory_space<hbm>>, %arg7: memref<128xi32, #tpu.memory_space<vmem>>, %arg8: memref<128xi32, #tpu.memory_space<vmem>>, %arg9: memref<128xi32, #tpu.memory_space<vmem>>, %arg10: memref<128xi32, #tpu.memory_space<vmem>>, %arg11: memref<128x32xf32, #tpu.memory_space<vmem>>, %arg12: memref<128x32xf32, #tpu.memory_space<vmem>>, %arg13: memref<1568x32xf32, #tpu.memory_space<vmem>>, %arg14: memref<!tpu.dma_semaphore, #tpu.memory_space<semaphore_mem>>, %arg15: memref<!tpu.dma_semaphore, #tpu.memory_space<semaphore_mem>>, %arg16: memref<25088x32xf32, #tpu.memory_space<vmem_shared>>) attributes {dimension_semantics = [#tpu.dimension_semantics<core_parallel>, #tpu.dimension_semantics<subcore_parallel>], iteration_bounds = array<i64: 2, 16>, scalar_prefetch = 0 : i64, scratch_operands = 10 : i64, tpu.core_type = #tpu.core_type<sc_vector_subcore>, window_params = [{transform_indices = #map}, {transform_indices = #map}, {transform_indices = #map1}, {transform_indices = #map1}, {transform_indices = #map2}]} {
    %mul3A = arith.constant 25000 : i32
    %mul3A_0 = arith.muli %arg0, %mul3A : i32
    %scan3A = arith.constant 0 : i32
    %scan3A_1 = arith.constant 0 : i32
    %scan3A_2 = arith.constant 1568 : i32
    %scan3A_3 = arith.addi %scan3A_1, %scan3A_2 : i32
    %scan3A_4 = arith.constant 1 : i32
    %scan3A_5 = scf.for %scan3A_357 = %scan3A_1 to %scan3A_3 step %scan3A_4 iter_args(%scan3A_358 = %scan3A) -> (i32)  : i32 {
      %broadcast_in_dim3A_359 = arith.constant 0.000000e+00 : f32
      %broadcast_in_dim3A_360 = vector.broadcast %broadcast_in_dim3A_359 : f32 to vector<16xf32>
      %swap3A_361 = arith.index_cast %scan3A_357 : i32 to index
      %swap3A_362 = arith.constant 0 : index
      %swap3A_363 = tpu.vector_load %arg13[%swap3A_361, %swap3A_362] {strides = array<i32>} : memref<1568x32xf32, #tpu.memory_space<vmem>>, vector<1x16xf32>,
      %swap3A_364 = vector.shape_cast %swap3A_363 : vector<1x16xf32> to vector<16xf32>
      %swap3A_365 = vector.shape_cast %broadcast_in_dim3A_360 : vector<16xf32> to vector<1x16xf32>
      tpu.vector_store %arg13[%swap3A_361, %swap3A_362], %swap3A_365 {strides = array<i32>} : memref<1568x32xf32, #tpu.memory_space<vmem>>, vector<1x16xf32>,
      %broadcast_in_dim3A_366 = arith.constant 0.000000e+00 : f32
      %broadcast_in_dim3A_367 = vector.broadcast %broadcast_in_dim3A_366 : f32 to vector<16xf32>
      %swap3A_368 = arith.index_cast %scan3A_357 : i32 to index
      %swap3A_369 = arith.constant 16 : index
      %swap3A_370 = tpu.vector_load %arg13[%swap3A_368, %swap3A_369] {strides = array<i32>} : memref<1568x32xf32, #tpu.memory_space<vmem>>, vector<1x16xf32>,
      %swap3A_371 = vector.shape_cast %swap3A_370 : vector<1x16xf32> to vector<16xf32>
      %swap3A_372 = vector.shape_cast %broadcast_in_dim3A_367 : vector<16xf32> to vector<1x16xf32>
      tpu.vector_store %arg13[%swap3A_368, %swap3A_369], %swap3A_372 {strides = array<i32>} : memref<1568x32xf32, #tpu.memory_space<vmem>>, vector<1x16xf32>,
      %scan3A_373 = arith.constant 0 : i32
      scf.yield %scan3A_373 : i32
    }
    %scan3A_6 = arith.constant 1568 : i32
    %mul3A_7 = arith.constant 1568 : i32
    %mul3A_8 = arith.muli %arg1, %mul3A_7 : i32
    "tpu.region"() ({
      %run_scoped3A_357 = tpu.sem_alloc : memref<!tpu.dma_semaphore, #tpu.memory_space<semaphore_mem>>
      %dma_start3A_358 = arith.constant 0 : i32
      %dma_start3A_359 = tpu.memref_slice %arg16[%mul3A_8, %dma_start3A_358] : memref<25088x32xf32, #tpu.memory_space<vmem_shared>> -> memref<1568x32xf32, #tpu.memory_space<vmem_shared>>
      %dma_start3A_360 = arith.constant 0 : i32
      %dma_start3A_361 = tpu.memref_slice %arg16[%mul3A_8, %dma_start3A_360] : memref<25088x32xf32, #tpu.memory_space<vmem_shared>> -> memref<1568x32xf32, #tpu.memory_space<vmem_shared>>
      tpu.enqueue_dma source(%arg13 : memref<1568x32xf32, #tpu.memory_space<vmem>>) target(%dma_start3A_361 : memref<1568x32xf32, #tpu.memory_space<vmem_shared>>) target_semaphore(%run_scoped3A_357 : memref<!tpu.dma_semaphore, #tpu.memory_space<semaphore_mem>>)
      %dma_wait3A_362 = arith.constant 0 : i32
      %dma_wait3A_363 = tpu.memref_slice %arg16[%mul3A_8, %dma_wait3A_362] : memref<25088x32xf32, #tpu.memory_space<vmem_shared>> -> memref<1568x32xf32, #tpu.memory_space<vmem_shared>>
      %dma_wait3A_364 = arith.constant 0 : i32
      %dma_wait3A_365 = tpu.memref_slice %arg16[%mul3A_8, %dma_wait3A_364] : memref<25088x32xf32, #tpu.memory_space<vmem_shared>> -> memref<1568x32xf32, #tpu.memory_space<vmem_shared>>
      tpu.wait_dma2 semaphore(%run_scoped3A_357 : memref<!tpu.dma_semaphore, #tpu.memory_space<semaphore_mem>>) src(%arg13 : memref<1568x32xf32, #tpu.memory_space<vmem>>) dst(%dma_wait3A_365 : memref<1568x32xf32, #tpu.memory_space<vmem_shared>>)
      tpu.yield
    }) : () -> ()
    %barrier3A = arith.constant 0 : index
    tpu.barrier barrier_id(%barrier3A)
    %add3A = arith.constant 0 : i32
    %add3A_9 = arith.addi %add3A, %arg1 : i32
    %mul3A_10 = arith.constant 128 : i32
    %mul3A_11 = arith.muli %add3A_9, %mul3A_10 : i32
    "tpu.region"() ({
      %run_scoped3A_357 = tpu.sem_alloc : memref<!tpu.dma_semaphore, #tpu.memory_space<semaphore_mem>>
      %dma_start3A_358 = tpu.memref_slice %arg4[%mul3A_11] : memref<800768xi32, #tpu.memory_space<hbm>> -> memref<128xi32, #tpu.memory_space<hbm>>
      %dma_start3A_359 = tpu.memref_slice %arg4[%mul3A_11] : memref<800768xi32, #tpu.memory_space<hbm>> -> memref<128xi32, #tpu.memory_space<hbm>>
      tpu.enqueue_dma source(%dma_start3A_359 : memref<128xi32, #tpu.memory_space<hbm>>) target(%arg7 : memref<128xi32, #tpu.memory_space<vmem>>) target_semaphore(%run_scoped3A_357 : memref<!tpu.dma_semaphore, #tpu.memory_space<semaphore_mem>>)
      %dma_wait3A_360 = tpu.memref_slice %arg4[%mul3A_11] : memref<800768xi32, #tpu.memory_space<hbm>> -> memref<128xi32, #tpu.memory_space<hbm>>
      %dma_wait3A_361 = tpu.memref_slice %arg4[%mul3A_11] : memref<800768xi32, #tpu.memory_space<hbm>> -> memref<128xi32, #tpu.memory_space<hbm>>
      tpu.wait_dma2 semaphore(%run_scoped3A_357 : memref<!tpu.dma_semaphore, #tpu.memory_space<semaphore_mem>>) src(%dma_wait3A_361 : memref<128xi32, #tpu.memory_space<hbm>>) dst(%arg7 : memref<128xi32, #tpu.memory_space<vmem>>)
      tpu.yield
    }) : () -> ()
    %dma_start3A = arith.constant 0 : i32
    %dma_start3A_12 = arith.constant 0 : i32
    %dma_start3A_13 = tpu.memref_slice %arg2[%dma_start3A, %dma_start3A_12] : memref<50000x32xf32, #tpu.memory_space<hbm>> -> memref<50000x32xf32, #tpu.memory_space<hbm>>
    tpu.enqueue_indirect_dma source(%dma_start3A_13 : memref<50000x32xf32, #tpu.memory_space<hbm>>) target(%arg11 : memref<128x32xf32, #tpu.memory_space<vmem>>) offsets(%arg7 : memref<128xi32, #tpu.memory_space<vmem>>) semaphore(%arg14 : memref<!tpu.dma_semaphore, #tpu.memory_space<semaphore_mem>>)
    %scan3A_14 = arith.constant 0 : i32
    %scan3A_15 = arith.constant 0 : i32
    %scan3A_16 = arith.constant 195 : i32
    %scan3A_17 = arith.addi %scan3A_15, %scan3A_16 : i32
    %scan3A_18 = arith.constant 1 : i32
    %scan3A_19 = scf.for %scan3A_357 = %scan3A_15 to %scan3A_17 step %scan3A_18 iter_args(%scan3A_358 = %scan3A_14) -> (i32)  : i32 {
      %mul3A_359 = arith.constant 2 : i32
      %mul3A_360 = arith.muli %mul3A_359, %scan3A_357 : i32
      %add3A_361 = arith.constant 1 : i32
      %add3A_362 = arith.addi %mul3A_360, %add3A_361 : i32
      %mul3A_363 = arith.constant 16 : i32
      %mul3A_364 = arith.muli %add3A_362, %mul3A_363 : i32
      %add3A_365 = arith.addi %mul3A_364, %arg1 : i32
      %mul3A_366 = arith.constant 128 : i32
      %mul3A_367 = arith.muli %add3A_365, %mul3A_366 : i32
      "tpu.region"() ({
        %run_scoped3A_704 = tpu.sem_alloc : memref<!tpu.dma_semaphore, #tpu.memory_space<semaphore_mem>>
        %dma_start3A_705 = tpu.memref_slice %arg4[%mul3A_367] : memref<800768xi32, #tpu.memory_space<hbm>> -> memref<128xi32, #tpu.memory_space<hbm>>
        %dma_start3A_706 = tpu.memref_slice %arg4[%mul3A_367] : memref<800768xi32, #tpu.memory_space<hbm>> -> memref<128xi32, #tpu.memory_space<hbm>>
        tpu.enqueue_dma source(%dma_start3A_706 : memref<128xi32, #tpu.memory_space<hbm>>) target(%arg8 : memref<128xi32, #tpu.memory_space<vmem>>) target_semaphore(%run_scoped3A_704 : memref<!tpu.dma_semaphore, #tpu.memory_space<semaphore_mem>>)
        %dma_wait3A_707 = tpu.memref_slice %arg4[%mul3A_367] : memref<800768xi32, #tpu.memory_space<hbm>> -> memref<128xi32, #tpu.memory_space<hbm>>
        %dma_wait3A_708 = tpu.memref_slice %arg4[%mul3A_367] : memref<800768xi32, #tpu.memory_space<hbm>> -> memref<128xi32, #tpu.memory_space<hbm>>
        tpu.wait_dma2 semaphore(%run_scoped3A_704 : memref<!tpu.dma_semaphore, #tpu.memory_space<semaphore_mem>>) src(%dma_wait3A_708 : memref<128xi32, #tpu.memory_space<hbm>>) dst(%arg8 : memref<128xi32, #tpu.memory_space<vmem>>)
        tpu.yield
      }) : () -> ()
      %dma_start3A_368 = arith.constant 0 : i32
      %dma_start3A_369 = arith.constant 0 : i32
      %dma_start3A_370 = tpu.memref_slice %arg2[%dma_start3A_368, %dma_start3A_369] : memref<50000x32xf32, #tpu.memory_space<hbm>> -> memref<50000x32xf32, #tpu.memory_space<hbm>>
      tpu.enqueue_indirect_dma source(%dma_start3A_370 : memref<50000x32xf32, #tpu.memory_space<hbm>>) target(%arg12 : memref<128x32xf32, #tpu.memory_space<vmem>>) offsets(%arg8 : memref<128xi32, #tpu.memory_space<vmem>>) semaphore(%arg15 : memref<!tpu.dma_semaphore, #tpu.memory_space<semaphore_mem>>)
      %dma_wait3A_371 = arith.constant 0 : i32
      %dma_wait3A_372 = arith.constant 0 : i32
      %dma_wait3A_373 = tpu.memref_slice %arg2[%dma_wait3A_371, %dma_wait3A_372] : memref<50000x32xf32, #tpu.memory_space<hbm>> -> memref<50000x32xf32, #tpu.memory_space<hbm>>
      tpu.wait_indirect_dma semaphore(%arg14 : memref<!tpu.dma_semaphore, #tpu.memory_space<semaphore_mem>>) src(%dma_wait3A_373 : memref<50000x32xf32, #tpu.memory_space<hbm>>) dst(%arg11 : memref<128x32xf32, #tpu.memory_space<vmem>>)
      %mul3A_374 = arith.constant 16 : i32
      %mul3A_375 = arith.muli %mul3A_360, %mul3A_374 : i32
      %add3A_376 = arith.addi %mul3A_375, %arg1 : i32
      %mul3A_377 = arith.constant 128 : i32
      %mul3A_378 = arith.muli %add3A_376, %mul3A_377 : i32
      "tpu.region"() ({
        %run_scoped3A_704 = tpu.sem_alloc : memref<!tpu.dma_semaphore, #tpu.memory_space<semaphore_mem>>
        %dma_start3A_705 = tpu.memref_slice %arg5[%mul3A_378] : memref<800768xi32, #tpu.memory_space<hbm>> -> memref<128xi32, #tpu.memory_space<hbm>>
        %dma_start3A_706 = tpu.memref_slice %arg5[%mul3A_378] : memref<800768xi32, #tpu.memory_space<hbm>> -> memref<128xi32, #tpu.memory_space<hbm>>
        tpu.enqueue_dma source(%dma_start3A_706 : memref<128xi32, #tpu.memory_space<hbm>>) target(%arg9 : memref<128xi32, #tpu.memory_space<vmem>>) target_semaphore(%run_scoped3A_704 : memref<!tpu.dma_semaphore, #tpu.memory_space<semaphore_mem>>)
        %dma_wait3A_707 = tpu.memref_slice %arg5[%mul3A_378] : memref<800768xi32, #tpu.memory_space<hbm>> -> memref<128xi32, #tpu.memory_space<hbm>>
        %dma_wait3A_708 = tpu.memref_slice %arg5[%mul3A_378] : memref<800768xi32, #tpu.memory_space<hbm>> -> memref<128xi32, #tpu.memory_space<hbm>>
        tpu.wait_dma2 semaphore(%run_scoped3A_704 : memref<!tpu.dma_semaphore, #tpu.memory_space<semaphore_mem>>) src(%dma_wait3A_708 : memref<128xi32, #tpu.memory_space<hbm>>) dst(%arg9 : memref<128xi32, #tpu.memory_space<vmem>>)
        tpu.yield
      }) : () -> ()
      %get3A_379 = arith.constant 0 : index
      %get3A_380 = tpu.vector_load %arg9[%get3A_379] {strides = array<i32>} : memref<128xi32, #tpu.memory_space<vmem>>, vector<16xi32>,
      %get3A_381 = vector.shape_cast %get3A_380 : vector<16xi32> to vector<16xi32>
      %sub3A_382 = vector.broadcast %mul3A_0 : i32 to vector<16xi32>
      %sub3A_383 = arith.subi %get3A_381, %sub3A_382 : vector<16xi32>
      %ge3A_384 = arith.constant 0 : i32
      %ge3A_385 = vector.broadcast %ge3A_384 : i32 to vector<16xi32>
      %ge3A_386 = arith.cmpi sge, %sub3A_383, %ge3A_385 : vector<16xi32>
      %lt3A_387 = arith.constant 25000 : i32
      %lt3A_388 = vector.broadcast %lt3A_387 : i32 to vector<16xi32>
      %lt3A_389 = arith.cmpi slt, %sub3A_383, %lt3A_388 : vector<16xi32>
      %and3A_390 = arith.andi %ge3A_386, %lt3A_389 : vector<16xi1>
      %jit3A_391 = arith.constant 25000 : i32
      %broadcast_in_dim3A_392 = vector.broadcast %jit3A_391 : i32 to vector<16xi32>
      %select_n3A_393 = arith.select %and3A_390, %sub3A_383, %broadcast_in_dim3A_392 : vector<16xi1>, vector<16xi32>
      %swap3A_394 = arith.constant 0 : index
      %swap3A_395 = tpu.vector_load %arg10[%swap3A_394] {strides = array<i32>} : memref<128xi32, #tpu.memory_space<vmem>>, vector<16xi32>,
      %swap3A_396 = vector.shape_cast %swap3A_395 : vector<16xi32> to vector<16xi32>
      %swap3A_397 = vector.shape_cast %select_n3A_393 : vector<16xi32> to vector<16xi32>
      tpu.vector_store %arg10[%swap3A_394], %swap3A_397 {strides = array<i32>} : memref<128xi32, #tpu.memory_space<vmem>>, vector<16xi32>,
      %get3A_398 = arith.constant 16 : index
      %get3A_399 = tpu.vector_load %arg9[%get3A_398] {strides = array<i32>} : memref<128xi32, #tpu.memory_space<vmem>>, vector<16xi32>,
      %get3A_400 = vector.shape_cast %get3A_399 : vector<16xi32> to vector<16xi32>
      %sub3A_401 = vector.broadcast %mul3A_0 : i32 to vector<16xi32>
      %sub3A_402 = arith.subi %get3A_400, %sub3A_401 : vector<16xi32>
      %ge3A_403 = arith.constant 0 : i32
      %ge3A_404 = vector.broadcast %ge3A_403 : i32 to vector<16xi32>
      %ge3A_405 = arith.cmpi sge, %sub3A_402, %ge3A_404 : vector<16xi32>
      %lt3A_406 = arith.constant 25000 : i32
      %lt3A_407 = vector.broadcast %lt3A_406 : i32 to vector<16xi32>
      %lt3A_408 = arith.cmpi slt, %sub3A_402, %lt3A_407 : vector<16xi32>
      %and3A_409 = arith.andi %ge3A_405, %lt3A_408 : vector<16xi1>
      %jit3A_410 = arith.constant 25000 : i32
      %broadcast_in_dim3A_411 = vector.broadcast %jit3A_410 : i32 to vector<16xi32>
      %select_n3A_412 = arith.select %and3A_409, %sub3A_402, %broadcast_in_dim3A_411 : vector<16xi1>, vector<16xi32>
      %swap3A_413 = arith.constant 16 : index
      %swap3A_414 = tpu.vector_load %arg10[%swap3A_413] {strides = array<i32>} : memref<128xi32, #tpu.memory_space<vmem>>, vector<16xi32>,
      %swap3A_415 = vector.shape_cast %swap3A_414 : vector<16xi32> to vector<16xi32>
      %swap3A_416 = vector.shape_cast %select_n3A_412 : vector<16xi32> to vector<16xi32>
      tpu.vector_store %arg10[%swap3A_413], %swap3A_416 {strides = array<i32>} : memref<128xi32, #tpu.memory_space<vmem>>, vector<16xi32>,
      %get3A_417 = arith.constant 32 : index
      %get3A_418 = tpu.vector_load %arg9[%get3A_417] {strides = array<i32>} : memref<128xi32, #tpu.memory_space<vmem>>, vector<16xi32>,
      %get3A_419 = vector.shape_cast %get3A_418 : vector<16xi32> to vector<16xi32>
      %sub3A_420 = vector.broadcast %mul3A_0 : i32 to vector<16xi32>
      %sub3A_421 = arith.subi %get3A_419, %sub3A_420 : vector<16xi32>
      %ge3A_422 = arith.constant 0 : i32
      %ge3A_423 = vector.broadcast %ge3A_422 : i32 to vector<16xi32>
      %ge3A_424 = arith.cmpi sge, %sub3A_421, %ge3A_423 : vector<16xi32>
      %lt3A_425 = arith.constant 25000 : i32
      %lt3A_426 = vector.broadcast %lt3A_425 : i32 to vector<16xi32>
      %lt3A_427 = arith.cmpi slt, %sub3A_421, %lt3A_426 : vector<16xi32>
      %and3A_428 = arith.andi %ge3A_424, %lt3A_427 : vector<16xi1>
      %jit3A_429 = arith.constant 25000 : i32
      %broadcast_in_dim3A_430 = vector.broadcast %jit3A_429 : i32 to vector<16xi32>
      %select_n3A_431 = arith.select %and3A_428, %sub3A_421, %broadcast_in_dim3A_430 : vector<16xi1>, vector<16xi32>
      %swap3A_432 = arith.constant 32 : index
      %swap3A_433 = tpu.vector_load %arg10[%swap3A_432] {strides = array<i32>} : memref<128xi32, #tpu.memory_space<vmem>>, vector<16xi32>,
      %swap3A_434 = vector.shape_cast %swap3A_433 : vector<16xi32> to vector<16xi32>
      %swap3A_435 = vector.shape_cast %select_n3A_431 : vector<16xi32> to vector<16xi32>
      tpu.vector_store %arg10[%swap3A_432], %swap3A_435 {strides = array<i32>} : memref<128xi32, #tpu.memory_space<vmem>>, vector<16xi32>,
      %get3A_436 = arith.constant 48 : index
      %get3A_437 = tpu.vector_load %arg9[%get3A_436] {strides = array<i32>} : memref<128xi32, #tpu.memory_space<vmem>>, vector<16xi32>,
      %get3A_438 = vector.shape_cast %get3A_437 : vector<16xi32> to vector<16xi32>
      %sub3A_439 = vector.broadcast %mul3A_0 : i32 to vector<16xi32>
      %sub3A_440 = arith.subi %get3A_438, %sub3A_439 : vector<16xi32>
      %ge3A_441 = arith.constant 0 : i32
      %ge3A_442 = vector.broadcast %ge3A_441 : i32 to vector<16xi32>
      %ge3A_443 = arith.cmpi sge, %sub3A_440, %ge3A_442 : vector<16xi32>
      %lt3A_444 = arith.constant 25000 : i32
      %lt3A_445 = vector.broadcast %lt3A_444 : i32 to vector<16xi32>
      %lt3A_446 = arith.cmpi slt, %sub3A_440, %lt3A_445 : vector<16xi32>
      %and3A_447 = arith.andi %ge3A_443, %lt3A_446 : vector<16xi1>
      %jit3A_448 = arith.constant 25000 : i32
      %broadcast_in_dim3A_449 = vector.broadcast %jit3A_448 : i32 to vector<16xi32>
      %select_n3A_450 = arith.select %and3A_447, %sub3A_440, %broadcast_in_dim3A_449 : vector<16xi1>, vector<16xi32>
      %swap3A_451 = arith.constant 48 : index
      %swap3A_452 = tpu.vector_load %arg10[%swap3A_451] {strides = array<i32>} : memref<128xi32, #tpu.memory_space<vmem>>, vector<16xi32>,
      %swap3A_453 = vector.shape_cast %swap3A_452 : vector<16xi32> to vector<16xi32>
      %swap3A_454 = vector.shape_cast %select_n3A_450 : vector<16xi32> to vector<16xi32>
      tpu.vector_store %arg10[%swap3A_451], %swap3A_454 {strides = array<i32>} : memref<128xi32, #tpu.memory_space<vmem>>, vector<16xi32>,
      %get3A_455 = arith.constant 64 : index
      %get3A_456 = tpu.vector_load %arg9[%get3A_455] {strides = array<i32>} : memref<128xi32, #tpu.memory_space<vmem>>, vector<16xi32>,
      %get3A_457 = vector.shape_cast %get3A_456 : vector<16xi32> to vector<16xi32>
      %sub3A_458 = vector.broadcast %mul3A_0 : i32 to vector<16xi32>
      %sub3A_459 = arith.subi %get3A_457, %sub3A_458 : vector<16xi32>
      %ge3A_460 = arith.constant 0 : i32
      %ge3A_461 = vector.broadcast %ge3A_460 : i32 to vector<16xi32>
      %ge3A_462 = arith.cmpi sge, %sub3A_459, %ge3A_461 : vector<16xi32>
      %lt3A_463 = arith.constant 25000 : i32
      %lt3A_464 = vector.broadcast %lt3A_463 : i32 to vector<16xi32>
      %lt3A_465 = arith.cmpi slt, %sub3A_459, %lt3A_464 : vector<16xi32>
      %and3A_466 = arith.andi %ge3A_462, %lt3A_465 : vector<16xi1>
      %jit3A_467 = arith.constant 25000 : i32
      %broadcast_in_dim3A_468 = vector.broadcast %jit3A_467 : i32 to vector<16xi32>
      %select_n3A_469 = arith.select %and3A_466, %sub3A_459, %broadcast_in_dim3A_468 : vector<16xi1>, vector<16xi32>
      %swap3A_470 = arith.constant 64 : index
      %swap3A_471 = tpu.vector_load %arg10[%swap3A_470] {strides = array<i32>} : memref<128xi32, #tpu.memory_space<vmem>>, vector<16xi32>,
      %swap3A_472 = vector.shape_cast %swap3A_471 : vector<16xi32> to vector<16xi32>
      %swap3A_473 = vector.shape_cast %select_n3A_469 : vector<16xi32> to vector<16xi32>
      tpu.vector_store %arg10[%swap3A_470], %swap3A_473 {strides = array<i32>} : memref<128xi32, #tpu.memory_space<vmem>>, vector<16xi32>,
      %get3A_474 = arith.constant 80 : index
      %get3A_475 = tpu.vector_load %arg9[%get3A_474] {strides = array<i32>} : memref<128xi32, #tpu.memory_space<vmem>>, vector<16xi32>,
      %get3A_476 = vector.shape_cast %get3A_475 : vector<16xi32> to vector<16xi32>
      %sub3A_477 = vector.broadcast %mul3A_0 : i32 to vector<16xi32>
      %sub3A_478 = arith.subi %get3A_476, %sub3A_477 : vector<16xi32>
      %ge3A_479 = arith.constant 0 : i32
      %ge3A_480 = vector.broadcast %ge3A_479 : i32 to vector<16xi32>
      %ge3A_481 = arith.cmpi sge, %sub3A_478, %ge3A_480 : vector<16xi32>
      %lt3A_482 = arith.constant 25000 : i32
      %lt3A_483 = vector.broadcast %lt3A_482 : i32 to vector<16xi32>
      %lt3A_484 = arith.cmpi slt, %sub3A_478, %lt3A_483 : vector<16xi32>
      %and3A_485 = arith.andi %ge3A_481, %lt3A_484 : vector<16xi1>
      %jit3A_486 = arith.constant 25000 : i32
      %broadcast_in_dim3A_487 = vector.broadcast %jit3A_486 : i32 to vector<16xi32>
      %select_n3A_488 = arith.select %and3A_485, %sub3A_478, %broadcast_in_dim3A_487 : vector<16xi1>, vector<16xi32>
      %swap3A_489 = arith.constant 80 : index
      %swap3A_490 = tpu.vector_load %arg10[%swap3A_489] {strides = array<i32>} : memref<128xi32, #tpu.memory_space<vmem>>, vector<16xi32>,
      %swap3A_491 = vector.shape_cast %swap3A_490 : vector<16xi32> to vector<16xi32>
      %swap3A_492 = vector.shape_cast %select_n3A_488 : vector<16xi32> to vector<16xi32>
      tpu.vector_store %arg10[%swap3A_489], %swap3A_492 {strides = array<i32>} : memref<128xi32, #tpu.memory_space<vmem>>, vector<16xi32>,
      %get3A_493 = arith.constant 96 : index
      %get3A_494 = tpu.vector_load %arg9[%get3A_493] {strides = array<i32>} : memref<128xi32, #tpu.memory_space<vmem>>, vector<16xi32>,
      %get3A_495 = vector.shape_cast %get3A_494 : vector<16xi32> to vector<16xi32>
      %sub3A_496 = vector.broadcast %mul3A_0 : i32 to vector<16xi32>
      %sub3A_497 = arith.subi %get3A_495, %sub3A_496 : vector<16xi32>
      %ge3A_498 = arith.constant 0 : i32
      %ge3A_499 = vector.broadcast %ge3A_498 : i32 to vector<16xi32>
      %ge3A_500 = arith.cmpi sge, %sub3A_497, %ge3A_499 : vector<16xi32>
      %lt3A_501 = arith.constant 25000 : i32
      %lt3A_502 = vector.broadcast %lt3A_501 : i32 to vector<16xi32>
      %lt3A_503 = arith.cmpi slt, %sub3A_497, %lt3A_502 : vector<16xi32>
      %and3A_504 = arith.andi %ge3A_500, %lt3A_503 : vector<16xi1>
      %jit3A_505 = arith.constant 25000 : i32
      %broadcast_in_dim3A_506 = vector.broadcast %jit3A_505 : i32 to vector<16xi32>
      %select_n3A_507 = arith.select %and3A_504, %sub3A_497, %broadcast_in_dim3A_506 : vector<16xi1>, vector<16xi32>
      %swap3A_508 = arith.constant 96 : index
      %swap3A_509 = tpu.vector_load %arg10[%swap3A_508] {strides = array<i32>} : memref<128xi32, #tpu.memory_space<vmem>>, vector<16xi32>,
      %swap3A_510 = vector.shape_cast %swap3A_509 : vector<16xi32> to vector<16xi32>
      %swap3A_511 = vector.shape_cast %select_n3A_507 : vector<16xi32> to vector<16xi32>
      tpu.vector_store %arg10[%swap3A_508], %swap3A_511 {strides = array<i32>} : memref<128xi32, #tpu.memory_space<vmem>>, vector<16xi32>,
      %get3A_512 = arith.constant 112 : index
      %get3A_513 = tpu.vector_load %arg9[%get3A_512] {strides = array<i32>} : memref<128xi32, #tpu.memory_space<vmem>>, vector<16xi32>,
      %get3A_514 = vector.shape_cast %get3A_513 : vector<16xi32> to vector<16xi32>
      %sub3A_515 = vector.broadcast %mul3A_0 : i32 to vector<16xi32>
      %sub3A_516 = arith.subi %get3A_514, %sub3A_515 : vector<16xi32>
      %ge3A_517 = arith.constant 0 : i32
      %ge3A_518 = vector.broadcast %ge3A_517 : i32 to vector<16xi32>
      %ge3A_519 = arith.cmpi sge, %sub3A_516, %ge3A_518 : vector<16xi32>
      %lt3A_520 = arith.constant 25000 : i32
      %lt3A_521 = vector.broadcast %lt3A_520 : i32 to vector<16xi32>
      %lt3A_522 = arith.cmpi slt, %sub3A_516, %lt3A_521 : vector<16xi32>
      %and3A_523 = arith.andi %ge3A_519, %lt3A_522 : vector<16xi1>
      %jit3A_524 = arith.constant 25000 : i32
      %broadcast_in_dim3A_525 = vector.broadcast %jit3A_524 : i32 to vector<16xi32>
      %select_n3A_526 = arith.select %and3A_523, %sub3A_516, %broadcast_in_dim3A_525 : vector<16xi1>, vector<16xi32>
      %swap3A_527 = arith.constant 112 : index
      %swap3A_528 = tpu.vector_load %arg10[%swap3A_527] {strides = array<i32>} : memref<128xi32, #tpu.memory_space<vmem>>, vector<16xi32>,
      %swap3A_529 = vector.shape_cast %swap3A_528 : vector<16xi32> to vector<16xi32>
      %swap3A_530 = vector.shape_cast %select_n3A_526 : vector<16xi32> to vector<16xi32>
      tpu.vector_store %arg10[%swap3A_527], %swap3A_530 {strides = array<i32>} : memref<128xi32, #tpu.memory_space<vmem>>, vector<16xi32>,
      "tpu.region"() ({
        %run_scoped3A_704 = tpu.sem_alloc : memref<!tpu.dma_semaphore, #tpu.memory_space<semaphore_mem>>
        %dma_start3A_705 = arith.constant 0 : i32
        %dma_start3A_706 = arith.constant 0 : i32
        %dma_start3A_707 = tpu.memref_slice %arg16[%dma_start3A_705, %dma_start3A_706] : memref<25088x32xf32, #tpu.memory_space<vmem_shared>> -> memref<25088x32xf32, #tpu.memory_space<vmem_shared>>
        tpu.enqueue_indirect_dma source(%arg11 : memref<128x32xf32, #tpu.memory_space<vmem>>) target(%dma_start3A_707 : memref<25088x32xf32, #tpu.memory_space<vmem_shared>>) offsets(%arg10 : memref<128xi32, #tpu.memory_space<vmem>>) semaphore(%run_scoped3A_704 : memref<!tpu.dma_semaphore, #tpu.memory_space<semaphore_mem>>) {add = true}
        %dma_wait3A_708 = arith.constant 0 : i32
        %dma_wait3A_709 = arith.constant 0 : i32
        %dma_wait3A_710 = tpu.memref_slice %arg16[%dma_wait3A_708, %dma_wait3A_709] : memref<25088x32xf32, #tpu.memory_space<vmem_shared>> -> memref<25088x32xf32, #tpu.memory_space<vmem_shared>>
        tpu.wait_indirect_dma semaphore(%run_scoped3A_704 : memref<!tpu.dma_semaphore, #tpu.memory_space<semaphore_mem>>) src(%arg11 : memref<128x32xf32, #tpu.memory_space<vmem>>) dst(%dma_wait3A_710 : memref<25088x32xf32, #tpu.memory_space<vmem_shared>>)
        tpu.yield
      }) : () -> ()
      %add3A_531 = arith.constant 2 : i32
      %add3A_532 = arith.addi %mul3A_360, %add3A_531 : i32
      %mul3A_533 = arith.constant 16 : i32
      %mul3A_534 = arith.muli %add3A_532, %mul3A_533 : i32
      %add3A_535 = arith.addi %mul3A_534, %arg1 : i32
      %mul3A_536 = arith.constant 128 : i32
      %mul3A_537 = arith.muli %add3A_535, %mul3A_536 : i32
      "tpu.region"() ({
        %run_scoped3A_704 = tpu.sem_alloc : memref<!tpu.dma_semaphore, #tpu.memory_space<semaphore_mem>>
        %dma_start3A_705 = tpu.memref_slice %arg4[%mul3A_537] : memref<800768xi32, #tpu.memory_space<hbm>> -> memref<128xi32, #tpu.memory_space<hbm>>
        %dma_start3A_706 = tpu.memref_slice %arg4[%mul3A_537] : memref<800768xi32, #tpu.memory_space<hbm>> -> memref<128xi32, #tpu.memory_space<hbm>>
        tpu.enqueue_dma source(%dma_start3A_706 : memref<128xi32, #tpu.memory_space<hbm>>) target(%arg7 : memref<128xi32, #tpu.memory_space<vmem>>) target_semaphore(%run_scoped3A_704 : memref<!tpu.dma_semaphore, #tpu.memory_space<semaphore_mem>>)
        %dma_wait3A_707 = tpu.memref_slice %arg4[%mul3A_537] : memref<800768xi32, #tpu.memory_space<hbm>> -> memref<128xi32, #tpu.memory_space<hbm>>
        %dma_wait3A_708 = tpu.memref_slice %arg4[%mul3A_537] : memref<800768xi32, #tpu.memory_space<hbm>> -> memref<128xi32, #tpu.memory_space<hbm>>
        tpu.wait_dma2 semaphore(%run_scoped3A_704 : memref<!tpu.dma_semaphore, #tpu.memory_space<semaphore_mem>>) src(%dma_wait3A_708 : memref<128xi32, #tpu.memory_space<hbm>>) dst(%arg7 : memref<128xi32, #tpu.memory_space<vmem>>)
        tpu.yield
      }) : () -> ()
      %dma_start3A_538 = arith.constant 0 : i32
      %dma_start3A_539 = arith.constant 0 : i32
      %dma_start3A_540 = tpu.memref_slice %arg2[%dma_start3A_538, %dma_start3A_539] : memref<50000x32xf32, #tpu.memory_space<hbm>> -> memref<50000x32xf32, #tpu.memory_space<hbm>>
      tpu.enqueue_indirect_dma source(%dma_start3A_540 : memref<50000x32xf32, #tpu.memory_space<hbm>>) target(%arg11 : memref<128x32xf32, #tpu.memory_space<vmem>>) offsets(%arg7 : memref<128xi32, #tpu.memory_space<vmem>>) semaphore(%arg14 : memref<!tpu.dma_semaphore, #tpu.memory_space<semaphore_mem>>)
      %add3A_541 = arith.constant 1 : i32
      %add3A_542 = arith.addi %mul3A_360, %add3A_541 : i32
      %dma_wait3A_543 = arith.constant 0 : i32
      %dma_wait3A_544 = arith.constant 0 : i32
      %dma_wait3A_545 = tpu.memref_slice %arg2[%dma_wait3A_543, %dma_wait3A_544] : memref<50000x32xf32, #tpu.memory_space<hbm>> -> memref<50000x32xf32, #tpu.memory_space<hbm>>
      tpu.wait_indirect_dma semaphore(%arg15 : memref<!tpu.dma_semaphore, #tpu.memory_space<semaphore_mem>>) src(%dma_wait3A_545 : memref<50000x32xf32, #tpu.memory_space<hbm>>) dst(%arg12 : memref<128x32xf32, #tpu.memory_space<vmem>>)
      %mul3A_546 = arith.constant 16 : i32
      %mul3A_547 = arith.muli %add3A_542, %mul3A_546 : i32
      %add3A_548 = arith.addi %mul3A_547, %arg1 : i32
      %mul3A_549 = arith.constant 128 : i32
      %mul3A_550 = arith.muli %add3A_548, %mul3A_549 : i32
      "tpu.region"() ({
        %run_scoped3A_704 = tpu.sem_alloc : memref<!tpu.dma_semaphore, #tpu.memory_space<semaphore_mem>>
        %dma_start3A_705 = tpu.memref_slice %arg5[%mul3A_550] : memref<800768xi32, #tpu.memory_space<hbm>> -> memref<128xi32, #tpu.memory_space<hbm>>
        %dma_start3A_706 = tpu.memref_slice %arg5[%mul3A_550] : memref<800768xi32, #tpu.memory_space<hbm>> -> memref<128xi32, #tpu.memory_space<hbm>>
        tpu.enqueue_dma source(%dma_start3A_706 : memref<128xi32, #tpu.memory_space<hbm>>) target(%arg9 : memref<128xi32, #tpu.memory_space<vmem>>) target_semaphore(%run_scoped3A_704 : memref<!tpu.dma_semaphore, #tpu.memory_space<semaphore_mem>>)
        %dma_wait3A_707 = tpu.memref_slice %arg5[%mul3A_550] : memref<800768xi32, #tpu.memory_space<hbm>> -> memref<128xi32, #tpu.memory_space<hbm>>
        %dma_wait3A_708 = tpu.memref_slice %arg5[%mul3A_550] : memref<800768xi32, #tpu.memory_space<hbm>> -> memref<128xi32, #tpu.memory_space<hbm>>
        tpu.wait_dma2 semaphore(%run_scoped3A_704 : memref<!tpu.dma_semaphore, #tpu.memory_space<semaphore_mem>>) src(%dma_wait3A_708 : memref<128xi32, #tpu.memory_space<hbm>>) dst(%arg9 : memref<128xi32, #tpu.memory_space<vmem>>)
        tpu.yield
      }) : () -> ()
      %get3A_551 = arith.constant 0 : index
      %get3A_552 = tpu.vector_load %arg9[%get3A_551] {strides = array<i32>} : memref<128xi32, #tpu.memory_space<vmem>>, vector<16xi32>,
      %get3A_553 = vector.shape_cast %get3A_552 : vector<16xi32> to vector<16xi32>
      %sub3A_554 = vector.broadcast %mul3A_0 : i32 to vector<16xi32>
      %sub3A_555 = arith.subi %get3A_553, %sub3A_554 : vector<16xi32>
      %ge3A_556 = arith.constant 0 : i32
      %ge3A_557 = vector.broadcast %ge3A_556 : i32 to vector<16xi32>
      %ge3A_558 = arith.cmpi sge, %sub3A_555, %ge3A_557 : vector<16xi32>
      %lt3A_559 = arith.constant 25000 : i32
      %lt3A_560 = vector.broadcast %lt3A_559 : i32 to vector<16xi32>
      %lt3A_561 = arith.cmpi slt, %sub3A_555, %lt3A_560 : vector<16xi32>
      %and3A_562 = arith.andi %ge3A_558, %lt3A_561 : vector<16xi1>
      %jit3A_563 = arith.constant 25000 : i32
      %broadcast_in_dim3A_564 = vector.broadcast %jit3A_563 : i32 to vector<16xi32>
      %select_n3A_565 = arith.select %and3A_562, %sub3A_555, %broadcast_in_dim3A_564 : vector<16xi1>, vector<16xi32>
      %swap3A_566 = arith.constant 0 : index
      %swap3A_567 = tpu.vector_load %arg10[%swap3A_566] {strides = array<i32>} : memref<128xi32, #tpu.memory_space<vmem>>, vector<16xi32>,
      %swap3A_568 = vector.shape_cast %swap3A_567 : vector<16xi32> to vector<16xi32>
      %swap3A_569 = vector.shape_cast %select_n3A_565 : vector<16xi32> to vector<16xi32>
      tpu.vector_store %arg10[%swap3A_566], %swap3A_569 {strides = array<i32>} : memref<128xi32, #tpu.memory_space<vmem>>, vector<16xi32>,
      %get3A_570 = arith.constant 16 : index
      %get3A_571 = tpu.vector_load %arg9[%get3A_570] {strides = array<i32>} : memref<128xi32, #tpu.memory_space<vmem>>, vector<16xi32>,
      %get3A_572 = vector.shape_cast %get3A_571 : vector<16xi32> to vector<16xi32>
      %sub3A_573 = vector.broadcast %mul3A_0 : i32 to vector<16xi32>
      %sub3A_574 = arith.subi %get3A_572, %sub3A_573 : vector<16xi32>
      %ge3A_575 = arith.constant 0 : i32
      %ge3A_576 = vector.broadcast %ge3A_575 : i32 to vector<16xi32>
      %ge3A_577 = arith.cmpi sge, %sub3A_574, %ge3A_576 : vector<16xi32>
      %lt3A_578 = arith.constant 25000 : i32
      %lt3A_579 = vector.broadcast %lt3A_578 : i32 to vector<16xi32>
      %lt3A_580 = arith.cmpi slt, %sub3A_574, %lt3A_579 : vector<16xi32>
      %and3A_581 = arith.andi %ge3A_577, %lt3A_580 : vector<16xi1>
      %jit3A_582 = arith.constant 25000 : i32
      %broadcast_in_dim3A_583 = vector.broadcast %jit3A_582 : i32 to vector<16xi32>
      %select_n3A_584 = arith.select %and3A_581, %sub3A_574, %broadcast_in_dim3A_583 : vector<16xi1>, vector<16xi32>
      %swap3A_585 = arith.constant 16 : index
      %swap3A_586 = tpu.vector_load %arg10[%swap3A_585] {strides = array<i32>} : memref<128xi32, #tpu.memory_space<vmem>>, vector<16xi32>,
      %swap3A_587 = vector.shape_cast %swap3A_586 : vector<16xi32> to vector<16xi32>
      %swap3A_588 = vector.shape_cast %select_n3A_584 : vector<16xi32> to vector<16xi32>
      tpu.vector_store %arg10[%swap3A_585], %swap3A_588 {strides = array<i32>} : memref<128xi32, #tpu.memory_space<vmem>>, vector<16xi32>,
      %get3A_589 = arith.constant 32 : index
      %get3A_590 = tpu.vector_load %arg9[%get3A_589] {strides = array<i32>} : memref<128xi32, #tpu.memory_space<vmem>>, vector<16xi32>,
      %get3A_591 = vector.shape_cast %get3A_590 : vector<16xi32> to vector<16xi32>
      %sub3A_592 = vector.broadcast %mul3A_0 : i32 to vector<16xi32>
      %sub3A_593 = arith.subi %get3A_591, %sub3A_592 : vector<16xi32>
      %ge3A_594 = arith.constant 0 : i32
      %ge3A_595 = vector.broadcast %ge3A_594 : i32 to vector<16xi32>
      %ge3A_596 = arith.cmpi sge, %sub3A_593, %ge3A_595 : vector<16xi32>
      %lt3A_597 = arith.constant 25000 : i32
      %lt3A_598 = vector.broadcast %lt3A_597 : i32 to vector<16xi32>
      %lt3A_599 = arith.cmpi slt, %sub3A_593, %lt3A_598 : vector<16xi32>
      %and3A_600 = arith.andi %ge3A_596, %lt3A_599 : vector<16xi1>
      %jit3A_601 = arith.constant 25000 : i32
      %broadcast_in_dim3A_602 = vector.broadcast %jit3A_601 : i32 to vector<16xi32>
      %select_n3A_603 = arith.select %and3A_600, %sub3A_593, %broadcast_in_dim3A_602 : vector<16xi1>, vector<16xi32>
      %swap3A_604 = arith.constant 32 : index
      %swap3A_605 = tpu.vector_load %arg10[%swap3A_604] {strides = array<i32>} : memref<128xi32, #tpu.memory_space<vmem>>, vector<16xi32>,
      %swap3A_606 = vector.shape_cast %swap3A_605 : vector<16xi32> to vector<16xi32>
      %swap3A_607 = vector.shape_cast %select_n3A_603 : vector<16xi32> to vector<16xi32>
      tpu.vector_store %arg10[%swap3A_604], %swap3A_607 {strides = array<i32>} : memref<128xi32, #tpu.memory_space<vmem>>, vector<16xi32>,
      %get3A_608 = arith.constant 48 : index
      %get3A_609 = tpu.vector_load %arg9[%get3A_608] {strides = array<i32>} : memref<128xi32, #tpu.memory_space<vmem>>, vector<16xi32>,
      %get3A_610 = vector.shape_cast %get3A_609 : vector<16xi32> to vector<16xi32>
      %sub3A_611 = vector.broadcast %mul3A_0 : i32 to vector<16xi32>
      %sub3A_612 = arith.subi %get3A_610, %sub3A_611 : vector<16xi32>
      %ge3A_613 = arith.constant 0 : i32
      %ge3A_614 = vector.broadcast %ge3A_613 : i32 to vector<16xi32>
      %ge3A_615 = arith.cmpi sge, %sub3A_612, %ge3A_614 : vector<16xi32>
      %lt3A_616 = arith.constant 25000 : i32
      %lt3A_617 = vector.broadcast %lt3A_616 : i32 to vector<16xi32>
      %lt3A_618 = arith.cmpi slt, %sub3A_612, %lt3A_617 : vector<16xi32>
      %and3A_619 = arith.andi %ge3A_615, %lt3A_618 : vector<16xi1>
      %jit3A_620 = arith.constant 25000 : i32
      %broadcast_in_dim3A_621 = vector.broadcast %jit3A_620 : i32 to vector<16xi32>
      %select_n3A_622 = arith.select %and3A_619, %sub3A_612, %broadcast_in_dim3A_621 : vector<16xi1>, vector<16xi32>
      %swap3A_623 = arith.constant 48 : index
      %swap3A_624 = tpu.vector_load %arg10[%swap3A_623] {strides = array<i32>} : memref<128xi32, #tpu.memory_space<vmem>>, vector<16xi32>,
      %swap3A_625 = vector.shape_cast %swap3A_624 : vector<16xi32> to vector<16xi32>
      %swap3A_626 = vector.shape_cast %select_n3A_622 : vector<16xi32> to vector<16xi32>
      tpu.vector_store %arg10[%swap3A_623], %swap3A_626 {strides = array<i32>} : memref<128xi32, #tpu.memory_space<vmem>>, vector<16xi32>,
      %get3A_627 = arith.constant 64 : index
      %get3A_628 = tpu.vector_load %arg9[%get3A_627] {strides = array<i32>} : memref<128xi32, #tpu.memory_space<vmem>>, vector<16xi32>,
      %get3A_629 = vector.shape_cast %get3A_628 : vector<16xi32> to vector<16xi32>
      %sub3A_630 = vector.broadcast %mul3A_0 : i32 to vector<16xi32>
      %sub3A_631 = arith.subi %get3A_629, %sub3A_630 : vector<16xi32>
      %ge3A_632 = arith.constant 0 : i32
      %ge3A_633 = vector.broadcast %ge3A_632 : i32 to vector<16xi32>
      %ge3A_634 = arith.cmpi sge, %sub3A_631, %ge3A_633 : vector<16xi32>
      %lt3A_635 = arith.constant 25000 : i32
      %lt3A_636 = vector.broadcast %lt3A_635 : i32 to vector<16xi32>
      %lt3A_637 = arith.cmpi slt, %sub3A_631, %lt3A_636 : vector<16xi32>
      %and3A_638 = arith.andi %ge3A_634, %lt3A_637 : vector<16xi1>
      %jit3A_639 = arith.constant 25000 : i32
      %broadcast_in_dim3A_640 = vector.broadcast %jit3A_639 : i32 to vector<16xi32>
      %select_n3A_641 = arith.select %and3A_638, %sub3A_631, %broadcast_in_dim3A_640 : vector<16xi1>, vector<16xi32>
      %swap3A_642 = arith.constant 64 : index
      %swap3A_643 = tpu.vector_load %arg10[%swap3A_642] {strides = array<i32>} : memref<128xi32, #tpu.memory_space<vmem>>, vector<16xi32>,
      %swap3A_644 = vector.shape_cast %swap3A_643 : vector<16xi32> to vector<16xi32>
      %swap3A_645 = vector.shape_cast %select_n3A_641 : vector<16xi32> to vector<16xi32>
      tpu.vector_store %arg10[%swap3A_642], %swap3A_645 {strides = array<i32>} : memref<128xi32, #tpu.memory_space<vmem>>, vector<16xi32>,
      %get3A_646 = arith.constant 80 : index
      %get3A_647 = tpu.vector_load %arg9[%get3A_646] {strides = array<i32>} : memref<128xi32, #tpu.memory_space<vmem>>, vector<16xi32>,
      %get3A_648 = vector.shape_cast %get3A_647 : vector<16xi32> to vector<16xi32>
      %sub3A_649 = vector.broadcast %mul3A_0 : i32 to vector<16xi32>
      %sub3A_650 = arith.subi %get3A_648, %sub3A_649 : vector<16xi32>
      %ge3A_651 = arith.constant 0 : i32
      %ge3A_652 = vector.broadcast %ge3A_651 : i32 to vector<16xi32>
      %ge3A_653 = arith.cmpi sge, %sub3A_650, %ge3A_652 : vector<16xi32>
      %lt3A_654 = arith.constant 25000 : i32
      %lt3A_655 = vector.broadcast %lt3A_654 : i32 to vector<16xi32>
      %lt3A_656 = arith.cmpi slt, %sub3A_650, %lt3A_655 : vector<16xi32>
      %and3A_657 = arith.andi %ge3A_653, %lt3A_656 : vector<16xi1>
      %jit3A_658 = arith.constant 25000 : i32
      %broadcast_in_dim3A_659 = vector.broadcast %jit3A_658 : i32 to vector<16xi32>
      %select_n3A_660 = arith.select %and3A_657, %sub3A_650, %broadcast_in_dim3A_659 : vector<16xi1>, vector<16xi32>
      %swap3A_661 = arith.constant 80 : index
      %swap3A_662 = tpu.vector_load %arg10[%swap3A_661] {strides = array<i32>} : memref<128xi32, #tpu.memory_space<vmem>>, vector<16xi32>,
      %swap3A_663 = vector.shape_cast %swap3A_662 : vector<16xi32> to vector<16xi32>
      %swap3A_664 = vector.shape_cast %select_n3A_660 : vector<16xi32> to vector<16xi32>
      tpu.vector_store %arg10[%swap3A_661], %swap3A_664 {strides = array<i32>} : memref<128xi32, #tpu.memory_space<vmem>>, vector<16xi32>,
      %get3A_665 = arith.constant 96 : index
      %get3A_666 = tpu.vector_load %arg9[%get3A_665] {strides = array<i32>} : memref<128xi32, #tpu.memory_space<vmem>>, vector<16xi32>,
      %get3A_667 = vector.shape_cast %get3A_666 : vector<16xi32> to vector<16xi32>
      %sub3A_668 = vector.broadcast %mul3A_0 : i32 to vector<16xi32>
      %sub3A_669 = arith.subi %get3A_667, %sub3A_668 : vector<16xi32>
      %ge3A_670 = arith.constant 0 : i32
      %ge3A_671 = vector.broadcast %ge3A_670 : i32 to vector<16xi32>
      %ge3A_672 = arith.cmpi sge, %sub3A_669, %ge3A_671 : vector<16xi32>
      %lt3A_673 = arith.constant 25000 : i32
      %lt3A_674 = vector.broadcast %lt3A_673 : i32 to vector<16xi32>
      %lt3A_675 = arith.cmpi slt, %sub3A_669, %lt3A_674 : vector<16xi32>
      %and3A_676 = arith.andi %ge3A_672, %lt3A_675 : vector<16xi1>
      %jit3A_677 = arith.constant 25000 : i32
      %broadcast_in_dim3A_678 = vector.broadcast %jit3A_677 : i32 to vector<16xi32>
      %select_n3A_679 = arith.select %and3A_676, %sub3A_669, %broadcast_in_dim3A_678 : vector<16xi1>, vector<16xi32>
      %swap3A_680 = arith.constant 96 : index
      %swap3A_681 = tpu.vector_load %arg10[%swap3A_680] {strides = array<i32>} : memref<128xi32, #tpu.memory_space<vmem>>, vector<16xi32>,
      %swap3A_682 = vector.shape_cast %swap3A_681 : vector<16xi32> to vector<16xi32>
      %swap3A_683 = vector.shape_cast %select_n3A_679 : vector<16xi32> to vector<16xi32>
      tpu.vector_store %arg10[%swap3A_680], %swap3A_683 {strides = array<i32>} : memref<128xi32, #tpu.memory_space<vmem>>, vector<16xi32>,
      %get3A_684 = arith.constant 112 : index
      %get3A_685 = tpu.vector_load %arg9[%get3A_684] {strides = array<i32>} : memref<128xi32, #tpu.memory_space<vmem>>, vector<16xi32>,
      %get3A_686 = vector.shape_cast %get3A_685 : vector<16xi32> to vector<16xi32>
      %sub3A_687 = vector.broadcast %mul3A_0 : i32 to vector<16xi32>
      %sub3A_688 = arith.subi %get3A_686, %sub3A_687 : vector<16xi32>
      %ge3A_689 = arith.constant 0 : i32
      %ge3A_690 = vector.broadcast %ge3A_689 : i32 to vector<16xi32>
      %ge3A_691 = arith.cmpi sge, %sub3A_688, %ge3A_690 : vector<16xi32>
      %lt3A_692 = arith.constant 25000 : i32
      %lt3A_693 = vector.broadcast %lt3A_692 : i32 to vector<16xi32>
      %lt3A_694 = arith.cmpi slt, %sub3A_688, %lt3A_693 : vector<16xi32>
      %and3A_695 = arith.andi %ge3A_691, %lt3A_694 : vector<16xi1>
      %jit3A_696 = arith.constant 25000 : i32
      %broadcast_in_dim3A_697 = vector.broadcast %jit3A_696 : i32 to vector<16xi32>
      %select_n3A_698 = arith.select %and3A_695, %sub3A_688, %broadcast_in_dim3A_697 : vector<16xi1>, vector<16xi32>
      %swap3A_699 = arith.constant 112 : index
      %swap3A_700 = tpu.vector_load %arg10[%swap3A_699] {strides = array<i32>} : memref<128xi32, #tpu.memory_space<vmem>>, vector<16xi32>,
      %swap3A_701 = vector.shape_cast %swap3A_700 : vector<16xi32> to vector<16xi32>
      %swap3A_702 = vector.shape_cast %select_n3A_698 : vector<16xi32> to vector<16xi32>
      tpu.vector_store %arg10[%swap3A_699], %swap3A_702 {strides = array<i32>} : memref<128xi32, #tpu.memory_space<vmem>>, vector<16xi32>,
      "tpu.region"() ({
        %run_scoped3A_704 = tpu.sem_alloc : memref<!tpu.dma_semaphore, #tpu.memory_space<semaphore_mem>>
        %dma_start3A_705 = arith.constant 0 : i32
        %dma_start3A_706 = arith.constant 0 : i32
        %dma_start3A_707 = tpu.memref_slice %arg16[%dma_start3A_705, %dma_start3A_706] : memref<25088x32xf32, #tpu.memory_space<vmem_shared>> -> memref<25088x32xf32, #tpu.memory_space<vmem_shared>>
        tpu.enqueue_indirect_dma source(%arg12 : memref<128x32xf32, #tpu.memory_space<vmem>>) target(%dma_start3A_707 : memref<25088x32xf32, #tpu.memory_space<vmem_shared>>) offsets(%arg10 : memref<128xi32, #tpu.memory_space<vmem>>) semaphore(%run_scoped3A_704 : memref<!tpu.dma_semaphore, #tpu.memory_space<semaphore_mem>>) {add = true}
        %dma_wait3A_708 = arith.constant 0 : i32
        %dma_wait3A_709 = arith.constant 0 : i32
        %dma_wait3A_710 = tpu.memref_slice %arg16[%dma_wait3A_708, %dma_wait3A_709] : memref<25088x32xf32, #tpu.memory_space<vmem_shared>> -> memref<25088x32xf32, #tpu.memory_space<vmem_shared>>
        tpu.wait_indirect_dma semaphore(%run_scoped3A_704 : memref<!tpu.dma_semaphore, #tpu.memory_space<semaphore_mem>>) src(%arg12 : memref<128x32xf32, #tpu.memory_space<vmem>>) dst(%dma_wait3A_710 : memref<25088x32xf32, #tpu.memory_space<vmem_shared>>)
        tpu.yield
      }) : () -> ()
      %scan3A_703 = arith.constant 0 : i32
      scf.yield %scan3A_703 : i32
    }
    %scan3A_20 = arith.constant 195 : i32
    %dma_wait3A = arith.constant 0 : i32
    %dma_wait3A_21 = arith.constant 0 : i32
    %dma_wait3A_22 = tpu.memref_slice %arg2[%dma_wait3A, %dma_wait3A_21] : memref<50000x32xf32, #tpu.memory_space<hbm>> -> memref<50000x32xf32, #tpu.memory_space<hbm>>
    tpu.wait_indirect_dma semaphore(%arg14 : memref<!tpu.dma_semaphore, #tpu.memory_space<semaphore_mem>>) src(%dma_wait3A_22 : memref<50000x32xf32, #tpu.memory_space<hbm>>) dst(%arg11 : memref<128x32xf32, #tpu.memory_space<vmem>>)
    %add3A_23 = arith.constant 6240 : i32
    %add3A_24 = arith.addi %add3A_23, %arg1 : i32
    %mul3A_25 = arith.constant 128 : i32
    %mul3A_26 = arith.muli %add3A_24, %mul3A_25 : i32
    "tpu.region"() ({
      %run_scoped3A_357 = tpu.sem_alloc : memref<!tpu.dma_semaphore, #tpu.memory_space<semaphore_mem>>
      %dma_start3A_358 = tpu.memref_slice %arg5[%mul3A_26] : memref<800768xi32, #tpu.memory_space<hbm>> -> memref<128xi32, #tpu.memory_space<hbm>>
      %dma_start3A_359 = tpu.memref_slice %arg5[%mul3A_26] : memref<800768xi32, #tpu.memory_space<hbm>> -> memref<128xi32, #tpu.memory_space<hbm>>
      tpu.enqueue_dma source(%dma_start3A_359 : memref<128xi32, #tpu.memory_space<hbm>>) target(%arg9 : memref<128xi32, #tpu.memory_space<vmem>>) target_semaphore(%run_scoped3A_357 : memref<!tpu.dma_semaphore, #tpu.memory_space<semaphore_mem>>)
      %dma_wait3A_360 = tpu.memref_slice %arg5[%mul3A_26] : memref<800768xi32, #tpu.memory_space<hbm>> -> memref<128xi32, #tpu.memory_space<hbm>>
      %dma_wait3A_361 = tpu.memref_slice %arg5[%mul3A_26] : memref<800768xi32, #tpu.memory_space<hbm>> -> memref<128xi32, #tpu.memory_space<hbm>>
      tpu.wait_dma2 semaphore(%run_scoped3A_357 : memref<!tpu.dma_semaphore, #tpu.memory_space<semaphore_mem>>) src(%dma_wait3A_361 : memref<128xi32, #tpu.memory_space<hbm>>) dst(%arg9 : memref<128xi32, #tpu.memory_space<vmem>>)
      tpu.yield
    }) : () -> ()
    %get3A = arith.constant 0 : index
    %get3A_27 = tpu.vector_load %arg9[%get3A] {strides = array<i32>} : memref<128xi32, #tpu.memory_space<vmem>>, vector<16xi32>,
    %get3A_28 = vector.shape_cast %get3A_27 : vector<16xi32> to vector<16xi32>
    %sub3A = vector.broadcast %mul3A_0 : i32 to vector<16xi32>
    %sub3A_29 = arith.subi %get3A_28, %sub3A : vector<16xi32>
    %ge3A = arith.constant 0 : i32
    %ge3A_30 = vector.broadcast %ge3A : i32 to vector<16xi32>
    %ge3A_31 = arith.cmpi sge, %sub3A_29, %ge3A_30 : vector<16xi32>
    %lt3A = arith.constant 25000 : i32
    %lt3A_32 = vector.broadcast %lt3A : i32 to vector<16xi32>
    %lt3A_33 = arith.cmpi slt, %sub3A_29, %lt3A_32 : vector<16xi32>
    %and3A = arith.andi %ge3A_31, %lt3A_33 : vector<16xi1>
    %jit3A = arith.constant 25000 : i32
    %broadcast_in_dim3A = vector.broadcast %jit3A : i32 to vector<16xi32>
    %select_n3A = arith.select %and3A, %sub3A_29, %broadcast_in_dim3A : vector<16xi1>, vector<16xi32>
    %swap3A = arith.constant 0 : index
    %swap3A_34 = tpu.vector_load %arg10[%swap3A] {strides = array<i32>} : memref<128xi32, #tpu.memory_space<vmem>>, vector<16xi32>,
    %swap3A_35 = vector.shape_cast %swap3A_34 : vector<16xi32> to vector<16xi32>
    %swap3A_36 = vector.shape_cast %select_n3A : vector<16xi32> to vector<16xi32>
    tpu.vector_store %arg10[%swap3A], %swap3A_36 {strides = array<i32>} : memref<128xi32, #tpu.memory_space<vmem>>, vector<16xi32>,
    %get3A_37 = arith.constant 16 : index
    %get3A_38 = tpu.vector_load %arg9[%get3A_37] {strides = array<i32>} : memref<128xi32, #tpu.memory_space<vmem>>, vector<16xi32>,
    %get3A_39 = vector.shape_cast %get3A_38 : vector<16xi32> to vector<16xi32>
    %sub3A_40 = vector.broadcast %mul3A_0 : i32 to vector<16xi32>
    %sub3A_41 = arith.subi %get3A_39, %sub3A_40 : vector<16xi32>
    %ge3A_42 = arith.constant 0 : i32
    %ge3A_43 = vector.broadcast %ge3A_42 : i32 to vector<16xi32>
    %ge3A_44 = arith.cmpi sge, %sub3A_41, %ge3A_43 : vector<16xi32>
    %lt3A_45 = arith.constant 25000 : i32
    %lt3A_46 = vector.broadcast %lt3A_45 : i32 to vector<16xi32>
    %lt3A_47 = arith.cmpi slt, %sub3A_41, %lt3A_46 : vector<16xi32>
    %and3A_48 = arith.andi %ge3A_44, %lt3A_47 : vector<16xi1>
    %jit3A_49 = arith.constant 25000 : i32
    %broadcast_in_dim3A_50 = vector.broadcast %jit3A_49 : i32 to vector<16xi32>
    %select_n3A_51 = arith.select %and3A_48, %sub3A_41, %broadcast_in_dim3A_50 : vector<16xi1>, vector<16xi32>
    %swap3A_52 = arith.constant 16 : index
    %swap3A_53 = tpu.vector_load %arg10[%swap3A_52] {strides = array<i32>} : memref<128xi32, #tpu.memory_space<vmem>>, vector<16xi32>,
    %swap3A_54 = vector.shape_cast %swap3A_53 : vector<16xi32> to vector<16xi32>
    %swap3A_55 = vector.shape_cast %select_n3A_51 : vector<16xi32> to vector<16xi32>
    tpu.vector_store %arg10[%swap3A_52], %swap3A_55 {strides = array<i32>} : memref<128xi32, #tpu.memory_space<vmem>>, vector<16xi32>,
    %get3A_56 = arith.constant 32 : index
    %get3A_57 = tpu.vector_load %arg9[%get3A_56] {strides = array<i32>} : memref<128xi32, #tpu.memory_space<vmem>>, vector<16xi32>,
    %get3A_58 = vector.shape_cast %get3A_57 : vector<16xi32> to vector<16xi32>
    %sub3A_59 = vector.broadcast %mul3A_0 : i32 to vector<16xi32>
    %sub3A_60 = arith.subi %get3A_58, %sub3A_59 : vector<16xi32>
    %ge3A_61 = arith.constant 0 : i32
    %ge3A_62 = vector.broadcast %ge3A_61 : i32 to vector<16xi32>
    %ge3A_63 = arith.cmpi sge, %sub3A_60, %ge3A_62 : vector<16xi32>
    %lt3A_64 = arith.constant 25000 : i32
    %lt3A_65 = vector.broadcast %lt3A_64 : i32 to vector<16xi32>
    %lt3A_66 = arith.cmpi slt, %sub3A_60, %lt3A_65 : vector<16xi32>
    %and3A_67 = arith.andi %ge3A_63, %lt3A_66 : vector<16xi1>
    %jit3A_68 = arith.constant 25000 : i32
    %broadcast_in_dim3A_69 = vector.broadcast %jit3A_68 : i32 to vector<16xi32>
    %select_n3A_70 = arith.select %and3A_67, %sub3A_60, %broadcast_in_dim3A_69 : vector<16xi1>, vector<16xi32>
    %swap3A_71 = arith.constant 32 : index
    %swap3A_72 = tpu.vector_load %arg10[%swap3A_71] {strides = array<i32>} : memref<128xi32, #tpu.memory_space<vmem>>, vector<16xi32>,
    %swap3A_73 = vector.shape_cast %swap3A_72 : vector<16xi32> to vector<16xi32>
    %swap3A_74 = vector.shape_cast %select_n3A_70 : vector<16xi32> to vector<16xi32>
    tpu.vector_store %arg10[%swap3A_71], %swap3A_74 {strides = array<i32>} : memref<128xi32, #tpu.memory_space<vmem>>, vector<16xi32>,
    %get3A_75 = arith.constant 48 : index
    %get3A_76 = tpu.vector_load %arg9[%get3A_75] {strides = array<i32>} : memref<128xi32, #tpu.memory_space<vmem>>, vector<16xi32>,
    %get3A_77 = vector.shape_cast %get3A_76 : vector<16xi32> to vector<16xi32>
    %sub3A_78 = vector.broadcast %mul3A_0 : i32 to vector<16xi32>
    %sub3A_79 = arith.subi %get3A_77, %sub3A_78 : vector<16xi32>
    %ge3A_80 = arith.constant 0 : i32
    %ge3A_81 = vector.broadcast %ge3A_80 : i32 to vector<16xi32>
    %ge3A_82 = arith.cmpi sge, %sub3A_79, %ge3A_81 : vector<16xi32>
    %lt3A_83 = arith.constant 25000 : i32
    %lt3A_84 = vector.broadcast %lt3A_83 : i32 to vector<16xi32>
    %lt3A_85 = arith.cmpi slt, %sub3A_79, %lt3A_84 : vector<16xi32>
    %and3A_86 = arith.andi %ge3A_82, %lt3A_85 : vector<16xi1>
    %jit3A_87 = arith.constant 25000 : i32
    %broadcast_in_dim3A_88 = vector.broadcast %jit3A_87 : i32 to vector<16xi32>
    %select_n3A_89 = arith.select %and3A_86, %sub3A_79, %broadcast_in_dim3A_88 : vector<16xi1>, vector<16xi32>
    %swap3A_90 = arith.constant 48 : index
    %swap3A_91 = tpu.vector_load %arg10[%swap3A_90] {strides = array<i32>} : memref<128xi32, #tpu.memory_space<vmem>>, vector<16xi32>,
    %swap3A_92 = vector.shape_cast %swap3A_91 : vector<16xi32> to vector<16xi32>
    %swap3A_93 = vector.shape_cast %select_n3A_89 : vector<16xi32> to vector<16xi32>
    tpu.vector_store %arg10[%swap3A_90], %swap3A_93 {strides = array<i32>} : memref<128xi32, #tpu.memory_space<vmem>>, vector<16xi32>,
    %get3A_94 = arith.constant 64 : index
    %get3A_95 = tpu.vector_load %arg9[%get3A_94] {strides = array<i32>} : memref<128xi32, #tpu.memory_space<vmem>>, vector<16xi32>,
    %get3A_96 = vector.shape_cast %get3A_95 : vector<16xi32> to vector<16xi32>
    %sub3A_97 = vector.broadcast %mul3A_0 : i32 to vector<16xi32>
    %sub3A_98 = arith.subi %get3A_96, %sub3A_97 : vector<16xi32>
    %ge3A_99 = arith.constant 0 : i32
    %ge3A_100 = vector.broadcast %ge3A_99 : i32 to vector<16xi32>
    %ge3A_101 = arith.cmpi sge, %sub3A_98, %ge3A_100 : vector<16xi32>
    %lt3A_102 = arith.constant 25000 : i32
    %lt3A_103 = vector.broadcast %lt3A_102 : i32 to vector<16xi32>
    %lt3A_104 = arith.cmpi slt, %sub3A_98, %lt3A_103 : vector<16xi32>
    %and3A_105 = arith.andi %ge3A_101, %lt3A_104 : vector<16xi1>
    %jit3A_106 = arith.constant 25000 : i32
    %broadcast_in_dim3A_107 = vector.broadcast %jit3A_106 : i32 to vector<16xi32>
    %select_n3A_108 = arith.select %and3A_105, %sub3A_98, %broadcast_in_dim3A_107 : vector<16xi1>, vector<16xi32>
    %swap3A_109 = arith.constant 64 : index
    %swap3A_110 = tpu.vector_load %arg10[%swap3A_109] {strides = array<i32>} : memref<128xi32, #tpu.memory_space<vmem>>, vector<16xi32>,
    %swap3A_111 = vector.shape_cast %swap3A_110 : vector<16xi32> to vector<16xi32>
    %swap3A_112 = vector.shape_cast %select_n3A_108 : vector<16xi32> to vector<16xi32>
    tpu.vector_store %arg10[%swap3A_109], %swap3A_112 {strides = array<i32>} : memref<128xi32, #tpu.memory_space<vmem>>, vector<16xi32>,
    %get3A_113 = arith.constant 80 : index
    %get3A_114 = tpu.vector_load %arg9[%get3A_113] {strides = array<i32>} : memref<128xi32, #tpu.memory_space<vmem>>, vector<16xi32>,
    %get3A_115 = vector.shape_cast %get3A_114 : vector<16xi32> to vector<16xi32>
    %sub3A_116 = vector.broadcast %mul3A_0 : i32 to vector<16xi32>
    %sub3A_117 = arith.subi %get3A_115, %sub3A_116 : vector<16xi32>
    %ge3A_118 = arith.constant 0 : i32
    %ge3A_119 = vector.broadcast %ge3A_118 : i32 to vector<16xi32>
    %ge3A_120 = arith.cmpi sge, %sub3A_117, %ge3A_119 : vector<16xi32>
    %lt3A_121 = arith.constant 25000 : i32
    %lt3A_122 = vector.broadcast %lt3A_121 : i32 to vector<16xi32>
    %lt3A_123 = arith.cmpi slt, %sub3A_117, %lt3A_122 : vector<16xi32>
    %and3A_124 = arith.andi %ge3A_120, %lt3A_123 : vector<16xi1>
    %jit3A_125 = arith.constant 25000 : i32
    %broadcast_in_dim3A_126 = vector.broadcast %jit3A_125 : i32 to vector<16xi32>
    %select_n3A_127 = arith.select %and3A_124, %sub3A_117, %broadcast_in_dim3A_126 : vector<16xi1>, vector<16xi32>
    %swap3A_128 = arith.constant 80 : index
    %swap3A_129 = tpu.vector_load %arg10[%swap3A_128] {strides = array<i32>} : memref<128xi32, #tpu.memory_space<vmem>>, vector<16xi32>,
    %swap3A_130 = vector.shape_cast %swap3A_129 : vector<16xi32> to vector<16xi32>
    %swap3A_131 = vector.shape_cast %select_n3A_127 : vector<16xi32> to vector<16xi32>
    tpu.vector_store %arg10[%swap3A_128], %swap3A_131 {strides = array<i32>} : memref<128xi32, #tpu.memory_space<vmem>>, vector<16xi32>,
    %get3A_132 = arith.constant 96 : index
    %get3A_133 = tpu.vector_load %arg9[%get3A_132] {strides = array<i32>} : memref<128xi32, #tpu.memory_space<vmem>>, vector<16xi32>,
    %get3A_134 = vector.shape_cast %get3A_133 : vector<16xi32> to vector<16xi32>
    %sub3A_135 = vector.broadcast %mul3A_0 : i32 to vector<16xi32>
    %sub3A_136 = arith.subi %get3A_134, %sub3A_135 : vector<16xi32>
    %ge3A_137 = arith.constant 0 : i32
    %ge3A_138 = vector.broadcast %ge3A_137 : i32 to vector<16xi32>
    %ge3A_139 = arith.cmpi sge, %sub3A_136, %ge3A_138 : vector<16xi32>
    %lt3A_140 = arith.constant 25000 : i32
    %lt3A_141 = vector.broadcast %lt3A_140 : i32 to vector<16xi32>
    %lt3A_142 = arith.cmpi slt, %sub3A_136, %lt3A_141 : vector<16xi32>
    %and3A_143 = arith.andi %ge3A_139, %lt3A_142 : vector<16xi1>
    %jit3A_144 = arith.constant 25000 : i32
    %broadcast_in_dim3A_145 = vector.broadcast %jit3A_144 : i32 to vector<16xi32>
    %select_n3A_146 = arith.select %and3A_143, %sub3A_136, %broadcast_in_dim3A_145 : vector<16xi1>, vector<16xi32>
    %swap3A_147 = arith.constant 96 : index
    %swap3A_148 = tpu.vector_load %arg10[%swap3A_147] {strides = array<i32>} : memref<128xi32, #tpu.memory_space<vmem>>, vector<16xi32>,
    %swap3A_149 = vector.shape_cast %swap3A_148 : vector<16xi32> to vector<16xi32>
    %swap3A_150 = vector.shape_cast %select_n3A_146 : vector<16xi32> to vector<16xi32>
    tpu.vector_store %arg10[%swap3A_147], %swap3A_150 {strides = array<i32>} : memref<128xi32, #tpu.memory_space<vmem>>, vector<16xi32>,
    %get3A_151 = arith.constant 112 : index
    %get3A_152 = tpu.vector_load %arg9[%get3A_151] {strides = array<i32>} : memref<128xi32, #tpu.memory_space<vmem>>, vector<16xi32>,
    %get3A_153 = vector.shape_cast %get3A_152 : vector<16xi32> to vector<16xi32>
    %sub3A_154 = vector.broadcast %mul3A_0 : i32 to vector<16xi32>
    %sub3A_155 = arith.subi %get3A_153, %sub3A_154 : vector<16xi32>
    %ge3A_156 = arith.constant 0 : i32
    %ge3A_157 = vector.broadcast %ge3A_156 : i32 to vector<16xi32>
    %ge3A_158 = arith.cmpi sge, %sub3A_155, %ge3A_157 : vector<16xi32>
    %lt3A_159 = arith.constant 25000 : i32
    %lt3A_160 = vector.broadcast %lt3A_159 : i32 to vector<16xi32>
    %lt3A_161 = arith.cmpi slt, %sub3A_155, %lt3A_160 : vector<16xi32>
    %and3A_162 = arith.andi %ge3A_158, %lt3A_161 : vector<16xi1>
    %jit3A_163 = arith.constant 25000 : i32
    %broadcast_in_dim3A_164 = vector.broadcast %jit3A_163 : i32 to vector<16xi32>
    %select_n3A_165 = arith.select %and3A_162, %sub3A_155, %broadcast_in_dim3A_164 : vector<16xi1>, vector<16xi32>
    %swap3A_166 = arith.constant 112 : index
    %swap3A_167 = tpu.vector_load %arg10[%swap3A_166] {strides = array<i32>} : memref<128xi32, #tpu.memory_space<vmem>>, vector<16xi32>,
    %swap3A_168 = vector.shape_cast %swap3A_167 : vector<16xi32> to vector<16xi32>
    %swap3A_169 = vector.shape_cast %select_n3A_165 : vector<16xi32> to vector<16xi32>
    tpu.vector_store %arg10[%swap3A_166], %swap3A_169 {strides = array<i32>} : memref<128xi32, #tpu.memory_space<vmem>>, vector<16xi32>,
    "tpu.region"() ({
      %run_scoped3A_357 = tpu.sem_alloc : memref<!tpu.dma_semaphore, #tpu.memory_space<semaphore_mem>>
      %dma_start3A_358 = arith.constant 0 : i32
      %dma_start3A_359 = arith.constant 0 : i32
      %dma_start3A_360 = tpu.memref_slice %arg16[%dma_start3A_358, %dma_start3A_359] : memref<25088x32xf32, #tpu.memory_space<vmem_shared>> -> memref<25088x32xf32, #tpu.memory_space<vmem_shared>>
      tpu.enqueue_indirect_dma source(%arg11 : memref<128x32xf32, #tpu.memory_space<vmem>>) target(%dma_start3A_360 : memref<25088x32xf32, #tpu.memory_space<vmem_shared>>) offsets(%arg10 : memref<128xi32, #tpu.memory_space<vmem>>) semaphore(%run_scoped3A_357 : memref<!tpu.dma_semaphore, #tpu.memory_space<semaphore_mem>>) {add = true}
      %dma_wait3A_361 = arith.constant 0 : i32
      %dma_wait3A_362 = arith.constant 0 : i32
      %dma_wait3A_363 = tpu.memref_slice %arg16[%dma_wait3A_361, %dma_wait3A_362] : memref<25088x32xf32, #tpu.memory_space<vmem_shared>> -> memref<25088x32xf32, #tpu.memory_space<vmem_shared>>
      tpu.wait_indirect_dma semaphore(%run_scoped3A_357 : memref<!tpu.dma_semaphore, #tpu.memory_space<semaphore_mem>>) src(%arg11 : memref<128x32xf32, #tpu.memory_space<vmem>>) dst(%dma_wait3A_363 : memref<25088x32xf32, #tpu.memory_space<vmem_shared>>)
      tpu.yield
    }) : () -> ()
    %barrier3A_170 = arith.constant 0 : index
    tpu.barrier barrier_id(%barrier3A_170)
    %mul3A_171 = arith.constant 1568 : i32
    %mul3A_172 = arith.muli %arg1, %mul3A_171 : i32
    %mul3A_173 = arith.constant 1568 : i32
    %mul3A_174 = arith.muli %arg1, %mul3A_173 : i32
    %run_scoped3A = arith.constant 0 : i32
    "tpu.region"() ({
      %run_scoped3A_357 = tpu.sem_alloc : memref<!tpu.dma_semaphore, #tpu.memory_space<semaphore_mem>>
      %dma_start3A_358 = arith.constant 0 : i32
      %dma_start3A_359 = tpu.memref_slice %arg6[%arg0, %run_scoped3A, %mul3A_174, %dma_start3A_358] : memref<2x2x25088x32xf32, #tpu.memory_space<hbm>> -> memref<1x1x1568x32xf32, #tpu.memory_space<hbm>>
      %dma_start3A_360 = tpu.memref_squeeze %dma_start3A_359 : memref<1x1x1568x32xf32, #tpu.memory_space<hbm>> -> memref<1568x32xf32, #tpu.memory_space<hbm>>
      %dma_start3A_361 = arith.constant 0 : i32
      %dma_start3A_362 = tpu.memref_slice %arg16[%mul3A_172, %dma_start3A_361] : memref<25088x32xf32, #tpu.memory_space<vmem_shared>> -> memref<1568x32xf32, #tpu.memory_space<vmem_shared>>
      tpu.enqueue_dma source(%dma_start3A_362 : memref<1568x32xf32, #tpu.memory_space<vmem_shared>>) target(%dma_start3A_360 : memref<1568x32xf32, #tpu.memory_space<hbm>>) target_semaphore(%run_scoped3A_357 : memref<!tpu.dma_semaphore, #tpu.memory_space<semaphore_mem>>)
      %dma_wait3A_363 = arith.constant 0 : i32
      %dma_wait3A_364 = tpu.memref_slice %arg6[%arg0, %run_scoped3A, %mul3A_174, %dma_wait3A_363] : memref<2x2x25088x32xf32, #tpu.memory_space<hbm>> -> memref<1x1x1568x32xf32, #tpu.memory_space<hbm>>
      %dma_wait3A_365 = tpu.memref_squeeze %dma_wait3A_364 : memref<1x1x1568x32xf32, #tpu.memory_space<hbm>> -> memref<1568x32xf32, #tpu.memory_space<hbm>>
      %dma_wait3A_366 = arith.constant 0 : i32
      %dma_wait3A_367 = tpu.memref_slice %arg16[%mul3A_172, %dma_wait3A_366] : memref<25088x32xf32, #tpu.memory_space<vmem_shared>> -> memref<1568x32xf32, #tpu.memory_space<vmem_shared>>
      tpu.wait_dma2 semaphore(%run_scoped3A_357 : memref<!tpu.dma_semaphore, #tpu.memory_space<semaphore_mem>>) src(%dma_wait3A_367 : memref<1568x32xf32, #tpu.memory_space<vmem_shared>>) dst(%dma_wait3A_365 : memref<1568x32xf32, #tpu.memory_space<hbm>>)
      tpu.yield
    }) : () -> ()
    %mul3A_175 = arith.constant 1568 : i32
    %mul3A_176 = arith.muli %arg1, %mul3A_175 : i32
    "tpu.region"() ({
      %run_scoped3A_357 = tpu.sem_alloc : memref<!tpu.dma_semaphore, #tpu.memory_space<semaphore_mem>>
      %dma_start3A_358 = arith.constant 0 : i32
      %dma_start3A_359 = tpu.memref_slice %arg16[%mul3A_176, %dma_start3A_358] : memref<25088x32xf32, #tpu.memory_space<vmem_shared>> -> memref<1568x32xf32, #tpu.memory_space<vmem_shared>>
      %dma_start3A_360 = arith.constant 0 : i32
      %dma_start3A_361 = tpu.memref_slice %arg16[%mul3A_176, %dma_start3A_360] : memref<25088x32xf32, #tpu.memory_space<vmem_shared>> -> memref<1568x32xf32, #tpu.memory_space<vmem_shared>>
      tpu.enqueue_dma source(%arg13 : memref<1568x32xf32, #tpu.memory_space<vmem>>) target(%dma_start3A_361 : memref<1568x32xf32, #tpu.memory_space<vmem_shared>>) target_semaphore(%run_scoped3A_357 : memref<!tpu.dma_semaphore, #tpu.memory_space<semaphore_mem>>)
      %dma_wait3A_362 = arith.constant 0 : i32
      %dma_wait3A_363 = tpu.memref_slice %arg16[%mul3A_176, %dma_wait3A_362] : memref<25088x32xf32, #tpu.memory_space<vmem_shared>> -> memref<1568x32xf32, #tpu.memory_space<vmem_shared>>
      %dma_wait3A_364 = arith.constant 0 : i32
      %dma_wait3A_365 = tpu.memref_slice %arg16[%mul3A_176, %dma_wait3A_364] : memref<25088x32xf32, #tpu.memory_space<vmem_shared>> -> memref<1568x32xf32, #tpu.memory_space<vmem_shared>>
      tpu.wait_dma2 semaphore(%run_scoped3A_357 : memref<!tpu.dma_semaphore, #tpu.memory_space<semaphore_mem>>) src(%arg13 : memref<1568x32xf32, #tpu.memory_space<vmem>>) dst(%dma_wait3A_365 : memref<1568x32xf32, #tpu.memory_space<vmem_shared>>)
      tpu.yield
    }) : () -> ()
    %barrier3A_177 = arith.constant 0 : index
    tpu.barrier barrier_id(%barrier3A_177)
    %add3A_178 = arith.constant 0 : i32
    %add3A_179 = arith.addi %add3A_178, %arg1 : i32
    %mul3A_180 = arith.constant 128 : i32
    %mul3A_181 = arith.muli %add3A_179, %mul3A_180 : i32
    "tpu.region"() ({
      %run_scoped3A_357 = tpu.sem_alloc : memref<!tpu.dma_semaphore, #tpu.memory_space<semaphore_mem>>
      %dma_start3A_358 = tpu.memref_slice %arg4[%mul3A_181] : memref<800768xi32, #tpu.memory_space<hbm>> -> memref<128xi32, #tpu.memory_space<hbm>>
      %dma_start3A_359 = tpu.memref_slice %arg4[%mul3A_181] : memref<800768xi32, #tpu.memory_space<hbm>> -> memref<128xi32, #tpu.memory_space<hbm>>
      tpu.enqueue_dma source(%dma_start3A_359 : memref<128xi32, #tpu.memory_space<hbm>>) target(%arg7 : memref<128xi32, #tpu.memory_space<vmem>>) target_semaphore(%run_scoped3A_357 : memref<!tpu.dma_semaphore, #tpu.memory_space<semaphore_mem>>)
      %dma_wait3A_360 = tpu.memref_slice %arg4[%mul3A_181] : memref<800768xi32, #tpu.memory_space<hbm>> -> memref<128xi32, #tpu.memory_space<hbm>>
      %dma_wait3A_361 = tpu.memref_slice %arg4[%mul3A_181] : memref<800768xi32, #tpu.memory_space<hbm>> -> memref<128xi32, #tpu.memory_space<hbm>>
      tpu.wait_dma2 semaphore(%run_scoped3A_357 : memref<!tpu.dma_semaphore, #tpu.memory_space<semaphore_mem>>) src(%dma_wait3A_361 : memref<128xi32, #tpu.memory_space<hbm>>) dst(%arg7 : memref<128xi32, #tpu.memory_space<vmem>>)
      tpu.yield
    }) : () -> ()
    %dma_start3A_182 = arith.constant 0 : i32
    %dma_start3A_183 = arith.constant 0 : i32
    %dma_start3A_184 = tpu.memref_slice %arg3[%dma_start3A_182, %dma_start3A_183] : memref<50000x32xf32, #tpu.memory_space<hbm>> -> memref<50000x32xf32, #tpu.memory_space<hbm>>
    tpu.enqueue_indirect_dma source(%dma_start3A_184 : memref<50000x32xf32, #tpu.memory_space<hbm>>) target(%arg11 : memref<128x32xf32, #tpu.memory_space<vmem>>) offsets(%arg7 : memref<128xi32, #tpu.memory_space<vmem>>) semaphore(%arg14 : memref<!tpu.dma_semaphore, #tpu.memory_space<semaphore_mem>>)
    %scan3A_185 = arith.constant 0 : i32
    %scan3A_186 = arith.constant 0 : i32
    %scan3A_187 = arith.constant 195 : i32
    %scan3A_188 = arith.addi %scan3A_186, %scan3A_187 : i32
    %scan3A_189 = arith.constant 1 : i32
    %scan3A_190 = scf.for %scan3A_357 = %scan3A_186 to %scan3A_188 step %scan3A_189 iter_args(%scan3A_358 = %scan3A_185) -> (i32)  : i32 {
      %mul3A_359 = arith.constant 2 : i32
      %mul3A_360 = arith.muli %mul3A_359, %scan3A_357 : i32
      %add3A_361 = arith.constant 1 : i32
      %add3A_362 = arith.addi %mul3A_360, %add3A_361 : i32
      %mul3A_363 = arith.constant 16 : i32
      %mul3A_364 = arith.muli %add3A_362, %mul3A_363 : i32
      %add3A_365 = arith.addi %mul3A_364, %arg1 : i32
      %mul3A_366 = arith.constant 128 : i32
      %mul3A_367 = arith.muli %add3A_365, %mul3A_366 : i32
      "tpu.region"() ({
        %run_scoped3A_704 = tpu.sem_alloc : memref<!tpu.dma_semaphore, #tpu.memory_space<semaphore_mem>>
        %dma_start3A_705 = tpu.memref_slice %arg4[%mul3A_367] : memref<800768xi32, #tpu.memory_space<hbm>> -> memref<128xi32, #tpu.memory_space<hbm>>
        %dma_start3A_706 = tpu.memref_slice %arg4[%mul3A_367] : memref<800768xi32, #tpu.memory_space<hbm>> -> memref<128xi32, #tpu.memory_space<hbm>>
        tpu.enqueue_dma source(%dma_start3A_706 : memref<128xi32, #tpu.memory_space<hbm>>) target(%arg8 : memref<128xi32, #tpu.memory_space<vmem>>) target_semaphore(%run_scoped3A_704 : memref<!tpu.dma_semaphore, #tpu.memory_space<semaphore_mem>>)
        %dma_wait3A_707 = tpu.memref_slice %arg4[%mul3A_367] : memref<800768xi32, #tpu.memory_space<hbm>> -> memref<128xi32, #tpu.memory_space<hbm>>
        %dma_wait3A_708 = tpu.memref_slice %arg4[%mul3A_367] : memref<800768xi32, #tpu.memory_space<hbm>> -> memref<128xi32, #tpu.memory_space<hbm>>
        tpu.wait_dma2 semaphore(%run_scoped3A_704 : memref<!tpu.dma_semaphore, #tpu.memory_space<semaphore_mem>>) src(%dma_wait3A_708 : memref<128xi32, #tpu.memory_space<hbm>>) dst(%arg8 : memref<128xi32, #tpu.memory_space<vmem>>)
        tpu.yield
      }) : () -> ()
      %dma_start3A_368 = arith.constant 0 : i32
      %dma_start3A_369 = arith.constant 0 : i32
      %dma_start3A_370 = tpu.memref_slice %arg3[%dma_start3A_368, %dma_start3A_369] : memref<50000x32xf32, #tpu.memory_space<hbm>> -> memref<50000x32xf32, #tpu.memory_space<hbm>>
      tpu.enqueue_indirect_dma source(%dma_start3A_370 : memref<50000x32xf32, #tpu.memory_space<hbm>>) target(%arg12 : memref<128x32xf32, #tpu.memory_space<vmem>>) offsets(%arg8 : memref<128xi32, #tpu.memory_space<vmem>>) semaphore(%arg15 : memref<!tpu.dma_semaphore, #tpu.memory_space<semaphore_mem>>)
      %dma_wait3A_371 = arith.constant 0 : i32
      %dma_wait3A_372 = arith.constant 0 : i32
      %dma_wait3A_373 = tpu.memref_slice %arg3[%dma_wait3A_371, %dma_wait3A_372] : memref<50000x32xf32, #tpu.memory_space<hbm>> -> memref<50000x32xf32, #tpu.memory_space<hbm>>
      tpu.wait_indirect_dma semaphore(%arg14 : memref<!tpu.dma_semaphore, #tpu.memory_space<semaphore_mem>>) src(%dma_wait3A_373 : memref<50000x32xf32, #tpu.memory_space<hbm>>) dst(%arg11 : memref<128x32xf32, #tpu.memory_space<vmem>>)
      %mul3A_374 = arith.constant 16 : i32
      %mul3A_375 = arith.muli %mul3A_360, %mul3A_374 : i32
      %add3A_376 = arith.addi %mul3A_375, %arg1 : i32
      %mul3A_377 = arith.constant 128 : i32
      %mul3A_378 = arith.muli %add3A_376, %mul3A_377 : i32
      "tpu.region"() ({
        %run_scoped3A_704 = tpu.sem_alloc : memref<!tpu.dma_semaphore, #tpu.memory_space<semaphore_mem>>
        %dma_start3A_705 = tpu.memref_slice %arg5[%mul3A_378] : memref<800768xi32, #tpu.memory_space<hbm>> -> memref<128xi32, #tpu.memory_space<hbm>>
        %dma_start3A_706 = tpu.memref_slice %arg5[%mul3A_378] : memref<800768xi32, #tpu.memory_space<hbm>> -> memref<128xi32, #tpu.memory_space<hbm>>
        tpu.enqueue_dma source(%dma_start3A_706 : memref<128xi32, #tpu.memory_space<hbm>>) target(%arg9 : memref<128xi32, #tpu.memory_space<vmem>>) target_semaphore(%run_scoped3A_704 : memref<!tpu.dma_semaphore, #tpu.memory_space<semaphore_mem>>)
        %dma_wait3A_707 = tpu.memref_slice %arg5[%mul3A_378] : memref<800768xi32, #tpu.memory_space<hbm>> -> memref<128xi32, #tpu.memory_space<hbm>>
        %dma_wait3A_708 = tpu.memref_slice %arg5[%mul3A_378] : memref<800768xi32, #tpu.memory_space<hbm>> -> memref<128xi32, #tpu.memory_space<hbm>>
        tpu.wait_dma2 semaphore(%run_scoped3A_704 : memref<!tpu.dma_semaphore, #tpu.memory_space<semaphore_mem>>) src(%dma_wait3A_708 : memref<128xi32, #tpu.memory_space<hbm>>) dst(%arg9 : memref<128xi32, #tpu.memory_space<vmem>>)
        tpu.yield
      }) : () -> ()
      %get3A_379 = arith.constant 0 : index
      %get3A_380 = tpu.vector_load %arg9[%get3A_379] {strides = array<i32>} : memref<128xi32, #tpu.memory_space<vmem>>, vector<16xi32>,
      %get3A_381 = vector.shape_cast %get3A_380 : vector<16xi32> to vector<16xi32>
      %sub3A_382 = vector.broadcast %mul3A_0 : i32 to vector<16xi32>
      %sub3A_383 = arith.subi %get3A_381, %sub3A_382 : vector<16xi32>
      %ge3A_384 = arith.constant 0 : i32
      %ge3A_385 = vector.broadcast %ge3A_384 : i32 to vector<16xi32>
      %ge3A_386 = arith.cmpi sge, %sub3A_383, %ge3A_385 : vector<16xi32>
      %lt3A_387 = arith.constant 25000 : i32
      %lt3A_388 = vector.broadcast %lt3A_387 : i32 to vector<16xi32>
      %lt3A_389 = arith.cmpi slt, %sub3A_383, %lt3A_388 : vector<16xi32>
      %and3A_390 = arith.andi %ge3A_386, %lt3A_389 : vector<16xi1>
      %jit3A_391 = arith.constant 25000 : i32
      %broadcast_in_dim3A_392 = vector.broadcast %jit3A_391 : i32 to vector<16xi32>
      %select_n3A_393 = arith.select %and3A_390, %sub3A_383, %broadcast_in_dim3A_392 : vector<16xi1>, vector<16xi32>
      %swap3A_394 = arith.constant 0 : index
      %swap3A_395 = tpu.vector_load %arg10[%swap3A_394] {strides = array<i32>} : memref<128xi32, #tpu.memory_space<vmem>>, vector<16xi32>,
      %swap3A_396 = vector.shape_cast %swap3A_395 : vector<16xi32> to vector<16xi32>
      %swap3A_397 = vector.shape_cast %select_n3A_393 : vector<16xi32> to vector<16xi32>
      tpu.vector_store %arg10[%swap3A_394], %swap3A_397 {strides = array<i32>} : memref<128xi32, #tpu.memory_space<vmem>>, vector<16xi32>,
      %get3A_398 = arith.constant 16 : index
      %get3A_399 = tpu.vector_load %arg9[%get3A_398] {strides = array<i32>} : memref<128xi32, #tpu.memory_space<vmem>>, vector<16xi32>,
      %get3A_400 = vector.shape_cast %get3A_399 : vector<16xi32> to vector<16xi32>
      %sub3A_401 = vector.broadcast %mul3A_0 : i32 to vector<16xi32>
      %sub3A_402 = arith.subi %get3A_400, %sub3A_401 : vector<16xi32>
      %ge3A_403 = arith.constant 0 : i32
      %ge3A_404 = vector.broadcast %ge3A_403 : i32 to vector<16xi32>
      %ge3A_405 = arith.cmpi sge, %sub3A_402, %ge3A_404 : vector<16xi32>
      %lt3A_406 = arith.constant 25000 : i32
      %lt3A_407 = vector.broadcast %lt3A_406 : i32 to vector<16xi32>
      %lt3A_408 = arith.cmpi slt, %sub3A_402, %lt3A_407 : vector<16xi32>
      %and3A_409 = arith.andi %ge3A_405, %lt3A_408 : vector<16xi1>
      %jit3A_410 = arith.constant 25000 : i32
      %broadcast_in_dim3A_411 = vector.broadcast %jit3A_410 : i32 to vector<16xi32>
      %select_n3A_412 = arith.select %and3A_409, %sub3A_402, %broadcast_in_dim3A_411 : vector<16xi1>, vector<16xi32>
      %swap3A_413 = arith.constant 16 : index
      %swap3A_414 = tpu.vector_load %arg10[%swap3A_413] {strides = array<i32>} : memref<128xi32, #tpu.memory_space<vmem>>, vector<16xi32>,
      %swap3A_415 = vector.shape_cast %swap3A_414 : vector<16xi32> to vector<16xi32>
      %swap3A_416 = vector.shape_cast %select_n3A_412 : vector<16xi32> to vector<16xi32>
      tpu.vector_store %arg10[%swap3A_413], %swap3A_416 {strides = array<i32>} : memref<128xi32, #tpu.memory_space<vmem>>, vector<16xi32>,
      %get3A_417 = arith.constant 32 : index
      %get3A_418 = tpu.vector_load %arg9[%get3A_417] {strides = array<i32>} : memref<128xi32, #tpu.memory_space<vmem>>, vector<16xi32>,
      %get3A_419 = vector.shape_cast %get3A_418 : vector<16xi32> to vector<16xi32>
      %sub3A_420 = vector.broadcast %mul3A_0 : i32 to vector<16xi32>
      %sub3A_421 = arith.subi %get3A_419, %sub3A_420 : vector<16xi32>
      %ge3A_422 = arith.constant 0 : i32
      %ge3A_423 = vector.broadcast %ge3A_422 : i32 to vector<16xi32>
      %ge3A_424 = arith.cmpi sge, %sub3A_421, %ge3A_423 : vector<16xi32>
      %lt3A_425 = arith.constant 25000 : i32
      %lt3A_426 = vector.broadcast %lt3A_425 : i32 to vector<16xi32>
      %lt3A_427 = arith.cmpi slt, %sub3A_421, %lt3A_426 : vector<16xi32>
      %and3A_428 = arith.andi %ge3A_424, %lt3A_427 : vector<16xi1>
      %jit3A_429 = arith.constant 25000 : i32
      %broadcast_in_dim3A_430 = vector.broadcast %jit3A_429 : i32 to vector<16xi32>
      %select_n3A_431 = arith.select %and3A_428, %sub3A_421, %broadcast_in_dim3A_430 : vector<16xi1>, vector<16xi32>
      %swap3A_432 = arith.constant 32 : index
      %swap3A_433 = tpu.vector_load %arg10[%swap3A_432] {strides = array<i32>} : memref<128xi32, #tpu.memory_space<vmem>>, vector<16xi32>,
      %swap3A_434 = vector.shape_cast %swap3A_433 : vector<16xi32> to vector<16xi32>
      %swap3A_435 = vector.shape_cast %select_n3A_431 : vector<16xi32> to vector<16xi32>
      tpu.vector_store %arg10[%swap3A_432], %swap3A_435 {strides = array<i32>} : memref<128xi32, #tpu.memory_space<vmem>>, vector<16xi32>,
      %get3A_436 = arith.constant 48 : index
      %get3A_437 = tpu.vector_load %arg9[%get3A_436] {strides = array<i32>} : memref<128xi32, #tpu.memory_space<vmem>>, vector<16xi32>,
      %get3A_438 = vector.shape_cast %get3A_437 : vector<16xi32> to vector<16xi32>
      %sub3A_439 = vector.broadcast %mul3A_0 : i32 to vector<16xi32>
      %sub3A_440 = arith.subi %get3A_438, %sub3A_439 : vector<16xi32>
      %ge3A_441 = arith.constant 0 : i32
      %ge3A_442 = vector.broadcast %ge3A_441 : i32 to vector<16xi32>
      %ge3A_443 = arith.cmpi sge, %sub3A_440, %ge3A_442 : vector<16xi32>
      %lt3A_444 = arith.constant 25000 : i32
      %lt3A_445 = vector.broadcast %lt3A_444 : i32 to vector<16xi32>
      %lt3A_446 = arith.cmpi slt, %sub3A_440, %lt3A_445 : vector<16xi32>
      %and3A_447 = arith.andi %ge3A_443, %lt3A_446 : vector<16xi1>
      %jit3A_448 = arith.constant 25000 : i32
      %broadcast_in_dim3A_449 = vector.broadcast %jit3A_448 : i32 to vector<16xi32>
      %select_n3A_450 = arith.select %and3A_447, %sub3A_440, %broadcast_in_dim3A_449 : vector<16xi1>, vector<16xi32>
      %swap3A_451 = arith.constant 48 : index
      %swap3A_452 = tpu.vector_load %arg10[%swap3A_451] {strides = array<i32>} : memref<128xi32, #tpu.memory_space<vmem>>, vector<16xi32>,
      %swap3A_453 = vector.shape_cast %swap3A_452 : vector<16xi32> to vector<16xi32>
      %swap3A_454 = vector.shape_cast %select_n3A_450 : vector<16xi32> to vector<16xi32>
      tpu.vector_store %arg10[%swap3A_451], %swap3A_454 {strides = array<i32>} : memref<128xi32, #tpu.memory_space<vmem>>, vector<16xi32>,
      %get3A_455 = arith.constant 64 : index
      %get3A_456 = tpu.vector_load %arg9[%get3A_455] {strides = array<i32>} : memref<128xi32, #tpu.memory_space<vmem>>, vector<16xi32>,
      %get3A_457 = vector.shape_cast %get3A_456 : vector<16xi32> to vector<16xi32>
      %sub3A_458 = vector.broadcast %mul3A_0 : i32 to vector<16xi32>
      %sub3A_459 = arith.subi %get3A_457, %sub3A_458 : vector<16xi32>
      %ge3A_460 = arith.constant 0 : i32
      %ge3A_461 = vector.broadcast %ge3A_460 : i32 to vector<16xi32>
      %ge3A_462 = arith.cmpi sge, %sub3A_459, %ge3A_461 : vector<16xi32>
      %lt3A_463 = arith.constant 25000 : i32
      %lt3A_464 = vector.broadcast %lt3A_463 : i32 to vector<16xi32>
      %lt3A_465 = arith.cmpi slt, %sub3A_459, %lt3A_464 : vector<16xi32>
      %and3A_466 = arith.andi %ge3A_462, %lt3A_465 : vector<16xi1>
      %jit3A_467 = arith.constant 25000 : i32
      %broadcast_in_dim3A_468 = vector.broadcast %jit3A_467 : i32 to vector<16xi32>
      %select_n3A_469 = arith.select %and3A_466, %sub3A_459, %broadcast_in_dim3A_468 : vector<16xi1>, vector<16xi32>
      %swap3A_470 = arith.constant 64 : index
      %swap3A_471 = tpu.vector_load %arg10[%swap3A_470] {strides = array<i32>} : memref<128xi32, #tpu.memory_space<vmem>>, vector<16xi32>,
      %swap3A_472 = vector.shape_cast %swap3A_471 : vector<16xi32> to vector<16xi32>
      %swap3A_473 = vector.shape_cast %select_n3A_469 : vector<16xi32> to vector<16xi32>
      tpu.vector_store %arg10[%swap3A_470], %swap3A_473 {strides = array<i32>} : memref<128xi32, #tpu.memory_space<vmem>>, vector<16xi32>,
      %get3A_474 = arith.constant 80 : index
      %get3A_475 = tpu.vector_load %arg9[%get3A_474] {strides = array<i32>} : memref<128xi32, #tpu.memory_space<vmem>>, vector<16xi32>,
      %get3A_476 = vector.shape_cast %get3A_475 : vector<16xi32> to vector<16xi32>
      %sub3A_477 = vector.broadcast %mul3A_0 : i32 to vector<16xi32>
      %sub3A_478 = arith.subi %get3A_476, %sub3A_477 : vector<16xi32>
      %ge3A_479 = arith.constant 0 : i32
      %ge3A_480 = vector.broadcast %ge3A_479 : i32 to vector<16xi32>
      %ge3A_481 = arith.cmpi sge, %sub3A_478, %ge3A_480 : vector<16xi32>
      %lt3A_482 = arith.constant 25000 : i32
      %lt3A_483 = vector.broadcast %lt3A_482 : i32 to vector<16xi32>
      %lt3A_484 = arith.cmpi slt, %sub3A_478, %lt3A_483 : vector<16xi32>
      %and3A_485 = arith.andi %ge3A_481, %lt3A_484 : vector<16xi1>
      %jit3A_486 = arith.constant 25000 : i32
      %broadcast_in_dim3A_487 = vector.broadcast %jit3A_486 : i32 to vector<16xi32>
      %select_n3A_488 = arith.select %and3A_485, %sub3A_478, %broadcast_in_dim3A_487 : vector<16xi1>, vector<16xi32>
      %swap3A_489 = arith.constant 80 : index
      %swap3A_490 = tpu.vector_load %arg10[%swap3A_489] {strides = array<i32>} : memref<128xi32, #tpu.memory_space<vmem>>, vector<16xi32>,
      %swap3A_491 = vector.shape_cast %swap3A_490 : vector<16xi32> to vector<16xi32>
      %swap3A_492 = vector.shape_cast %select_n3A_488 : vector<16xi32> to vector<16xi32>
      tpu.vector_store %arg10[%swap3A_489], %swap3A_492 {strides = array<i32>} : memref<128xi32, #tpu.memory_space<vmem>>, vector<16xi32>,
      %get3A_493 = arith.constant 96 : index
      %get3A_494 = tpu.vector_load %arg9[%get3A_493] {strides = array<i32>} : memref<128xi32, #tpu.memory_space<vmem>>, vector<16xi32>,
      %get3A_495 = vector.shape_cast %get3A_494 : vector<16xi32> to vector<16xi32>
      %sub3A_496 = vector.broadcast %mul3A_0 : i32 to vector<16xi32>
      %sub3A_497 = arith.subi %get3A_495, %sub3A_496 : vector<16xi32>
      %ge3A_498 = arith.constant 0 : i32
      %ge3A_499 = vector.broadcast %ge3A_498 : i32 to vector<16xi32>
      %ge3A_500 = arith.cmpi sge, %sub3A_497, %ge3A_499 : vector<16xi32>
      %lt3A_501 = arith.constant 25000 : i32
      %lt3A_502 = vector.broadcast %lt3A_501 : i32 to vector<16xi32>
      %lt3A_503 = arith.cmpi slt, %sub3A_497, %lt3A_502 : vector<16xi32>
      %and3A_504 = arith.andi %ge3A_500, %lt3A_503 : vector<16xi1>
      %jit3A_505 = arith.constant 25000 : i32
      %broadcast_in_dim3A_506 = vector.broadcast %jit3A_505 : i32 to vector<16xi32>
      %select_n3A_507 = arith.select %and3A_504, %sub3A_497, %broadcast_in_dim3A_506 : vector<16xi1>, vector<16xi32>
      %swap3A_508 = arith.constant 96 : index
      %swap3A_509 = tpu.vector_load %arg10[%swap3A_508] {strides = array<i32>} : memref<128xi32, #tpu.memory_space<vmem>>, vector<16xi32>,
      %swap3A_510 = vector.shape_cast %swap3A_509 : vector<16xi32> to vector<16xi32>
      %swap3A_511 = vector.shape_cast %select_n3A_507 : vector<16xi32> to vector<16xi32>
      tpu.vector_store %arg10[%swap3A_508], %swap3A_511 {strides = array<i32>} : memref<128xi32, #tpu.memory_space<vmem>>, vector<16xi32>,
      %get3A_512 = arith.constant 112 : index
      %get3A_513 = tpu.vector_load %arg9[%get3A_512] {strides = array<i32>} : memref<128xi32, #tpu.memory_space<vmem>>, vector<16xi32>,
      %get3A_514 = vector.shape_cast %get3A_513 : vector<16xi32> to vector<16xi32>
      %sub3A_515 = vector.broadcast %mul3A_0 : i32 to vector<16xi32>
      %sub3A_516 = arith.subi %get3A_514, %sub3A_515 : vector<16xi32>
      %ge3A_517 = arith.constant 0 : i32
      %ge3A_518 = vector.broadcast %ge3A_517 : i32 to vector<16xi32>
      %ge3A_519 = arith.cmpi sge, %sub3A_516, %ge3A_518 : vector<16xi32>
      %lt3A_520 = arith.constant 25000 : i32
      %lt3A_521 = vector.broadcast %lt3A_520 : i32 to vector<16xi32>
      %lt3A_522 = arith.cmpi slt, %sub3A_516, %lt3A_521 : vector<16xi32>
      %and3A_523 = arith.andi %ge3A_519, %lt3A_522 : vector<16xi1>
      %jit3A_524 = arith.constant 25000 : i32
      %broadcast_in_dim3A_525 = vector.broadcast %jit3A_524 : i32 to vector<16xi32>
      %select_n3A_526 = arith.select %and3A_523, %sub3A_516, %broadcast_in_dim3A_525 : vector<16xi1>, vector<16xi32>
      %swap3A_527 = arith.constant 112 : index
      %swap3A_528 = tpu.vector_load %arg10[%swap3A_527] {strides = array<i32>} : memref<128xi32, #tpu.memory_space<vmem>>, vector<16xi32>,
      %swap3A_529 = vector.shape_cast %swap3A_528 : vector<16xi32> to vector<16xi32>
      %swap3A_530 = vector.shape_cast %select_n3A_526 : vector<16xi32> to vector<16xi32>
      tpu.vector_store %arg10[%swap3A_527], %swap3A_530 {strides = array<i32>} : memref<128xi32, #tpu.memory_space<vmem>>, vector<16xi32>,
      "tpu.region"() ({
        %run_scoped3A_704 = tpu.sem_alloc : memref<!tpu.dma_semaphore, #tpu.memory_space<semaphore_mem>>
        %dma_start3A_705 = arith.constant 0 : i32
        %dma_start3A_706 = arith.constant 0 : i32
        %dma_start3A_707 = tpu.memref_slice %arg16[%dma_start3A_705, %dma_start3A_706] : memref<25088x32xf32, #tpu.memory_space<vmem_shared>> -> memref<25088x32xf32, #tpu.memory_space<vmem_shared>>
        tpu.enqueue_indirect_dma source(%arg11 : memref<128x32xf32, #tpu.memory_space<vmem>>) target(%dma_start3A_707 : memref<25088x32xf32, #tpu.memory_space<vmem_shared>>) offsets(%arg10 : memref<128xi32, #tpu.memory_space<vmem>>) semaphore(%run_scoped3A_704 : memref<!tpu.dma_semaphore, #tpu.memory_space<semaphore_mem>>) {add = true}
        %dma_wait3A_708 = arith.constant 0 : i32
        %dma_wait3A_709 = arith.constant 0 : i32
        %dma_wait3A_710 = tpu.memref_slice %arg16[%dma_wait3A_708, %dma_wait3A_709] : memref<25088x32xf32, #tpu.memory_space<vmem_shared>> -> memref<25088x32xf32, #tpu.memory_space<vmem_shared>>
        tpu.wait_indirect_dma semaphore(%run_scoped3A_704 : memref<!tpu.dma_semaphore, #tpu.memory_space<semaphore_mem>>) src(%arg11 : memref<128x32xf32, #tpu.memory_space<vmem>>) dst(%dma_wait3A_710 : memref<25088x32xf32, #tpu.memory_space<vmem_shared>>)
        tpu.yield
      }) : () -> ()
      %add3A_531 = arith.constant 2 : i32
      %add3A_532 = arith.addi %mul3A_360, %add3A_531 : i32
      %mul3A_533 = arith.constant 16 : i32
      %mul3A_534 = arith.muli %add3A_532, %mul3A_533 : i32
      %add3A_535 = arith.addi %mul3A_534, %arg1 : i32
      %mul3A_536 = arith.constant 128 : i32
      %mul3A_537 = arith.muli %add3A_535, %mul3A_536 : i32
      "tpu.region"() ({
        %run_scoped3A_704 = tpu.sem_alloc : memref<!tpu.dma_semaphore, #tpu.memory_space<semaphore_mem>>
        %dma_start3A_705 = tpu.memref_slice %arg4[%mul3A_537] : memref<800768xi32, #tpu.memory_space<hbm>> -> memref<128xi32, #tpu.memory_space<hbm>>
        %dma_start3A_706 = tpu.memref_slice %arg4[%mul3A_537] : memref<800768xi32, #tpu.memory_space<hbm>> -> memref<128xi32, #tpu.memory_space<hbm>>
        tpu.enqueue_dma source(%dma_start3A_706 : memref<128xi32, #tpu.memory_space<hbm>>) target(%arg7 : memref<128xi32, #tpu.memory_space<vmem>>) target_semaphore(%run_scoped3A_704 : memref<!tpu.dma_semaphore, #tpu.memory_space<semaphore_mem>>)
        %dma_wait3A_707 = tpu.memref_slice %arg4[%mul3A_537] : memref<800768xi32, #tpu.memory_space<hbm>> -> memref<128xi32, #tpu.memory_space<hbm>>
        %dma_wait3A_708 = tpu.memref_slice %arg4[%mul3A_537] : memref<800768xi32, #tpu.memory_space<hbm>> -> memref<128xi32, #tpu.memory_space<hbm>>
        tpu.wait_dma2 semaphore(%run_scoped3A_704 : memref<!tpu.dma_semaphore, #tpu.memory_space<semaphore_mem>>) src(%dma_wait3A_708 : memref<128xi32, #tpu.memory_space<hbm>>) dst(%arg7 : memref<128xi32, #tpu.memory_space<vmem>>)
        tpu.yield
      }) : () -> ()
      %dma_start3A_538 = arith.constant 0 : i32
      %dma_start3A_539 = arith.constant 0 : i32
      %dma_start3A_540 = tpu.memref_slice %arg3[%dma_start3A_538, %dma_start3A_539] : memref<50000x32xf32, #tpu.memory_space<hbm>> -> memref<50000x32xf32, #tpu.memory_space<hbm>>
      tpu.enqueue_indirect_dma source(%dma_start3A_540 : memref<50000x32xf32, #tpu.memory_space<hbm>>) target(%arg11 : memref<128x32xf32, #tpu.memory_space<vmem>>) offsets(%arg7 : memref<128xi32, #tpu.memory_space<vmem>>) semaphore(%arg14 : memref<!tpu.dma_semaphore, #tpu.memory_space<semaphore_mem>>)
      %add3A_541 = arith.constant 1 : i32
      %add3A_542 = arith.addi %mul3A_360, %add3A_541 : i32
      %dma_wait3A_543 = arith.constant 0 : i32
      %dma_wait3A_544 = arith.constant 0 : i32
      %dma_wait3A_545 = tpu.memref_slice %arg3[%dma_wait3A_543, %dma_wait3A_544] : memref<50000x32xf32, #tpu.memory_space<hbm>> -> memref<50000x32xf32, #tpu.memory_space<hbm>>
      tpu.wait_indirect_dma semaphore(%arg15 : memref<!tpu.dma_semaphore, #tpu.memory_space<semaphore_mem>>) src(%dma_wait3A_545 : memref<50000x32xf32, #tpu.memory_space<hbm>>) dst(%arg12 : memref<128x32xf32, #tpu.memory_space<vmem>>)
      %mul3A_546 = arith.constant 16 : i32
      %mul3A_547 = arith.muli %add3A_542, %mul3A_546 : i32
      %add3A_548 = arith.addi %mul3A_547, %arg1 : i32
      %mul3A_549 = arith.constant 128 : i32
      %mul3A_550 = arith.muli %add3A_548, %mul3A_549 : i32
      "tpu.region"() ({
        %run_scoped3A_704 = tpu.sem_alloc : memref<!tpu.dma_semaphore, #tpu.memory_space<semaphore_mem>>
        %dma_start3A_705 = tpu.memref_slice %arg5[%mul3A_550] : memref<800768xi32, #tpu.memory_space<hbm>> -> memref<128xi32, #tpu.memory_space<hbm>>
        %dma_start3A_706 = tpu.memref_slice %arg5[%mul3A_550] : memref<800768xi32, #tpu.memory_space<hbm>> -> memref<128xi32, #tpu.memory_space<hbm>>
        tpu.enqueue_dma source(%dma_start3A_706 : memref<128xi32, #tpu.memory_space<hbm>>) target(%arg9 : memref<128xi32, #tpu.memory_space<vmem>>) target_semaphore(%run_scoped3A_704 : memref<!tpu.dma_semaphore, #tpu.memory_space<semaphore_mem>>)
        %dma_wait3A_707 = tpu.memref_slice %arg5[%mul3A_550] : memref<800768xi32, #tpu.memory_space<hbm>> -> memref<128xi32, #tpu.memory_space<hbm>>
        %dma_wait3A_708 = tpu.memref_slice %arg5[%mul3A_550] : memref<800768xi32, #tpu.memory_space<hbm>> -> memref<128xi32, #tpu.memory_space<hbm>>
        tpu.wait_dma2 semaphore(%run_scoped3A_704 : memref<!tpu.dma_semaphore, #tpu.memory_space<semaphore_mem>>) src(%dma_wait3A_708 : memref<128xi32, #tpu.memory_space<hbm>>) dst(%arg9 : memref<128xi32, #tpu.memory_space<vmem>>)
        tpu.yield
      }) : () -> ()
      %get3A_551 = arith.constant 0 : index
      %get3A_552 = tpu.vector_load %arg9[%get3A_551] {strides = array<i32>} : memref<128xi32, #tpu.memory_space<vmem>>, vector<16xi32>,
      %get3A_553 = vector.shape_cast %get3A_552 : vector<16xi32> to vector<16xi32>
      %sub3A_554 = vector.broadcast %mul3A_0 : i32 to vector<16xi32>
      %sub3A_555 = arith.subi %get3A_553, %sub3A_554 : vector<16xi32>
      %ge3A_556 = arith.constant 0 : i32
      %ge3A_557 = vector.broadcast %ge3A_556 : i32 to vector<16xi32>
      %ge3A_558 = arith.cmpi sge, %sub3A_555, %ge3A_557 : vector<16xi32>
      %lt3A_559 = arith.constant 25000 : i32
      %lt3A_560 = vector.broadcast %lt3A_559 : i32 to vector<16xi32>
      %lt3A_561 = arith.cmpi slt, %sub3A_555, %lt3A_560 : vector<16xi32>
      %and3A_562 = arith.andi %ge3A_558, %lt3A_561 : vector<16xi1>
      %jit3A_563 = arith.constant 25000 : i32
      %broadcast_in_dim3A_564 = vector.broadcast %jit3A_563 : i32 to vector<16xi32>
      %select_n3A_565 = arith.select %and3A_562, %sub3A_555, %broadcast_in_dim3A_564 : vector<16xi1>, vector<16xi32>
      %swap3A_566 = arith.constant 0 : index
      %swap3A_567 = tpu.vector_load %arg10[%swap3A_566] {strides = array<i32>} : memref<128xi32, #tpu.memory_space<vmem>>, vector<16xi32>,
      %swap3A_568 = vector.shape_cast %swap3A_567 : vector<16xi32> to vector<16xi32>
      %swap3A_569 = vector.shape_cast %select_n3A_565 : vector<16xi32> to vector<16xi32>
      tpu.vector_store %arg10[%swap3A_566], %swap3A_569 {strides = array<i32>} : memref<128xi32, #tpu.memory_space<vmem>>, vector<16xi32>,
      %get3A_570 = arith.constant 16 : index
      %get3A_571 = tpu.vector_load %arg9[%get3A_570] {strides = array<i32>} : memref<128xi32, #tpu.memory_space<vmem>>, vector<16xi32>,
      %get3A_572 = vector.shape_cast %get3A_571 : vector<16xi32> to vector<16xi32>
      %sub3A_573 = vector.broadcast %mul3A_0 : i32 to vector<16xi32>
      %sub3A_574 = arith.subi %get3A_572, %sub3A_573 : vector<16xi32>
      %ge3A_575 = arith.constant 0 : i32
      %ge3A_576 = vector.broadcast %ge3A_575 : i32 to vector<16xi32>
      %ge3A_577 = arith.cmpi sge, %sub3A_574, %ge3A_576 : vector<16xi32>
      %lt3A_578 = arith.constant 25000 : i32
      %lt3A_579 = vector.broadcast %lt3A_578 : i32 to vector<16xi32>
      %lt3A_580 = arith.cmpi slt, %sub3A_574, %lt3A_579 : vector<16xi32>
      %and3A_581 = arith.andi %ge3A_577, %lt3A_580 : vector<16xi1>
      %jit3A_582 = arith.constant 25000 : i32
      %broadcast_in_dim3A_583 = vector.broadcast %jit3A_582 : i32 to vector<16xi32>
      %select_n3A_584 = arith.select %and3A_581, %sub3A_574, %broadcast_in_dim3A_583 : vector<16xi1>, vector<16xi32>
      %swap3A_585 = arith.constant 16 : index
      %swap3A_586 = tpu.vector_load %arg10[%swap3A_585] {strides = array<i32>} : memref<128xi32, #tpu.memory_space<vmem>>, vector<16xi32>,
      %swap3A_587 = vector.shape_cast %swap3A_586 : vector<16xi32> to vector<16xi32>
      %swap3A_588 = vector.shape_cast %select_n3A_584 : vector<16xi32> to vector<16xi32>
      tpu.vector_store %arg10[%swap3A_585], %swap3A_588 {strides = array<i32>} : memref<128xi32, #tpu.memory_space<vmem>>, vector<16xi32>,
      %get3A_589 = arith.constant 32 : index
      %get3A_590 = tpu.vector_load %arg9[%get3A_589] {strides = array<i32>} : memref<128xi32, #tpu.memory_space<vmem>>, vector<16xi32>,
      %get3A_591 = vector.shape_cast %get3A_590 : vector<16xi32> to vector<16xi32>
      %sub3A_592 = vector.broadcast %mul3A_0 : i32 to vector<16xi32>
      %sub3A_593 = arith.subi %get3A_591, %sub3A_592 : vector<16xi32>
      %ge3A_594 = arith.constant 0 : i32
      %ge3A_595 = vector.broadcast %ge3A_594 : i32 to vector<16xi32>
      %ge3A_596 = arith.cmpi sge, %sub3A_593, %ge3A_595 : vector<16xi32>
      %lt3A_597 = arith.constant 25000 : i32
      %lt3A_598 = vector.broadcast %lt3A_597 : i32 to vector<16xi32>
      %lt3A_599 = arith.cmpi slt, %sub3A_593, %lt3A_598 : vector<16xi32>
      %and3A_600 = arith.andi %ge3A_596, %lt3A_599 : vector<16xi1>
      %jit3A_601 = arith.constant 25000 : i32
      %broadcast_in_dim3A_602 = vector.broadcast %jit3A_601 : i32 to vector<16xi32>
      %select_n3A_603 = arith.select %and3A_600, %sub3A_593, %broadcast_in_dim3A_602 : vector<16xi1>, vector<16xi32>
      %swap3A_604 = arith.constant 32 : index
      %swap3A_605 = tpu.vector_load %arg10[%swap3A_604] {strides = array<i32>} : memref<128xi32, #tpu.memory_space<vmem>>, vector<16xi32>,
      %swap3A_606 = vector.shape_cast %swap3A_605 : vector<16xi32> to vector<16xi32>
      %swap3A_607 = vector.shape_cast %select_n3A_603 : vector<16xi32> to vector<16xi32>
      tpu.vector_store %arg10[%swap3A_604], %swap3A_607 {strides = array<i32>} : memref<128xi32, #tpu.memory_space<vmem>>, vector<16xi32>,
      %get3A_608 = arith.constant 48 : index
      %get3A_609 = tpu.vector_load %arg9[%get3A_608] {strides = array<i32>} : memref<128xi32, #tpu.memory_space<vmem>>, vector<16xi32>,
      %get3A_610 = vector.shape_cast %get3A_609 : vector<16xi32> to vector<16xi32>
      %sub3A_611 = vector.broadcast %mul3A_0 : i32 to vector<16xi32>
      %sub3A_612 = arith.subi %get3A_610, %sub3A_611 : vector<16xi32>
      %ge3A_613 = arith.constant 0 : i32
      %ge3A_614 = vector.broadcast %ge3A_613 : i32 to vector<16xi32>
      %ge3A_615 = arith.cmpi sge, %sub3A_612, %ge3A_614 : vector<16xi32>
      %lt3A_616 = arith.constant 25000 : i32
      %lt3A_617 = vector.broadcast %lt3A_616 : i32 to vector<16xi32>
      %lt3A_618 = arith.cmpi slt, %sub3A_612, %lt3A_617 : vector<16xi32>
      %and3A_619 = arith.andi %ge3A_615, %lt3A_618 : vector<16xi1>
      %jit3A_620 = arith.constant 25000 : i32
      %broadcast_in_dim3A_621 = vector.broadcast %jit3A_620 : i32 to vector<16xi32>
      %select_n3A_622 = arith.select %and3A_619, %sub3A_612, %broadcast_in_dim3A_621 : vector<16xi1>, vector<16xi32>
      %swap3A_623 = arith.constant 48 : index
      %swap3A_624 = tpu.vector_load %arg10[%swap3A_623] {strides = array<i32>} : memref<128xi32, #tpu.memory_space<vmem>>, vector<16xi32>,
      %swap3A_625 = vector.shape_cast %swap3A_624 : vector<16xi32> to vector<16xi32>
      %swap3A_626 = vector.shape_cast %select_n3A_622 : vector<16xi32> to vector<16xi32>
      tpu.vector_store %arg10[%swap3A_623], %swap3A_626 {strides = array<i32>} : memref<128xi32, #tpu.memory_space<vmem>>, vector<16xi32>,
      %get3A_627 = arith.constant 64 : index
      %get3A_628 = tpu.vector_load %arg9[%get3A_627] {strides = array<i32>} : memref<128xi32, #tpu.memory_space<vmem>>, vector<16xi32>,
      %get3A_629 = vector.shape_cast %get3A_628 : vector<16xi32> to vector<16xi32>
      %sub3A_630 = vector.broadcast %mul3A_0 : i32 to vector<16xi32>
      %sub3A_631 = arith.subi %get3A_629, %sub3A_630 : vector<16xi32>
      %ge3A_632 = arith.constant 0 : i32
      %ge3A_633 = vector.broadcast %ge3A_632 : i32 to vector<16xi32>
      %ge3A_634 = arith.cmpi sge, %sub3A_631, %ge3A_633 : vector<16xi32>
      %lt3A_635 = arith.constant 25000 : i32
      %lt3A_636 = vector.broadcast %lt3A_635 : i32 to vector<16xi32>
      %lt3A_637 = arith.cmpi slt, %sub3A_631, %lt3A_636 : vector<16xi32>
      %and3A_638 = arith.andi %ge3A_634, %lt3A_637 : vector<16xi1>
      %jit3A_639 = arith.constant 25000 : i32
      %broadcast_in_dim3A_640 = vector.broadcast %jit3A_639 : i32 to vector<16xi32>
      %select_n3A_641 = arith.select %and3A_638, %sub3A_631, %broadcast_in_dim3A_640 : vector<16xi1>, vector<16xi32>
      %swap3A_642 = arith.constant 64 : index
      %swap3A_643 = tpu.vector_load %arg10[%swap3A_642] {strides = array<i32>} : memref<128xi32, #tpu.memory_space<vmem>>, vector<16xi32>,
      %swap3A_644 = vector.shape_cast %swap3A_643 : vector<16xi32> to vector<16xi32>
      %swap3A_645 = vector.shape_cast %select_n3A_641 : vector<16xi32> to vector<16xi32>
      tpu.vector_store %arg10[%swap3A_642], %swap3A_645 {strides = array<i32>} : memref<128xi32, #tpu.memory_space<vmem>>, vector<16xi32>,
      %get3A_646 = arith.constant 80 : index
      %get3A_647 = tpu.vector_load %arg9[%get3A_646] {strides = array<i32>} : memref<128xi32, #tpu.memory_space<vmem>>, vector<16xi32>,
      %get3A_648 = vector.shape_cast %get3A_647 : vector<16xi32> to vector<16xi32>
      %sub3A_649 = vector.broadcast %mul3A_0 : i32 to vector<16xi32>
      %sub3A_650 = arith.subi %get3A_648, %sub3A_649 : vector<16xi32>
      %ge3A_651 = arith.constant 0 : i32
      %ge3A_652 = vector.broadcast %ge3A_651 : i32 to vector<16xi32>
      %ge3A_653 = arith.cmpi sge, %sub3A_650, %ge3A_652 : vector<16xi32>
      %lt3A_654 = arith.constant 25000 : i32
      %lt3A_655 = vector.broadcast %lt3A_654 : i32 to vector<16xi32>
      %lt3A_656 = arith.cmpi slt, %sub3A_650, %lt3A_655 : vector<16xi32>
      %and3A_657 = arith.andi %ge3A_653, %lt3A_656 : vector<16xi1>
      %jit3A_658 = arith.constant 25000 : i32
      %broadcast_in_dim3A_659 = vector.broadcast %jit3A_658 : i32 to vector<16xi32>
      %select_n3A_660 = arith.select %and3A_657, %sub3A_650, %broadcast_in_dim3A_659 : vector<16xi1>, vector<16xi32>
      %swap3A_661 = arith.constant 80 : index
      %swap3A_662 = tpu.vector_load %arg10[%swap3A_661] {strides = array<i32>} : memref<128xi32, #tpu.memory_space<vmem>>, vector<16xi32>,
      %swap3A_663 = vector.shape_cast %swap3A_662 : vector<16xi32> to vector<16xi32>
      %swap3A_664 = vector.shape_cast %select_n3A_660 : vector<16xi32> to vector<16xi32>
      tpu.vector_store %arg10[%swap3A_661], %swap3A_664 {strides = array<i32>} : memref<128xi32, #tpu.memory_space<vmem>>, vector<16xi32>,
      %get3A_665 = arith.constant 96 : index
      %get3A_666 = tpu.vector_load %arg9[%get3A_665] {strides = array<i32>} : memref<128xi32, #tpu.memory_space<vmem>>, vector<16xi32>,
      %get3A_667 = vector.shape_cast %get3A_666 : vector<16xi32> to vector<16xi32>
      %sub3A_668 = vector.broadcast %mul3A_0 : i32 to vector<16xi32>
      %sub3A_669 = arith.subi %get3A_667, %sub3A_668 : vector<16xi32>
      %ge3A_670 = arith.constant 0 : i32
      %ge3A_671 = vector.broadcast %ge3A_670 : i32 to vector<16xi32>
      %ge3A_672 = arith.cmpi sge, %sub3A_669, %ge3A_671 : vector<16xi32>
      %lt3A_673 = arith.constant 25000 : i32
      %lt3A_674 = vector.broadcast %lt3A_673 : i32 to vector<16xi32>
      %lt3A_675 = arith.cmpi slt, %sub3A_669, %lt3A_674 : vector<16xi32>
      %and3A_676 = arith.andi %ge3A_672, %lt3A_675 : vector<16xi1>
      %jit3A_677 = arith.constant 25000 : i32
      %broadcast_in_dim3A_678 = vector.broadcast %jit3A_677 : i32 to vector<16xi32>
      %select_n3A_679 = arith.select %and3A_676, %sub3A_669, %broadcast_in_dim3A_678 : vector<16xi1>, vector<16xi32>
      %swap3A_680 = arith.constant 96 : index
      %swap3A_681 = tpu.vector_load %arg10[%swap3A_680] {strides = array<i32>} : memref<128xi32, #tpu.memory_space<vmem>>, vector<16xi32>,
      %swap3A_682 = vector.shape_cast %swap3A_681 : vector<16xi32> to vector<16xi32>
      %swap3A_683 = vector.shape_cast %select_n3A_679 : vector<16xi32> to vector<16xi32>
      tpu.vector_store %arg10[%swap3A_680], %swap3A_683 {strides = array<i32>} : memref<128xi32, #tpu.memory_space<vmem>>, vector<16xi32>,
      %get3A_684 = arith.constant 112 : index
      %get3A_685 = tpu.vector_load %arg9[%get3A_684] {strides = array<i32>} : memref<128xi32, #tpu.memory_space<vmem>>, vector<16xi32>,
      %get3A_686 = vector.shape_cast %get3A_685 : vector<16xi32> to vector<16xi32>
      %sub3A_687 = vector.broadcast %mul3A_0 : i32 to vector<16xi32>
      %sub3A_688 = arith.subi %get3A_686, %sub3A_687 : vector<16xi32>
      %ge3A_689 = arith.constant 0 : i32
      %ge3A_690 = vector.broadcast %ge3A_689 : i32 to vector<16xi32>
      %ge3A_691 = arith.cmpi sge, %sub3A_688, %ge3A_690 : vector<16xi32>
      %lt3A_692 = arith.constant 25000 : i32
      %lt3A_693 = vector.broadcast %lt3A_692 : i32 to vector<16xi32>
      %lt3A_694 = arith.cmpi slt, %sub3A_688, %lt3A_693 : vector<16xi32>
      %and3A_695 = arith.andi %ge3A_691, %lt3A_694 : vector<16xi1>
      %jit3A_696 = arith.constant 25000 : i32
      %broadcast_in_dim3A_697 = vector.broadcast %jit3A_696 : i32 to vector<16xi32>
      %select_n3A_698 = arith.select %and3A_695, %sub3A_688, %broadcast_in_dim3A_697 : vector<16xi1>, vector<16xi32>
      %swap3A_699 = arith.constant 112 : index
      %swap3A_700 = tpu.vector_load %arg10[%swap3A_699] {strides = array<i32>} : memref<128xi32, #tpu.memory_space<vmem>>, vector<16xi32>,
      %swap3A_701 = vector.shape_cast %swap3A_700 : vector<16xi32> to vector<16xi32>
      %swap3A_702 = vector.shape_cast %select_n3A_698 : vector<16xi32> to vector<16xi32>
      tpu.vector_store %arg10[%swap3A_699], %swap3A_702 {strides = array<i32>} : memref<128xi32, #tpu.memory_space<vmem>>, vector<16xi32>,
      "tpu.region"() ({
        %run_scoped3A_704 = tpu.sem_alloc : memref<!tpu.dma_semaphore, #tpu.memory_space<semaphore_mem>>
        %dma_start3A_705 = arith.constant 0 : i32
        %dma_start3A_706 = arith.constant 0 : i32
        %dma_start3A_707 = tpu.memref_slice %arg16[%dma_start3A_705, %dma_start3A_706] : memref<25088x32xf32, #tpu.memory_space<vmem_shared>> -> memref<25088x32xf32, #tpu.memory_space<vmem_shared>>
        tpu.enqueue_indirect_dma source(%arg12 : memref<128x32xf32, #tpu.memory_space<vmem>>) target(%dma_start3A_707 : memref<25088x32xf32, #tpu.memory_space<vmem_shared>>) offsets(%arg10 : memref<128xi32, #tpu.memory_space<vmem>>) semaphore(%run_scoped3A_704 : memref<!tpu.dma_semaphore, #tpu.memory_space<semaphore_mem>>) {add = true}
        %dma_wait3A_708 = arith.constant 0 : i32
        %dma_wait3A_709 = arith.constant 0 : i32
        %dma_wait3A_710 = tpu.memref_slice %arg16[%dma_wait3A_708, %dma_wait3A_709] : memref<25088x32xf32, #tpu.memory_space<vmem_shared>> -> memref<25088x32xf32, #tpu.memory_space<vmem_shared>>
        tpu.wait_indirect_dma semaphore(%run_scoped3A_704 : memref<!tpu.dma_semaphore, #tpu.memory_space<semaphore_mem>>) src(%arg12 : memref<128x32xf32, #tpu.memory_space<vmem>>) dst(%dma_wait3A_710 : memref<25088x32xf32, #tpu.memory_space<vmem_shared>>)
        tpu.yield
      }) : () -> ()
      %scan3A_703 = arith.constant 0 : i32
      scf.yield %scan3A_703 : i32
    }
    %scan3A_191 = arith.constant 195 : i32
    %dma_wait3A_192 = arith.constant 0 : i32
    %dma_wait3A_193 = arith.constant 0 : i32
    %dma_wait3A_194 = tpu.memref_slice %arg3[%dma_wait3A_192, %dma_wait3A_193] : memref<50000x32xf32, #tpu.memory_space<hbm>> -> memref<50000x32xf32, #tpu.memory_space<hbm>>
    tpu.wait_indirect_dma semaphore(%arg14 : memref<!tpu.dma_semaphore, #tpu.memory_space<semaphore_mem>>) src(%dma_wait3A_194 : memref<50000x32xf32, #tpu.memory_space<hbm>>) dst(%arg11 : memref<128x32xf32, #tpu.memory_space<vmem>>)
    %add3A_195 = arith.constant 6240 : i32
    %add3A_196 = arith.addi %add3A_195, %arg1 : i32
    %mul3A_197 = arith.constant 128 : i32
    %mul3A_198 = arith.muli %add3A_196, %mul3A_197 : i32
    "tpu.region"() ({
      %run_scoped3A_357 = tpu.sem_alloc : memref<!tpu.dma_semaphore, #tpu.memory_space<semaphore_mem>>
      %dma_start3A_358 = tpu.memref_slice %arg5[%mul3A_198] : memref<800768xi32, #tpu.memory_space<hbm>> -> memref<128xi32, #tpu.memory_space<hbm>>
      %dma_start3A_359 = tpu.memref_slice %arg5[%mul3A_198] : memref<800768xi32, #tpu.memory_space<hbm>> -> memref<128xi32, #tpu.memory_space<hbm>>
      tpu.enqueue_dma source(%dma_start3A_359 : memref<128xi32, #tpu.memory_space<hbm>>) target(%arg9 : memref<128xi32, #tpu.memory_space<vmem>>) target_semaphore(%run_scoped3A_357 : memref<!tpu.dma_semaphore, #tpu.memory_space<semaphore_mem>>)
      %dma_wait3A_360 = tpu.memref_slice %arg5[%mul3A_198] : memref<800768xi32, #tpu.memory_space<hbm>> -> memref<128xi32, #tpu.memory_space<hbm>>
      %dma_wait3A_361 = tpu.memref_slice %arg5[%mul3A_198] : memref<800768xi32, #tpu.memory_space<hbm>> -> memref<128xi32, #tpu.memory_space<hbm>>
      tpu.wait_dma2 semaphore(%run_scoped3A_357 : memref<!tpu.dma_semaphore, #tpu.memory_space<semaphore_mem>>) src(%dma_wait3A_361 : memref<128xi32, #tpu.memory_space<hbm>>) dst(%arg9 : memref<128xi32, #tpu.memory_space<vmem>>)
      tpu.yield
    }) : () -> ()
    %get3A_199 = arith.constant 0 : index
    %get3A_200 = tpu.vector_load %arg9[%get3A_199] {strides = array<i32>} : memref<128xi32, #tpu.memory_space<vmem>>, vector<16xi32>,
    %get3A_201 = vector.shape_cast %get3A_200 : vector<16xi32> to vector<16xi32>
    %sub3A_202 = vector.broadcast %mul3A_0 : i32 to vector<16xi32>
    %sub3A_203 = arith.subi %get3A_201, %sub3A_202 : vector<16xi32>
    %ge3A_204 = arith.constant 0 : i32
    %ge3A_205 = vector.broadcast %ge3A_204 : i32 to vector<16xi32>
    %ge3A_206 = arith.cmpi sge, %sub3A_203, %ge3A_205 : vector<16xi32>
    %lt3A_207 = arith.constant 25000 : i32
    %lt3A_208 = vector.broadcast %lt3A_207 : i32 to vector<16xi32>
    %lt3A_209 = arith.cmpi slt, %sub3A_203, %lt3A_208 : vector<16xi32>
    %and3A_210 = arith.andi %ge3A_206, %lt3A_209 : vector<16xi1>
    %jit3A_211 = arith.constant 25000 : i32
    %broadcast_in_dim3A_212 = vector.broadcast %jit3A_211 : i32 to vector<16xi32>
    %select_n3A_213 = arith.select %and3A_210, %sub3A_203, %broadcast_in_dim3A_212 : vector<16xi1>, vector<16xi32>
    %swap3A_214 = arith.constant 0 : index
    %swap3A_215 = tpu.vector_load %arg10[%swap3A_214] {strides = array<i32>} : memref<128xi32, #tpu.memory_space<vmem>>, vector<16xi32>,
    %swap3A_216 = vector.shape_cast %swap3A_215 : vector<16xi32> to vector<16xi32>
    %swap3A_217 = vector.shape_cast %select_n3A_213 : vector<16xi32> to vector<16xi32>
    tpu.vector_store %arg10[%swap3A_214], %swap3A_217 {strides = array<i32>} : memref<128xi32, #tpu.memory_space<vmem>>, vector<16xi32>,
    %get3A_218 = arith.constant 16 : index
    %get3A_219 = tpu.vector_load %arg9[%get3A_218] {strides = array<i32>} : memref<128xi32, #tpu.memory_space<vmem>>, vector<16xi32>,
    %get3A_220 = vector.shape_cast %get3A_219 : vector<16xi32> to vector<16xi32>
    %sub3A_221 = vector.broadcast %mul3A_0 : i32 to vector<16xi32>
    %sub3A_222 = arith.subi %get3A_220, %sub3A_221 : vector<16xi32>
    %ge3A_223 = arith.constant 0 : i32
    %ge3A_224 = vector.broadcast %ge3A_223 : i32 to vector<16xi32>
    %ge3A_225 = arith.cmpi sge, %sub3A_222, %ge3A_224 : vector<16xi32>
    %lt3A_226 = arith.constant 25000 : i32
    %lt3A_227 = vector.broadcast %lt3A_226 : i32 to vector<16xi32>
    %lt3A_228 = arith.cmpi slt, %sub3A_222, %lt3A_227 : vector<16xi32>
    %and3A_229 = arith.andi %ge3A_225, %lt3A_228 : vector<16xi1>
    %jit3A_230 = arith.constant 25000 : i32
    %broadcast_in_dim3A_231 = vector.broadcast %jit3A_230 : i32 to vector<16xi32>
    %select_n3A_232 = arith.select %and3A_229, %sub3A_222, %broadcast_in_dim3A_231 : vector<16xi1>, vector<16xi32>
    %swap3A_233 = arith.constant 16 : index
    %swap3A_234 = tpu.vector_load %arg10[%swap3A_233] {strides = array<i32>} : memref<128xi32, #tpu.memory_space<vmem>>, vector<16xi32>,
    %swap3A_235 = vector.shape_cast %swap3A_234 : vector<16xi32> to vector<16xi32>
    %swap3A_236 = vector.shape_cast %select_n3A_232 : vector<16xi32> to vector<16xi32>
    tpu.vector_store %arg10[%swap3A_233], %swap3A_236 {strides = array<i32>} : memref<128xi32, #tpu.memory_space<vmem>>, vector<16xi32>,
    %get3A_237 = arith.constant 32 : index
    %get3A_238 = tpu.vector_load %arg9[%get3A_237] {strides = array<i32>} : memref<128xi32, #tpu.memory_space<vmem>>, vector<16xi32>,
    %get3A_239 = vector.shape_cast %get3A_238 : vector<16xi32> to vector<16xi32>
    %sub3A_240 = vector.broadcast %mul3A_0 : i32 to vector<16xi32>
    %sub3A_241 = arith.subi %get3A_239, %sub3A_240 : vector<16xi32>
    %ge3A_242 = arith.constant 0 : i32
    %ge3A_243 = vector.broadcast %ge3A_242 : i32 to vector<16xi32>
    %ge3A_244 = arith.cmpi sge, %sub3A_241, %ge3A_243 : vector<16xi32>
    %lt3A_245 = arith.constant 25000 : i32
    %lt3A_246 = vector.broadcast %lt3A_245 : i32 to vector<16xi32>
    %lt3A_247 = arith.cmpi slt, %sub3A_241, %lt3A_246 : vector<16xi32>
    %and3A_248 = arith.andi %ge3A_244, %lt3A_247 : vector<16xi1>
    %jit3A_249 = arith.constant 25000 : i32
    %broadcast_in_dim3A_250 = vector.broadcast %jit3A_249 : i32 to vector<16xi32>
    %select_n3A_251 = arith.select %and3A_248, %sub3A_241, %broadcast_in_dim3A_250 : vector<16xi1>, vector<16xi32>
    %swap3A_252 = arith.constant 32 : index
    %swap3A_253 = tpu.vector_load %arg10[%swap3A_252] {strides = array<i32>} : memref<128xi32, #tpu.memory_space<vmem>>, vector<16xi32>,
    %swap3A_254 = vector.shape_cast %swap3A_253 : vector<16xi32> to vector<16xi32>
    %swap3A_255 = vector.shape_cast %select_n3A_251 : vector<16xi32> to vector<16xi32>
    tpu.vector_store %arg10[%swap3A_252], %swap3A_255 {strides = array<i32>} : memref<128xi32, #tpu.memory_space<vmem>>, vector<16xi32>,
    %get3A_256 = arith.constant 48 : index
    %get3A_257 = tpu.vector_load %arg9[%get3A_256] {strides = array<i32>} : memref<128xi32, #tpu.memory_space<vmem>>, vector<16xi32>,
    %get3A_258 = vector.shape_cast %get3A_257 : vector<16xi32> to vector<16xi32>
    %sub3A_259 = vector.broadcast %mul3A_0 : i32 to vector<16xi32>
    %sub3A_260 = arith.subi %get3A_258, %sub3A_259 : vector<16xi32>
    %ge3A_261 = arith.constant 0 : i32
    %ge3A_262 = vector.broadcast %ge3A_261 : i32 to vector<16xi32>
    %ge3A_263 = arith.cmpi sge, %sub3A_260, %ge3A_262 : vector<16xi32>
    %lt3A_264 = arith.constant 25000 : i32
    %lt3A_265 = vector.broadcast %lt3A_264 : i32 to vector<16xi32>
    %lt3A_266 = arith.cmpi slt, %sub3A_260, %lt3A_265 : vector<16xi32>
    %and3A_267 = arith.andi %ge3A_263, %lt3A_266 : vector<16xi1>
    %jit3A_268 = arith.constant 25000 : i32
    %broadcast_in_dim3A_269 = vector.broadcast %jit3A_268 : i32 to vector<16xi32>
    %select_n3A_270 = arith.select %and3A_267, %sub3A_260, %broadcast_in_dim3A_269 : vector<16xi1>, vector<16xi32>
    %swap3A_271 = arith.constant 48 : index
    %swap3A_272 = tpu.vector_load %arg10[%swap3A_271] {strides = array<i32>} : memref<128xi32, #tpu.memory_space<vmem>>, vector<16xi32>,
    %swap3A_273 = vector.shape_cast %swap3A_272 : vector<16xi32> to vector<16xi32>
    %swap3A_274 = vector.shape_cast %select_n3A_270 : vector<16xi32> to vector<16xi32>
    tpu.vector_store %arg10[%swap3A_271], %swap3A_274 {strides = array<i32>} : memref<128xi32, #tpu.memory_space<vmem>>, vector<16xi32>,
    %get3A_275 = arith.constant 64 : index
    %get3A_276 = tpu.vector_load %arg9[%get3A_275] {strides = array<i32>} : memref<128xi32, #tpu.memory_space<vmem>>, vector<16xi32>,
    %get3A_277 = vector.shape_cast %get3A_276 : vector<16xi32> to vector<16xi32>
    %sub3A_278 = vector.broadcast %mul3A_0 : i32 to vector<16xi32>
    %sub3A_279 = arith.subi %get3A_277, %sub3A_278 : vector<16xi32>
    %ge3A_280 = arith.constant 0 : i32
    %ge3A_281 = vector.broadcast %ge3A_280 : i32 to vector<16xi32>
    %ge3A_282 = arith.cmpi sge, %sub3A_279, %ge3A_281 : vector<16xi32>
    %lt3A_283 = arith.constant 25000 : i32
    %lt3A_284 = vector.broadcast %lt3A_283 : i32 to vector<16xi32>
    %lt3A_285 = arith.cmpi slt, %sub3A_279, %lt3A_284 : vector<16xi32>
    %and3A_286 = arith.andi %ge3A_282, %lt3A_285 : vector<16xi1>
    %jit3A_287 = arith.constant 25000 : i32
    %broadcast_in_dim3A_288 = vector.broadcast %jit3A_287 : i32 to vector<16xi32>
    %select_n3A_289 = arith.select %and3A_286, %sub3A_279, %broadcast_in_dim3A_288 : vector<16xi1>, vector<16xi32>
    %swap3A_290 = arith.constant 64 : index
    %swap3A_291 = tpu.vector_load %arg10[%swap3A_290] {strides = array<i32>} : memref<128xi32, #tpu.memory_space<vmem>>, vector<16xi32>,
    %swap3A_292 = vector.shape_cast %swap3A_291 : vector<16xi32> to vector<16xi32>
    %swap3A_293 = vector.shape_cast %select_n3A_289 : vector<16xi32> to vector<16xi32>
    tpu.vector_store %arg10[%swap3A_290], %swap3A_293 {strides = array<i32>} : memref<128xi32, #tpu.memory_space<vmem>>, vector<16xi32>,
    %get3A_294 = arith.constant 80 : index
    %get3A_295 = tpu.vector_load %arg9[%get3A_294] {strides = array<i32>} : memref<128xi32, #tpu.memory_space<vmem>>, vector<16xi32>,
    %get3A_296 = vector.shape_cast %get3A_295 : vector<16xi32> to vector<16xi32>
    %sub3A_297 = vector.broadcast %mul3A_0 : i32 to vector<16xi32>
    %sub3A_298 = arith.subi %get3A_296, %sub3A_297 : vector<16xi32>
    %ge3A_299 = arith.constant 0 : i32
    %ge3A_300 = vector.broadcast %ge3A_299 : i32 to vector<16xi32>
    %ge3A_301 = arith.cmpi sge, %sub3A_298, %ge3A_300 : vector<16xi32>
    %lt3A_302 = arith.constant 25000 : i32
    %lt3A_303 = vector.broadcast %lt3A_302 : i32 to vector<16xi32>
    %lt3A_304 = arith.cmpi slt, %sub3A_298, %lt3A_303 : vector<16xi32>
    %and3A_305 = arith.andi %ge3A_301, %lt3A_304 : vector<16xi1>
    %jit3A_306 = arith.constant 25000 : i32
    %broadcast_in_dim3A_307 = vector.broadcast %jit3A_306 : i32 to vector<16xi32>
    %select_n3A_308 = arith.select %and3A_305, %sub3A_298, %broadcast_in_dim3A_307 : vector<16xi1>, vector<16xi32>
    %swap3A_309 = arith.constant 80 : index
    %swap3A_310 = tpu.vector_load %arg10[%swap3A_309] {strides = array<i32>} : memref<128xi32, #tpu.memory_space<vmem>>, vector<16xi32>,
    %swap3A_311 = vector.shape_cast %swap3A_310 : vector<16xi32> to vector<16xi32>
    %swap3A_312 = vector.shape_cast %select_n3A_308 : vector<16xi32> to vector<16xi32>
    tpu.vector_store %arg10[%swap3A_309], %swap3A_312 {strides = array<i32>} : memref<128xi32, #tpu.memory_space<vmem>>, vector<16xi32>,
    %get3A_313 = arith.constant 96 : index
    %get3A_314 = tpu.vector_load %arg9[%get3A_313] {strides = array<i32>} : memref<128xi32, #tpu.memory_space<vmem>>, vector<16xi32>,
    %get3A_315 = vector.shape_cast %get3A_314 : vector<16xi32> to vector<16xi32>
    %sub3A_316 = vector.broadcast %mul3A_0 : i32 to vector<16xi32>
    %sub3A_317 = arith.subi %get3A_315, %sub3A_316 : vector<16xi32>
    %ge3A_318 = arith.constant 0 : i32
    %ge3A_319 = vector.broadcast %ge3A_318 : i32 to vector<16xi32>
    %ge3A_320 = arith.cmpi sge, %sub3A_317, %ge3A_319 : vector<16xi32>
    %lt3A_321 = arith.constant 25000 : i32
    %lt3A_322 = vector.broadcast %lt3A_321 : i32 to vector<16xi32>
    %lt3A_323 = arith.cmpi slt, %sub3A_317, %lt3A_322 : vector<16xi32>
    %and3A_324 = arith.andi %ge3A_320, %lt3A_323 : vector<16xi1>
    %jit3A_325 = arith.constant 25000 : i32
    %broadcast_in_dim3A_326 = vector.broadcast %jit3A_325 : i32 to vector<16xi32>
    %select_n3A_327 = arith.select %and3A_324, %sub3A_317, %broadcast_in_dim3A_326 : vector<16xi1>, vector<16xi32>
    %swap3A_328 = arith.constant 96 : index
    %swap3A_329 = tpu.vector_load %arg10[%swap3A_328] {strides = array<i32>} : memref<128xi32, #tpu.memory_space<vmem>>, vector<16xi32>,
    %swap3A_330 = vector.shape_cast %swap3A_329 : vector<16xi32> to vector<16xi32>
    %swap3A_331 = vector.shape_cast %select_n3A_327 : vector<16xi32> to vector<16xi32>
    tpu.vector_store %arg10[%swap3A_328], %swap3A_331 {strides = array<i32>} : memref<128xi32, #tpu.memory_space<vmem>>, vector<16xi32>,
    %get3A_332 = arith.constant 112 : index
    %get3A_333 = tpu.vector_load %arg9[%get3A_332] {strides = array<i32>} : memref<128xi32, #tpu.memory_space<vmem>>, vector<16xi32>,
    %get3A_334 = vector.shape_cast %get3A_333 : vector<16xi32> to vector<16xi32>
    %sub3A_335 = vector.broadcast %mul3A_0 : i32 to vector<16xi32>
    %sub3A_336 = arith.subi %get3A_334, %sub3A_335 : vector<16xi32>
    %ge3A_337 = arith.constant 0 : i32
    %ge3A_338 = vector.broadcast %ge3A_337 : i32 to vector<16xi32>
    %ge3A_339 = arith.cmpi sge, %sub3A_336, %ge3A_338 : vector<16xi32>
    %lt3A_340 = arith.constant 25000 : i32
    %lt3A_341 = vector.broadcast %lt3A_340 : i32 to vector<16xi32>
    %lt3A_342 = arith.cmpi slt, %sub3A_336, %lt3A_341 : vector<16xi32>
    %and3A_343 = arith.andi %ge3A_339, %lt3A_342 : vector<16xi1>
    %jit3A_344 = arith.constant 25000 : i32
    %broadcast_in_dim3A_345 = vector.broadcast %jit3A_344 : i32 to vector<16xi32>
    %select_n3A_346 = arith.select %and3A_343, %sub3A_336, %broadcast_in_dim3A_345 : vector<16xi1>, vector<16xi32>
    %swap3A_347 = arith.constant 112 : index
    %swap3A_348 = tpu.vector_load %arg10[%swap3A_347] {strides = array<i32>} : memref<128xi32, #tpu.memory_space<vmem>>, vector<16xi32>,
    %swap3A_349 = vector.shape_cast %swap3A_348 : vector<16xi32> to vector<16xi32>
    %swap3A_350 = vector.shape_cast %select_n3A_346 : vector<16xi32> to vector<16xi32>
    tpu.vector_store %arg10[%swap3A_347], %swap3A_350 {strides = array<i32>} : memref<128xi32, #tpu.memory_space<vmem>>, vector<16xi32>,
    "tpu.region"() ({
      %run_scoped3A_357 = tpu.sem_alloc : memref<!tpu.dma_semaphore, #tpu.memory_space<semaphore_mem>>
      %dma_start3A_358 = arith.constant 0 : i32
      %dma_start3A_359 = arith.constant 0 : i32
      %dma_start3A_360 = tpu.memref_slice %arg16[%dma_start3A_358, %dma_start3A_359] : memref<25088x32xf32, #tpu.memory_space<vmem_shared>> -> memref<25088x32xf32, #tpu.memory_space<vmem_shared>>
      tpu.enqueue_indirect_dma source(%arg11 : memref<128x32xf32, #tpu.memory_space<vmem>>) target(%dma_start3A_360 : memref<25088x32xf32, #tpu.memory_space<vmem_shared>>) offsets(%arg10 : memref<128xi32, #tpu.memory_space<vmem>>) semaphore(%run_scoped3A_357 : memref<!tpu.dma_semaphore, #tpu.memory_space<semaphore_mem>>) {add = true}
      %dma_wait3A_361 = arith.constant 0 : i32
      %dma_wait3A_362 = arith.constant 0 : i32
      %dma_wait3A_363 = tpu.memref_slice %arg16[%dma_wait3A_361, %dma_wait3A_362] : memref<25088x32xf32, #tpu.memory_space<vmem_shared>> -> memref<25088x32xf32, #tpu.memory_space<vmem_shared>>
      tpu.wait_indirect_dma semaphore(%run_scoped3A_357 : memref<!tpu.dma_semaphore, #tpu.memory_space<semaphore_mem>>) src(%arg11 : memref<128x32xf32, #tpu.memory_space<vmem>>) dst(%dma_wait3A_363 : memref<25088x32xf32, #tpu.memory_space<vmem_shared>>)
      tpu.yield
    }) : () -> ()
    %barrier3A_351 = arith.constant 0 : index
    tpu.barrier barrier_id(%barrier3A_351)
    %mul3A_352 = arith.constant 1568 : i32
    %mul3A_353 = arith.muli %arg1, %mul3A_352 : i32
    %mul3A_354 = arith.constant 1568 : i32
    %mul3A_355 = arith.muli %arg1, %mul3A_354 : i32
    %run_scoped3A_356 = arith.constant 1 : i32
    "tpu.region"() ({
      %run_scoped3A_357 = tpu.sem_alloc : memref<!tpu.dma_semaphore, #tpu.memory_space<semaphore_mem>>
      %dma_start3A_358 = arith.constant 0 : i32
      %dma_start3A_359 = tpu.memref_slice %arg6[%arg0, %run_scoped3A_356, %mul3A_355, %dma_start3A_358] : memref<2x2x25088x32xf32, #tpu.memory_space<hbm>> -> memref<1x1x1568x32xf32, #tpu.memory_space<hbm>>
      %dma_start3A_360 = tpu.memref_squeeze %dma_start3A_359 : memref<1x1x1568x32xf32, #tpu.memory_space<hbm>> -> memref<1568x32xf32, #tpu.memory_space<hbm>>
      %dma_start3A_361 = arith.constant 0 : i32
      %dma_start3A_362 = tpu.memref_slice %arg16[%mul3A_353, %dma_start3A_361] : memref<25088x32xf32, #tpu.memory_space<vmem_shared>> -> memref<1568x32xf32, #tpu.memory_space<vmem_shared>>
      tpu.enqueue_dma source(%dma_start3A_362 : memref<1568x32xf32, #tpu.memory_space<vmem_shared>>) target(%dma_start3A_360 : memref<1568x32xf32, #tpu.memory_space<hbm>>) target_semaphore(%run_scoped3A_357 : memref<!tpu.dma_semaphore, #tpu.memory_space<semaphore_mem>>)
      %dma_wait3A_363 = arith.constant 0 : i32
      %dma_wait3A_364 = tpu.memref_slice %arg6[%arg0, %run_scoped3A_356, %mul3A_355, %dma_wait3A_363] : memref<2x2x25088x32xf32, #tpu.memory_space<hbm>> -> memref<1x1x1568x32xf32, #tpu.memory_space<hbm>>
      %dma_wait3A_365 = tpu.memref_squeeze %dma_wait3A_364 : memref<1x1x1568x32xf32, #tpu.memory_space<hbm>> -> memref<1568x32xf32, #tpu.memory_space<hbm>>
      %dma_wait3A_366 = arith.constant 0 : i32
      %dma_wait3A_367 = tpu.memref_slice %arg16[%mul3A_353, %dma_wait3A_366] : memref<25088x32xf32, #tpu.memory_space<vmem_shared>> -> memref<1568x32xf32, #tpu.memory_space<vmem_shared>>
      tpu.wait_dma2 semaphore(%run_scoped3A_357 : memref<!tpu.dma_semaphore, #tpu.memory_space<semaphore_mem>>) src(%dma_wait3A_367 : memref<1568x32xf32, #tpu.memory_space<vmem_shared>>) dst(%dma_wait3A_365 : memref<1568x32xf32, #tpu.memory_space<hbm>>)
      tpu.yield
    }) : () -> ()
    return
  }
}

#map = affine_map<(d0, d1) -> (0)>
#map1 = affine_map<(d0, d1) -> (0, 0)>
#map2 = affine_map<(d0, d1) -> (0, 0, 0)>
module attributes {stable_mosaic.version = 14 : i64} {
  func.func @_sc_degrees(%arg0: i32, %arg1: i32, %arg2: memref<800768xi32, #tpu.memory_space<hbm>>, %arg3: memref<800768xi32, #tpu.memory_space<hbm>>, %arg4: memref<128x8xf32, #tpu.memory_space<hbm>>, %arg5: memref<1568x8xf32, #tpu.memory_space<hbm>>, %arg6: memref<2x25088x8xf32, #tpu.memory_space<hbm>>, %arg7: memref<2x25088x8xf32, #tpu.memory_space<hbm>>, %arg8: memref<128xi32, #tpu.memory_space<vmem>>, %arg9: memref<128xi32, #tpu.memory_space<vmem>>, %arg10: memref<128x8xf32, #tpu.memory_space<vmem>>, %arg11: memref<1568x8xf32, #tpu.memory_space<vmem>>, %arg12: memref<25088x8xf32, #tpu.memory_space<vmem_shared>>) attributes {dimension_semantics = [#tpu.dimension_semantics<core_parallel>, #tpu.dimension_semantics<subcore_parallel>], iteration_bounds = array<i64: 2, 16>, scalar_prefetch = 0 : i64, scratch_operands = 5 : i64, tpu.core_type = #tpu.core_type<sc_vector_subcore>, window_params = [{transform_indices = #map}, {transform_indices = #map}, {transform_indices = #map1}, {transform_indices = #map1}, {transform_indices = #map2}, {transform_indices = #map2}]} {
    %mul3A = arith.constant 25000 : i32
    %mul3A_0 = arith.muli %arg0, %mul3A : i32
    "tpu.region"() ({
      %run_scoped3A = tpu.sem_alloc : memref<!tpu.dma_semaphore, #tpu.memory_space<semaphore_mem>>
      tpu.enqueue_dma source(%arg4 : memref<128x8xf32, #tpu.memory_space<hbm>>) target(%arg10 : memref<128x8xf32, #tpu.memory_space<vmem>>) target_semaphore(%run_scoped3A : memref<!tpu.dma_semaphore, #tpu.memory_space<semaphore_mem>>)
      tpu.wait_dma2 semaphore(%run_scoped3A : memref<!tpu.dma_semaphore, #tpu.memory_space<semaphore_mem>>) src(%arg4 : memref<128x8xf32, #tpu.memory_space<hbm>>) dst(%arg10 : memref<128x8xf32, #tpu.memory_space<vmem>>)
      tpu.yield
    }) : () -> ()
    "tpu.region"() ({
      %run_scoped3A = tpu.sem_alloc : memref<!tpu.dma_semaphore, #tpu.memory_space<semaphore_mem>>
      tpu.enqueue_dma source(%arg5 : memref<1568x8xf32, #tpu.memory_space<hbm>>) target(%arg11 : memref<1568x8xf32, #tpu.memory_space<vmem>>) target_semaphore(%run_scoped3A : memref<!tpu.dma_semaphore, #tpu.memory_space<semaphore_mem>>)
      tpu.wait_dma2 semaphore(%run_scoped3A : memref<!tpu.dma_semaphore, #tpu.memory_space<semaphore_mem>>) src(%arg5 : memref<1568x8xf32, #tpu.memory_space<hbm>>) dst(%arg11 : memref<1568x8xf32, #tpu.memory_space<vmem>>)
      tpu.yield
    }) : () -> ()
    %mul3A_1 = arith.constant 1568 : i32
    %mul3A_2 = arith.muli %arg1, %mul3A_1 : i32
    "tpu.region"() ({
      %run_scoped3A = tpu.sem_alloc : memref<!tpu.dma_semaphore, #tpu.memory_space<semaphore_mem>>
      %dma_start3A = arith.constant 0 : i32
      %dma_start3A_29 = tpu.memref_slice %arg12[%mul3A_2, %dma_start3A] : memref<25088x8xf32, #tpu.memory_space<vmem_shared>> -> memref<1568x8xf32, #tpu.memory_space<vmem_shared>>
      %dma_start3A_30 = arith.constant 0 : i32
      %dma_start3A_31 = tpu.memref_slice %arg12[%mul3A_2, %dma_start3A_30] : memref<25088x8xf32, #tpu.memory_space<vmem_shared>> -> memref<1568x8xf32, #tpu.memory_space<vmem_shared>>
      tpu.enqueue_dma source(%arg11 : memref<1568x8xf32, #tpu.memory_space<vmem>>) target(%dma_start3A_31 : memref<1568x8xf32, #tpu.memory_space<vmem_shared>>) target_semaphore(%run_scoped3A : memref<!tpu.dma_semaphore, #tpu.memory_space<semaphore_mem>>)
      %dma_wait3A = arith.constant 0 : i32
      %dma_wait3A_32 = tpu.memref_slice %arg12[%mul3A_2, %dma_wait3A] : memref<25088x8xf32, #tpu.memory_space<vmem_shared>> -> memref<1568x8xf32, #tpu.memory_space<vmem_shared>>
      %dma_wait3A_33 = arith.constant 0 : i32
      %dma_wait3A_34 = tpu.memref_slice %arg12[%mul3A_2, %dma_wait3A_33] : memref<25088x8xf32, #tpu.memory_space<vmem_shared>> -> memref<1568x8xf32, #tpu.memory_space<vmem_shared>>
      tpu.wait_dma2 semaphore(%run_scoped3A : memref<!tpu.dma_semaphore, #tpu.memory_space<semaphore_mem>>) src(%arg11 : memref<1568x8xf32, #tpu.memory_space<vmem>>) dst(%dma_wait3A_34 : memref<1568x8xf32, #tpu.memory_space<vmem_shared>>)
      tpu.yield
    }) : () -> ()
    %barrier3A = arith.constant 0 : index
    tpu.barrier barrier_id(%barrier3A)
    %scan3A = arith.constant 0 : i32
    %scan3A_3 = arith.constant 0 : i32
    %scan3A_4 = arith.constant 391 : i32
    %scan3A_5 = arith.addi %scan3A_3, %scan3A_4 : i32
    %scan3A_6 = arith.constant 1 : i32
    %scan3A_7 = scf.for %scan3A_29 = %scan3A_3 to %scan3A_5 step %scan3A_6 iter_args(%scan3A_30 = %scan3A) -> (i32)  : i32 {
      %mul3A_31 = arith.constant 16 : i32
      %mul3A_32 = arith.muli %scan3A_29, %mul3A_31 : i32
      %add3A = arith.addi %mul3A_32, %arg1 : i32
      %mul3A_33 = arith.constant 128 : i32
      %mul3A_34 = arith.muli %add3A, %mul3A_33 : i32
      "tpu.region"() ({
        %run_scoped3A = tpu.sem_alloc : memref<!tpu.dma_semaphore, #tpu.memory_space<semaphore_mem>>
        %dma_start3A = tpu.memref_slice %arg2[%mul3A_34] : memref<800768xi32, #tpu.memory_space<hbm>> -> memref<128xi32, #tpu.memory_space<hbm>>
        %dma_start3A_179 = tpu.memref_slice %arg2[%mul3A_34] : memref<800768xi32, #tpu.memory_space<hbm>> -> memref<128xi32, #tpu.memory_space<hbm>>
        tpu.enqueue_dma source(%dma_start3A_179 : memref<128xi32, #tpu.memory_space<hbm>>) target(%arg8 : memref<128xi32, #tpu.memory_space<vmem>>) target_semaphore(%run_scoped3A : memref<!tpu.dma_semaphore, #tpu.memory_space<semaphore_mem>>)
        %dma_wait3A = tpu.memref_slice %arg2[%mul3A_34] : memref<800768xi32, #tpu.memory_space<hbm>> -> memref<128xi32, #tpu.memory_space<hbm>>
        %dma_wait3A_180 = tpu.memref_slice %arg2[%mul3A_34] : memref<800768xi32, #tpu.memory_space<hbm>> -> memref<128xi32, #tpu.memory_space<hbm>>
        tpu.wait_dma2 semaphore(%run_scoped3A : memref<!tpu.dma_semaphore, #tpu.memory_space<semaphore_mem>>) src(%dma_wait3A_180 : memref<128xi32, #tpu.memory_space<hbm>>) dst(%arg8 : memref<128xi32, #tpu.memory_space<vmem>>)
        tpu.yield
      }) : () -> ()
      %get3A = arith.constant 0 : index
      %get3A_35 = tpu.vector_load %arg8[%get3A] {strides = array<i32>} : memref<128xi32, #tpu.memory_space<vmem>>, vector<16xi32>,
      %get3A_36 = vector.shape_cast %get3A_35 : vector<16xi32> to vector<16xi32>
      %sub3A = vector.broadcast %mul3A_0 : i32 to vector<16xi32>
      %sub3A_37 = arith.subi %get3A_36, %sub3A : vector<16xi32>
      %ge3A = arith.constant 0 : i32
      %ge3A_38 = vector.broadcast %ge3A : i32 to vector<16xi32>
      %ge3A_39 = arith.cmpi sge, %sub3A_37, %ge3A_38 : vector<16xi32>
      %lt3A = arith.constant 25000 : i32
      %lt3A_40 = vector.broadcast %lt3A : i32 to vector<16xi32>
      %lt3A_41 = arith.cmpi slt, %sub3A_37, %lt3A_40 : vector<16xi32>
      %and3A = arith.andi %ge3A_39, %lt3A_41 : vector<16xi1>
      %jit3A = arith.constant 25000 : i32
      %broadcast_in_dim3A = vector.broadcast %jit3A : i32 to vector<16xi32>
      %select_n3A = arith.select %and3A, %sub3A_37, %broadcast_in_dim3A : vector<16xi1>, vector<16xi32>
      %swap3A = arith.constant 0 : index
      %swap3A_42 = tpu.vector_load %arg9[%swap3A] {strides = array<i32>} : memref<128xi32, #tpu.memory_space<vmem>>, vector<16xi32>,
      %swap3A_43 = vector.shape_cast %swap3A_42 : vector<16xi32> to vector<16xi32>
      %swap3A_44 = vector.shape_cast %select_n3A : vector<16xi32> to vector<16xi32>
      tpu.vector_store %arg9[%swap3A], %swap3A_44 {strides = array<i32>} : memref<128xi32, #tpu.memory_space<vmem>>, vector<16xi32>,
      %get3A_45 = arith.constant 16 : index
      %get3A_46 = tpu.vector_load %arg8[%get3A_45] {strides = array<i32>} : memref<128xi32, #tpu.memory_space<vmem>>, vector<16xi32>,
      %get3A_47 = vector.shape_cast %get3A_46 : vector<16xi32> to vector<16xi32>
      %sub3A_48 = vector.broadcast %mul3A_0 : i32 to vector<16xi32>
      %sub3A_49 = arith.subi %get3A_47, %sub3A_48 : vector<16xi32>
      %ge3A_50 = arith.constant 0 : i32
      %ge3A_51 = vector.broadcast %ge3A_50 : i32 to vector<16xi32>
      %ge3A_52 = arith.cmpi sge, %sub3A_49, %ge3A_51 : vector<16xi32>
      %lt3A_53 = arith.constant 25000 : i32
      %lt3A_54 = vector.broadcast %lt3A_53 : i32 to vector<16xi32>
      %lt3A_55 = arith.cmpi slt, %sub3A_49, %lt3A_54 : vector<16xi32>
      %and3A_56 = arith.andi %ge3A_52, %lt3A_55 : vector<16xi1>
      %jit3A_57 = arith.constant 25000 : i32
      %broadcast_in_dim3A_58 = vector.broadcast %jit3A_57 : i32 to vector<16xi32>
      %select_n3A_59 = arith.select %and3A_56, %sub3A_49, %broadcast_in_dim3A_58 : vector<16xi1>, vector<16xi32>
      %swap3A_60 = arith.constant 16 : index
      %swap3A_61 = tpu.vector_load %arg9[%swap3A_60] {strides = array<i32>} : memref<128xi32, #tpu.memory_space<vmem>>, vector<16xi32>,
      %swap3A_62 = vector.shape_cast %swap3A_61 : vector<16xi32> to vector<16xi32>
      %swap3A_63 = vector.shape_cast %select_n3A_59 : vector<16xi32> to vector<16xi32>
      tpu.vector_store %arg9[%swap3A_60], %swap3A_63 {strides = array<i32>} : memref<128xi32, #tpu.memory_space<vmem>>, vector<16xi32>,
      %get3A_64 = arith.constant 32 : index
      %get3A_65 = tpu.vector_load %arg8[%get3A_64] {strides = array<i32>} : memref<128xi32, #tpu.memory_space<vmem>>, vector<16xi32>,
      %get3A_66 = vector.shape_cast %get3A_65 : vector<16xi32> to vector<16xi32>
      %sub3A_67 = vector.broadcast %mul3A_0 : i32 to vector<16xi32>
      %sub3A_68 = arith.subi %get3A_66, %sub3A_67 : vector<16xi32>
      %ge3A_69 = arith.constant 0 : i32
      %ge3A_70 = vector.broadcast %ge3A_69 : i32 to vector<16xi32>
      %ge3A_71 = arith.cmpi sge, %sub3A_68, %ge3A_70 : vector<16xi32>
      %lt3A_72 = arith.constant 25000 : i32
      %lt3A_73 = vector.broadcast %lt3A_72 : i32 to vector<16xi32>
      %lt3A_74 = arith.cmpi slt, %sub3A_68, %lt3A_73 : vector<16xi32>
      %and3A_75 = arith.andi %ge3A_71, %lt3A_74 : vector<16xi1>
      %jit3A_76 = arith.constant 25000 : i32
      %broadcast_in_dim3A_77 = vector.broadcast %jit3A_76 : i32 to vector<16xi32>
      %select_n3A_78 = arith.select %and3A_75, %sub3A_68, %broadcast_in_dim3A_77 : vector<16xi1>, vector<16xi32>
      %swap3A_79 = arith.constant 32 : index
      %swap3A_80 = tpu.vector_load %arg9[%swap3A_79] {strides = array<i32>} : memref<128xi32, #tpu.memory_space<vmem>>, vector<16xi32>,
      %swap3A_81 = vector.shape_cast %swap3A_80 : vector<16xi32> to vector<16xi32>
      %swap3A_82 = vector.shape_cast %select_n3A_78 : vector<16xi32> to vector<16xi32>
      tpu.vector_store %arg9[%swap3A_79], %swap3A_82 {strides = array<i32>} : memref<128xi32, #tpu.memory_space<vmem>>, vector<16xi32>,
      %get3A_83 = arith.constant 48 : index
      %get3A_84 = tpu.vector_load %arg8[%get3A_83] {strides = array<i32>} : memref<128xi32, #tpu.memory_space<vmem>>, vector<16xi32>,
      %get3A_85 = vector.shape_cast %get3A_84 : vector<16xi32> to vector<16xi32>
      %sub3A_86 = vector.broadcast %mul3A_0 : i32 to vector<16xi32>
      %sub3A_87 = arith.subi %get3A_85, %sub3A_86 : vector<16xi32>
      %ge3A_88 = arith.constant 0 : i32
      %ge3A_89 = vector.broadcast %ge3A_88 : i32 to vector<16xi32>
      %ge3A_90 = arith.cmpi sge, %sub3A_87, %ge3A_89 : vector<16xi32>
      %lt3A_91 = arith.constant 25000 : i32
      %lt3A_92 = vector.broadcast %lt3A_91 : i32 to vector<16xi32>
      %lt3A_93 = arith.cmpi slt, %sub3A_87, %lt3A_92 : vector<16xi32>
      %and3A_94 = arith.andi %ge3A_90, %lt3A_93 : vector<16xi1>
      %jit3A_95 = arith.constant 25000 : i32
      %broadcast_in_dim3A_96 = vector.broadcast %jit3A_95 : i32 to vector<16xi32>
      %select_n3A_97 = arith.select %and3A_94, %sub3A_87, %broadcast_in_dim3A_96 : vector<16xi1>, vector<16xi32>
      %swap3A_98 = arith.constant 48 : index
      %swap3A_99 = tpu.vector_load %arg9[%swap3A_98] {strides = array<i32>} : memref<128xi32, #tpu.memory_space<vmem>>, vector<16xi32>,
      %swap3A_100 = vector.shape_cast %swap3A_99 : vector<16xi32> to vector<16xi32>
      %swap3A_101 = vector.shape_cast %select_n3A_97 : vector<16xi32> to vector<16xi32>
      tpu.vector_store %arg9[%swap3A_98], %swap3A_101 {strides = array<i32>} : memref<128xi32, #tpu.memory_space<vmem>>, vector<16xi32>,
      %get3A_102 = arith.constant 64 : index
      %get3A_103 = tpu.vector_load %arg8[%get3A_102] {strides = array<i32>} : memref<128xi32, #tpu.memory_space<vmem>>, vector<16xi32>,
      %get3A_104 = vector.shape_cast %get3A_103 : vector<16xi32> to vector<16xi32>
      %sub3A_105 = vector.broadcast %mul3A_0 : i32 to vector<16xi32>
      %sub3A_106 = arith.subi %get3A_104, %sub3A_105 : vector<16xi32>
      %ge3A_107 = arith.constant 0 : i32
      %ge3A_108 = vector.broadcast %ge3A_107 : i32 to vector<16xi32>
      %ge3A_109 = arith.cmpi sge, %sub3A_106, %ge3A_108 : vector<16xi32>
      %lt3A_110 = arith.constant 25000 : i32
      %lt3A_111 = vector.broadcast %lt3A_110 : i32 to vector<16xi32>
      %lt3A_112 = arith.cmpi slt, %sub3A_106, %lt3A_111 : vector<16xi32>
      %and3A_113 = arith.andi %ge3A_109, %lt3A_112 : vector<16xi1>
      %jit3A_114 = arith.constant 25000 : i32
      %broadcast_in_dim3A_115 = vector.broadcast %jit3A_114 : i32 to vector<16xi32>
      %select_n3A_116 = arith.select %and3A_113, %sub3A_106, %broadcast_in_dim3A_115 : vector<16xi1>, vector<16xi32>
      %swap3A_117 = arith.constant 64 : index
      %swap3A_118 = tpu.vector_load %arg9[%swap3A_117] {strides = array<i32>} : memref<128xi32, #tpu.memory_space<vmem>>, vector<16xi32>,
      %swap3A_119 = vector.shape_cast %swap3A_118 : vector<16xi32> to vector<16xi32>
      %swap3A_120 = vector.shape_cast %select_n3A_116 : vector<16xi32> to vector<16xi32>
      tpu.vector_store %arg9[%swap3A_117], %swap3A_120 {strides = array<i32>} : memref<128xi32, #tpu.memory_space<vmem>>, vector<16xi32>,
      %get3A_121 = arith.constant 80 : index
      %get3A_122 = tpu.vector_load %arg8[%get3A_121] {strides = array<i32>} : memref<128xi32, #tpu.memory_space<vmem>>, vector<16xi32>,
      %get3A_123 = vector.shape_cast %get3A_122 : vector<16xi32> to vector<16xi32>
      %sub3A_124 = vector.broadcast %mul3A_0 : i32 to vector<16xi32>
      %sub3A_125 = arith.subi %get3A_123, %sub3A_124 : vector<16xi32>
      %ge3A_126 = arith.constant 0 : i32
      %ge3A_127 = vector.broadcast %ge3A_126 : i32 to vector<16xi32>
      %ge3A_128 = arith.cmpi sge, %sub3A_125, %ge3A_127 : vector<16xi32>
      %lt3A_129 = arith.constant 25000 : i32
      %lt3A_130 = vector.broadcast %lt3A_129 : i32 to vector<16xi32>
      %lt3A_131 = arith.cmpi slt, %sub3A_125, %lt3A_130 : vector<16xi32>
      %and3A_132 = arith.andi %ge3A_128, %lt3A_131 : vector<16xi1>
      %jit3A_133 = arith.constant 25000 : i32
      %broadcast_in_dim3A_134 = vector.broadcast %jit3A_133 : i32 to vector<16xi32>
      %select_n3A_135 = arith.select %and3A_132, %sub3A_125, %broadcast_in_dim3A_134 : vector<16xi1>, vector<16xi32>
      %swap3A_136 = arith.constant 80 : index
      %swap3A_137 = tpu.vector_load %arg9[%swap3A_136] {strides = array<i32>} : memref<128xi32, #tpu.memory_space<vmem>>, vector<16xi32>,
      %swap3A_138 = vector.shape_cast %swap3A_137 : vector<16xi32> to vector<16xi32>
      %swap3A_139 = vector.shape_cast %select_n3A_135 : vector<16xi32> to vector<16xi32>
      tpu.vector_store %arg9[%swap3A_136], %swap3A_139 {strides = array<i32>} : memref<128xi32, #tpu.memory_space<vmem>>, vector<16xi32>,
      %get3A_140 = arith.constant 96 : index
      %get3A_141 = tpu.vector_load %arg8[%get3A_140] {strides = array<i32>} : memref<128xi32, #tpu.memory_space<vmem>>, vector<16xi32>,
      %get3A_142 = vector.shape_cast %get3A_141 : vector<16xi32> to vector<16xi32>
      %sub3A_143 = vector.broadcast %mul3A_0 : i32 to vector<16xi32>
      %sub3A_144 = arith.subi %get3A_142, %sub3A_143 : vector<16xi32>
      %ge3A_145 = arith.constant 0 : i32
      %ge3A_146 = vector.broadcast %ge3A_145 : i32 to vector<16xi32>
      %ge3A_147 = arith.cmpi sge, %sub3A_144, %ge3A_146 : vector<16xi32>
      %lt3A_148 = arith.constant 25000 : i32
      %lt3A_149 = vector.broadcast %lt3A_148 : i32 to vector<16xi32>
      %lt3A_150 = arith.cmpi slt, %sub3A_144, %lt3A_149 : vector<16xi32>
      %and3A_151 = arith.andi %ge3A_147, %lt3A_150 : vector<16xi1>
      %jit3A_152 = arith.constant 25000 : i32
      %broadcast_in_dim3A_153 = vector.broadcast %jit3A_152 : i32 to vector<16xi32>
      %select_n3A_154 = arith.select %and3A_151, %sub3A_144, %broadcast_in_dim3A_153 : vector<16xi1>, vector<16xi32>
      %swap3A_155 = arith.constant 96 : index
      %swap3A_156 = tpu.vector_load %arg9[%swap3A_155] {strides = array<i32>} : memref<128xi32, #tpu.memory_space<vmem>>, vector<16xi32>,
      %swap3A_157 = vector.shape_cast %swap3A_156 : vector<16xi32> to vector<16xi32>
      %swap3A_158 = vector.shape_cast %select_n3A_154 : vector<16xi32> to vector<16xi32>
      tpu.vector_store %arg9[%swap3A_155], %swap3A_158 {strides = array<i32>} : memref<128xi32, #tpu.memory_space<vmem>>, vector<16xi32>,
      %get3A_159 = arith.constant 112 : index
      %get3A_160 = tpu.vector_load %arg8[%get3A_159] {strides = array<i32>} : memref<128xi32, #tpu.memory_space<vmem>>, vector<16xi32>,
      %get3A_161 = vector.shape_cast %get3A_160 : vector<16xi32> to vector<16xi32>
      %sub3A_162 = vector.broadcast %mul3A_0 : i32 to vector<16xi32>
      %sub3A_163 = arith.subi %get3A_161, %sub3A_162 : vector<16xi32>
      %ge3A_164 = arith.constant 0 : i32
      %ge3A_165 = vector.broadcast %ge3A_164 : i32 to vector<16xi32>
      %ge3A_166 = arith.cmpi sge, %sub3A_163, %ge3A_165 : vector<16xi32>
      %lt3A_167 = arith.constant 25000 : i32
      %lt3A_168 = vector.broadcast %lt3A_167 : i32 to vector<16xi32>
      %lt3A_169 = arith.cmpi slt, %sub3A_163, %lt3A_168 : vector<16xi32>
      %and3A_170 = arith.andi %ge3A_166, %lt3A_169 : vector<16xi1>
      %jit3A_171 = arith.constant 25000 : i32
      %broadcast_in_dim3A_172 = vector.broadcast %jit3A_171 : i32 to vector<16xi32>
      %select_n3A_173 = arith.select %and3A_170, %sub3A_163, %broadcast_in_dim3A_172 : vector<16xi1>, vector<16xi32>
      %swap3A_174 = arith.constant 112 : index
      %swap3A_175 = tpu.vector_load %arg9[%swap3A_174] {strides = array<i32>} : memref<128xi32, #tpu.memory_space<vmem>>, vector<16xi32>,
      %swap3A_176 = vector.shape_cast %swap3A_175 : vector<16xi32> to vector<16xi32>
      %swap3A_177 = vector.shape_cast %select_n3A_173 : vector<16xi32> to vector<16xi32>
      tpu.vector_store %arg9[%swap3A_174], %swap3A_177 {strides = array<i32>} : memref<128xi32, #tpu.memory_space<vmem>>, vector<16xi32>,
      "tpu.region"() ({
        %run_scoped3A = tpu.sem_alloc : memref<!tpu.dma_semaphore, #tpu.memory_space<semaphore_mem>>
        %dma_start3A = arith.constant 0 : i32
        %dma_start3A_179 = arith.constant 0 : i32
        %dma_start3A_180 = tpu.memref_slice %arg12[%dma_start3A, %dma_start3A_179] : memref<25088x8xf32, #tpu.memory_space<vmem_shared>> -> memref<25088x8xf32, #tpu.memory_space<vmem_shared>>
        tpu.enqueue_indirect_dma source(%arg10 : memref<128x8xf32, #tpu.memory_space<vmem>>) target(%dma_start3A_180 : memref<25088x8xf32, #tpu.memory_space<vmem_shared>>) offsets(%arg9 : memref<128xi32, #tpu.memory_space<vmem>>) semaphore(%run_scoped3A : memref<!tpu.dma_semaphore, #tpu.memory_space<semaphore_mem>>) {add = true}
        %dma_wait3A = arith.constant 0 : i32
        %dma_wait3A_181 = arith.constant 0 : i32
        %dma_wait3A_182 = tpu.memref_slice %arg12[%dma_wait3A, %dma_wait3A_181] : memref<25088x8xf32, #tpu.memory_space<vmem_shared>> -> memref<25088x8xf32, #tpu.memory_space<vmem_shared>>
        tpu.wait_indirect_dma semaphore(%run_scoped3A : memref<!tpu.dma_semaphore, #tpu.memory_space<semaphore_mem>>) src(%arg10 : memref<128x8xf32, #tpu.memory_space<vmem>>) dst(%dma_wait3A_182 : memref<25088x8xf32, #tpu.memory_space<vmem_shared>>)
        tpu.yield
      }) : () -> ()
      %scan3A_178 = arith.constant 0 : i32
      scf.yield %scan3A_178 : i32
    }
    %scan3A_8 = arith.constant 391 : i32
    %barrier3A_9 = arith.constant 0 : index
    tpu.barrier barrier_id(%barrier3A_9)
    %mul3A_10 = arith.constant 1568 : i32
    %mul3A_11 = arith.muli %arg1, %mul3A_10 : i32
    %mul3A_12 = arith.constant 1568 : i32
    %mul3A_13 = arith.muli %arg1, %mul3A_12 : i32
    "tpu.region"() ({
      %run_scoped3A = tpu.sem_alloc : memref<!tpu.dma_semaphore, #tpu.memory_space<semaphore_mem>>
      %dma_start3A = arith.constant 0 : i32
      %dma_start3A_29 = tpu.memref_slice %arg6[%arg0, %mul3A_13, %dma_start3A] : memref<2x25088x8xf32, #tpu.memory_space<hbm>> -> memref<1x1568x8xf32, #tpu.memory_space<hbm>>
      %dma_start3A_30 = tpu.memref_squeeze %dma_start3A_29 : memref<1x1568x8xf32, #tpu.memory_space<hbm>> -> memref<1568x8xf32, #tpu.memory_space<hbm>>
      %dma_start3A_31 = arith.constant 0 : i32
      %dma_start3A_32 = tpu.memref_slice %arg12[%mul3A_11, %dma_start3A_31] : memref<25088x8xf32, #tpu.memory_space<vmem_shared>> -> memref<1568x8xf32, #tpu.memory_space<vmem_shared>>
      tpu.enqueue_dma source(%dma_start3A_32 : memref<1568x8xf32, #tpu.memory_space<vmem_shared>>) target(%dma_start3A_30 : memref<1568x8xf32, #tpu.memory_space<hbm>>) target_semaphore(%run_scoped3A : memref<!tpu.dma_semaphore, #tpu.memory_space<semaphore_mem>>)
      %dma_wait3A = arith.constant 0 : i32
      %dma_wait3A_33 = tpu.memref_slice %arg6[%arg0, %mul3A_13, %dma_wait3A] : memref<2x25088x8xf32, #tpu.memory_space<hbm>> -> memref<1x1568x8xf32, #tpu.memory_space<hbm>>
      %dma_wait3A_34 = tpu.memref_squeeze %dma_wait3A_33 : memref<1x1568x8xf32, #tpu.memory_space<hbm>> -> memref<1568x8xf32, #tpu.memory_space<hbm>>
      %dma_wait3A_35 = arith.constant 0 : i32
      %dma_wait3A_36 = tpu.memref_slice %arg12[%mul3A_11, %dma_wait3A_35] : memref<25088x8xf32, #tpu.memory_space<vmem_shared>> -> memref<1568x8xf32, #tpu.memory_space<vmem_shared>>
      tpu.wait_dma2 semaphore(%run_scoped3A : memref<!tpu.dma_semaphore, #tpu.memory_space<semaphore_mem>>) src(%dma_wait3A_36 : memref<1568x8xf32, #tpu.memory_space<vmem_shared>>) dst(%dma_wait3A_34 : memref<1568x8xf32, #tpu.memory_space<hbm>>)
      tpu.yield
    }) : () -> ()
    %mul3A_14 = arith.constant 1568 : i32
    %mul3A_15 = arith.muli %arg1, %mul3A_14 : i32
    "tpu.region"() ({
      %run_scoped3A = tpu.sem_alloc : memref<!tpu.dma_semaphore, #tpu.memory_space<semaphore_mem>>
      %dma_start3A = arith.constant 0 : i32
      %dma_start3A_29 = tpu.memref_slice %arg12[%mul3A_15, %dma_start3A] : memref<25088x8xf32, #tpu.memory_space<vmem_shared>> -> memref<1568x8xf32, #tpu.memory_space<vmem_shared>>
      %dma_start3A_30 = arith.constant 0 : i32
      %dma_start3A_31 = tpu.memref_slice %arg12[%mul3A_15, %dma_start3A_30] : memref<25088x8xf32, #tpu.memory_space<vmem_shared>> -> memref<1568x8xf32, #tpu.memory_space<vmem_shared>>
      tpu.enqueue_dma source(%arg11 : memref<1568x8xf32, #tpu.memory_space<vmem>>) target(%dma_start3A_31 : memref<1568x8xf32, #tpu.memory_space<vmem_shared>>) target_semaphore(%run_scoped3A : memref<!tpu.dma_semaphore, #tpu.memory_space<semaphore_mem>>)
      %dma_wait3A = arith.constant 0 : i32
      %dma_wait3A_32 = tpu.memref_slice %arg12[%mul3A_15, %dma_wait3A] : memref<25088x8xf32, #tpu.memory_space<vmem_shared>> -> memref<1568x8xf32, #tpu.memory_space<vmem_shared>>
      %dma_wait3A_33 = arith.constant 0 : i32
      %dma_wait3A_34 = tpu.memref_slice %arg12[%mul3A_15, %dma_wait3A_33] : memref<25088x8xf32, #tpu.memory_space<vmem_shared>> -> memref<1568x8xf32, #tpu.memory_space<vmem_shared>>
      tpu.wait_dma2 semaphore(%run_scoped3A : memref<!tpu.dma_semaphore, #tpu.memory_space<semaphore_mem>>) src(%arg11 : memref<1568x8xf32, #tpu.memory_space<vmem>>) dst(%dma_wait3A_34 : memref<1568x8xf32, #tpu.memory_space<vmem_shared>>)
      tpu.yield
    }) : () -> ()
    %barrier3A_16 = arith.constant 0 : index
    tpu.barrier barrier_id(%barrier3A_16)
    %scan3A_17 = arith.constant 0 : i32
    %scan3A_18 = arith.constant 0 : i32
    %scan3A_19 = arith.constant 391 : i32
    %scan3A_20 = arith.addi %scan3A_18, %scan3A_19 : i32
    %scan3A_21 = arith.constant 1 : i32
    %scan3A_22 = scf.for %scan3A_29 = %scan3A_18 to %scan3A_20 step %scan3A_21 iter_args(%scan3A_30 = %scan3A_17) -> (i32)  : i32 {
      %mul3A_31 = arith.constant 16 : i32
      %mul3A_32 = arith.muli %scan3A_29, %mul3A_31 : i32
      %add3A = arith.addi %mul3A_32, %arg1 : i32
      %mul3A_33 = arith.constant 128 : i32
      %mul3A_34 = arith.muli %add3A, %mul3A_33 : i32
      "tpu.region"() ({
        %run_scoped3A = tpu.sem_alloc : memref<!tpu.dma_semaphore, #tpu.memory_space<semaphore_mem>>
        %dma_start3A = tpu.memref_slice %arg3[%mul3A_34] : memref<800768xi32, #tpu.memory_space<hbm>> -> memref<128xi32, #tpu.memory_space<hbm>>
        %dma_start3A_179 = tpu.memref_slice %arg3[%mul3A_34] : memref<800768xi32, #tpu.memory_space<hbm>> -> memref<128xi32, #tpu.memory_space<hbm>>
        tpu.enqueue_dma source(%dma_start3A_179 : memref<128xi32, #tpu.memory_space<hbm>>) target(%arg8 : memref<128xi32, #tpu.memory_space<vmem>>) target_semaphore(%run_scoped3A : memref<!tpu.dma_semaphore, #tpu.memory_space<semaphore_mem>>)
        %dma_wait3A = tpu.memref_slice %arg3[%mul3A_34] : memref<800768xi32, #tpu.memory_space<hbm>> -> memref<128xi32, #tpu.memory_space<hbm>>
        %dma_wait3A_180 = tpu.memref_slice %arg3[%mul3A_34] : memref<800768xi32, #tpu.memory_space<hbm>> -> memref<128xi32, #tpu.memory_space<hbm>>
        tpu.wait_dma2 semaphore(%run_scoped3A : memref<!tpu.dma_semaphore, #tpu.memory_space<semaphore_mem>>) src(%dma_wait3A_180 : memref<128xi32, #tpu.memory_space<hbm>>) dst(%arg8 : memref<128xi32, #tpu.memory_space<vmem>>)
        tpu.yield
      }) : () -> ()
      %get3A = arith.constant 0 : index
      %get3A_35 = tpu.vector_load %arg8[%get3A] {strides = array<i32>} : memref<128xi32, #tpu.memory_space<vmem>>, vector<16xi32>,
      %get3A_36 = vector.shape_cast %get3A_35 : vector<16xi32> to vector<16xi32>
      %sub3A = vector.broadcast %mul3A_0 : i32 to vector<16xi32>
      %sub3A_37 = arith.subi %get3A_36, %sub3A : vector<16xi32>
      %ge3A = arith.constant 0 : i32
      %ge3A_38 = vector.broadcast %ge3A : i32 to vector<16xi32>
      %ge3A_39 = arith.cmpi sge, %sub3A_37, %ge3A_38 : vector<16xi32>
      %lt3A = arith.constant 25000 : i32
      %lt3A_40 = vector.broadcast %lt3A : i32 to vector<16xi32>
      %lt3A_41 = arith.cmpi slt, %sub3A_37, %lt3A_40 : vector<16xi32>
      %and3A = arith.andi %ge3A_39, %lt3A_41 : vector<16xi1>
      %jit3A = arith.constant 25000 : i32
      %broadcast_in_dim3A = vector.broadcast %jit3A : i32 to vector<16xi32>
      %select_n3A = arith.select %and3A, %sub3A_37, %broadcast_in_dim3A : vector<16xi1>, vector<16xi32>
      %swap3A = arith.constant 0 : index
      %swap3A_42 = tpu.vector_load %arg9[%swap3A] {strides = array<i32>} : memref<128xi32, #tpu.memory_space<vmem>>, vector<16xi32>,
      %swap3A_43 = vector.shape_cast %swap3A_42 : vector<16xi32> to vector<16xi32>
      %swap3A_44 = vector.shape_cast %select_n3A : vector<16xi32> to vector<16xi32>
      tpu.vector_store %arg9[%swap3A], %swap3A_44 {strides = array<i32>} : memref<128xi32, #tpu.memory_space<vmem>>, vector<16xi32>,
      %get3A_45 = arith.constant 16 : index
      %get3A_46 = tpu.vector_load %arg8[%get3A_45] {strides = array<i32>} : memref<128xi32, #tpu.memory_space<vmem>>, vector<16xi32>,
      %get3A_47 = vector.shape_cast %get3A_46 : vector<16xi32> to vector<16xi32>
      %sub3A_48 = vector.broadcast %mul3A_0 : i32 to vector<16xi32>
      %sub3A_49 = arith.subi %get3A_47, %sub3A_48 : vector<16xi32>
      %ge3A_50 = arith.constant 0 : i32
      %ge3A_51 = vector.broadcast %ge3A_50 : i32 to vector<16xi32>
      %ge3A_52 = arith.cmpi sge, %sub3A_49, %ge3A_51 : vector<16xi32>
      %lt3A_53 = arith.constant 25000 : i32
      %lt3A_54 = vector.broadcast %lt3A_53 : i32 to vector<16xi32>
      %lt3A_55 = arith.cmpi slt, %sub3A_49, %lt3A_54 : vector<16xi32>
      %and3A_56 = arith.andi %ge3A_52, %lt3A_55 : vector<16xi1>
      %jit3A_57 = arith.constant 25000 : i32
      %broadcast_in_dim3A_58 = vector.broadcast %jit3A_57 : i32 to vector<16xi32>
      %select_n3A_59 = arith.select %and3A_56, %sub3A_49, %broadcast_in_dim3A_58 : vector<16xi1>, vector<16xi32>
      %swap3A_60 = arith.constant 16 : index
      %swap3A_61 = tpu.vector_load %arg9[%swap3A_60] {strides = array<i32>} : memref<128xi32, #tpu.memory_space<vmem>>, vector<16xi32>,
      %swap3A_62 = vector.shape_cast %swap3A_61 : vector<16xi32> to vector<16xi32>
      %swap3A_63 = vector.shape_cast %select_n3A_59 : vector<16xi32> to vector<16xi32>
      tpu.vector_store %arg9[%swap3A_60], %swap3A_63 {strides = array<i32>} : memref<128xi32, #tpu.memory_space<vmem>>, vector<16xi32>,
      %get3A_64 = arith.constant 32 : index
      %get3A_65 = tpu.vector_load %arg8[%get3A_64] {strides = array<i32>} : memref<128xi32, #tpu.memory_space<vmem>>, vector<16xi32>,
      %get3A_66 = vector.shape_cast %get3A_65 : vector<16xi32> to vector<16xi32>
      %sub3A_67 = vector.broadcast %mul3A_0 : i32 to vector<16xi32>
      %sub3A_68 = arith.subi %get3A_66, %sub3A_67 : vector<16xi32>
      %ge3A_69 = arith.constant 0 : i32
      %ge3A_70 = vector.broadcast %ge3A_69 : i32 to vector<16xi32>
      %ge3A_71 = arith.cmpi sge, %sub3A_68, %ge3A_70 : vector<16xi32>
      %lt3A_72 = arith.constant 25000 : i32
      %lt3A_73 = vector.broadcast %lt3A_72 : i32 to vector<16xi32>
      %lt3A_74 = arith.cmpi slt, %sub3A_68, %lt3A_73 : vector<16xi32>
      %and3A_75 = arith.andi %ge3A_71, %lt3A_74 : vector<16xi1>
      %jit3A_76 = arith.constant 25000 : i32
      %broadcast_in_dim3A_77 = vector.broadcast %jit3A_76 : i32 to vector<16xi32>
      %select_n3A_78 = arith.select %and3A_75, %sub3A_68, %broadcast_in_dim3A_77 : vector<16xi1>, vector<16xi32>
      %swap3A_79 = arith.constant 32 : index
      %swap3A_80 = tpu.vector_load %arg9[%swap3A_79] {strides = array<i32>} : memref<128xi32, #tpu.memory_space<vmem>>, vector<16xi32>,
      %swap3A_81 = vector.shape_cast %swap3A_80 : vector<16xi32> to vector<16xi32>
      %swap3A_82 = vector.shape_cast %select_n3A_78 : vector<16xi32> to vector<16xi32>
      tpu.vector_store %arg9[%swap3A_79], %swap3A_82 {strides = array<i32>} : memref<128xi32, #tpu.memory_space<vmem>>, vector<16xi32>,
      %get3A_83 = arith.constant 48 : index
      %get3A_84 = tpu.vector_load %arg8[%get3A_83] {strides = array<i32>} : memref<128xi32, #tpu.memory_space<vmem>>, vector<16xi32>,
      %get3A_85 = vector.shape_cast %get3A_84 : vector<16xi32> to vector<16xi32>
      %sub3A_86 = vector.broadcast %mul3A_0 : i32 to vector<16xi32>
      %sub3A_87 = arith.subi %get3A_85, %sub3A_86 : vector<16xi32>
      %ge3A_88 = arith.constant 0 : i32
      %ge3A_89 = vector.broadcast %ge3A_88 : i32 to vector<16xi32>
      %ge3A_90 = arith.cmpi sge, %sub3A_87, %ge3A_89 : vector<16xi32>
      %lt3A_91 = arith.constant 25000 : i32
      %lt3A_92 = vector.broadcast %lt3A_91 : i32 to vector<16xi32>
      %lt3A_93 = arith.cmpi slt, %sub3A_87, %lt3A_92 : vector<16xi32>
      %and3A_94 = arith.andi %ge3A_90, %lt3A_93 : vector<16xi1>
      %jit3A_95 = arith.constant 25000 : i32
      %broadcast_in_dim3A_96 = vector.broadcast %jit3A_95 : i32 to vector<16xi32>
      %select_n3A_97 = arith.select %and3A_94, %sub3A_87, %broadcast_in_dim3A_96 : vector<16xi1>, vector<16xi32>
      %swap3A_98 = arith.constant 48 : index
      %swap3A_99 = tpu.vector_load %arg9[%swap3A_98] {strides = array<i32>} : memref<128xi32, #tpu.memory_space<vmem>>, vector<16xi32>,
      %swap3A_100 = vector.shape_cast %swap3A_99 : vector<16xi32> to vector<16xi32>
      %swap3A_101 = vector.shape_cast %select_n3A_97 : vector<16xi32> to vector<16xi32>
      tpu.vector_store %arg9[%swap3A_98], %swap3A_101 {strides = array<i32>} : memref<128xi32, #tpu.memory_space<vmem>>, vector<16xi32>,
      %get3A_102 = arith.constant 64 : index
      %get3A_103 = tpu.vector_load %arg8[%get3A_102] {strides = array<i32>} : memref<128xi32, #tpu.memory_space<vmem>>, vector<16xi32>,
      %get3A_104 = vector.shape_cast %get3A_103 : vector<16xi32> to vector<16xi32>
      %sub3A_105 = vector.broadcast %mul3A_0 : i32 to vector<16xi32>
      %sub3A_106 = arith.subi %get3A_104, %sub3A_105 : vector<16xi32>
      %ge3A_107 = arith.constant 0 : i32
      %ge3A_108 = vector.broadcast %ge3A_107 : i32 to vector<16xi32>
      %ge3A_109 = arith.cmpi sge, %sub3A_106, %ge3A_108 : vector<16xi32>
      %lt3A_110 = arith.constant 25000 : i32
      %lt3A_111 = vector.broadcast %lt3A_110 : i32 to vector<16xi32>
      %lt3A_112 = arith.cmpi slt, %sub3A_106, %lt3A_111 : vector<16xi32>
      %and3A_113 = arith.andi %ge3A_109, %lt3A_112 : vector<16xi1>
      %jit3A_114 = arith.constant 25000 : i32
      %broadcast_in_dim3A_115 = vector.broadcast %jit3A_114 : i32 to vector<16xi32>
      %select_n3A_116 = arith.select %and3A_113, %sub3A_106, %broadcast_in_dim3A_115 : vector<16xi1>, vector<16xi32>
      %swap3A_117 = arith.constant 64 : index
      %swap3A_118 = tpu.vector_load %arg9[%swap3A_117] {strides = array<i32>} : memref<128xi32, #tpu.memory_space<vmem>>, vector<16xi32>,
      %swap3A_119 = vector.shape_cast %swap3A_118 : vector<16xi32> to vector<16xi32>
      %swap3A_120 = vector.shape_cast %select_n3A_116 : vector<16xi32> to vector<16xi32>
      tpu.vector_store %arg9[%swap3A_117], %swap3A_120 {strides = array<i32>} : memref<128xi32, #tpu.memory_space<vmem>>, vector<16xi32>,
      %get3A_121 = arith.constant 80 : index
      %get3A_122 = tpu.vector_load %arg8[%get3A_121] {strides = array<i32>} : memref<128xi32, #tpu.memory_space<vmem>>, vector<16xi32>,
      %get3A_123 = vector.shape_cast %get3A_122 : vector<16xi32> to vector<16xi32>
      %sub3A_124 = vector.broadcast %mul3A_0 : i32 to vector<16xi32>
      %sub3A_125 = arith.subi %get3A_123, %sub3A_124 : vector<16xi32>
      %ge3A_126 = arith.constant 0 : i32
      %ge3A_127 = vector.broadcast %ge3A_126 : i32 to vector<16xi32>
      %ge3A_128 = arith.cmpi sge, %sub3A_125, %ge3A_127 : vector<16xi32>
      %lt3A_129 = arith.constant 25000 : i32
      %lt3A_130 = vector.broadcast %lt3A_129 : i32 to vector<16xi32>
      %lt3A_131 = arith.cmpi slt, %sub3A_125, %lt3A_130 : vector<16xi32>
      %and3A_132 = arith.andi %ge3A_128, %lt3A_131 : vector<16xi1>
      %jit3A_133 = arith.constant 25000 : i32
      %broadcast_in_dim3A_134 = vector.broadcast %jit3A_133 : i32 to vector<16xi32>
      %select_n3A_135 = arith.select %and3A_132, %sub3A_125, %broadcast_in_dim3A_134 : vector<16xi1>, vector<16xi32>
      %swap3A_136 = arith.constant 80 : index
      %swap3A_137 = tpu.vector_load %arg9[%swap3A_136] {strides = array<i32>} : memref<128xi32, #tpu.memory_space<vmem>>, vector<16xi32>,
      %swap3A_138 = vector.shape_cast %swap3A_137 : vector<16xi32> to vector<16xi32>
      %swap3A_139 = vector.shape_cast %select_n3A_135 : vector<16xi32> to vector<16xi32>
      tpu.vector_store %arg9[%swap3A_136], %swap3A_139 {strides = array<i32>} : memref<128xi32, #tpu.memory_space<vmem>>, vector<16xi32>,
      %get3A_140 = arith.constant 96 : index
      %get3A_141 = tpu.vector_load %arg8[%get3A_140] {strides = array<i32>} : memref<128xi32, #tpu.memory_space<vmem>>, vector<16xi32>,
      %get3A_142 = vector.shape_cast %get3A_141 : vector<16xi32> to vector<16xi32>
      %sub3A_143 = vector.broadcast %mul3A_0 : i32 to vector<16xi32>
      %sub3A_144 = arith.subi %get3A_142, %sub3A_143 : vector<16xi32>
      %ge3A_145 = arith.constant 0 : i32
      %ge3A_146 = vector.broadcast %ge3A_145 : i32 to vector<16xi32>
      %ge3A_147 = arith.cmpi sge, %sub3A_144, %ge3A_146 : vector<16xi32>
      %lt3A_148 = arith.constant 25000 : i32
      %lt3A_149 = vector.broadcast %lt3A_148 : i32 to vector<16xi32>
      %lt3A_150 = arith.cmpi slt, %sub3A_144, %lt3A_149 : vector<16xi32>
      %and3A_151 = arith.andi %ge3A_147, %lt3A_150 : vector<16xi1>
      %jit3A_152 = arith.constant 25000 : i32
      %broadcast_in_dim3A_153 = vector.broadcast %jit3A_152 : i32 to vector<16xi32>
      %select_n3A_154 = arith.select %and3A_151, %sub3A_144, %broadcast_in_dim3A_153 : vector<16xi1>, vector<16xi32>
      %swap3A_155 = arith.constant 96 : index
      %swap3A_156 = tpu.vector_load %arg9[%swap3A_155] {strides = array<i32>} : memref<128xi32, #tpu.memory_space<vmem>>, vector<16xi32>,
      %swap3A_157 = vector.shape_cast %swap3A_156 : vector<16xi32> to vector<16xi32>
      %swap3A_158 = vector.shape_cast %select_n3A_154 : vector<16xi32> to vector<16xi32>
      tpu.vector_store %arg9[%swap3A_155], %swap3A_158 {strides = array<i32>} : memref<128xi32, #tpu.memory_space<vmem>>, vector<16xi32>,
      %get3A_159 = arith.constant 112 : index
      %get3A_160 = tpu.vector_load %arg8[%get3A_159] {strides = array<i32>} : memref<128xi32, #tpu.memory_space<vmem>>, vector<16xi32>,
      %get3A_161 = vector.shape_cast %get3A_160 : vector<16xi32> to vector<16xi32>
      %sub3A_162 = vector.broadcast %mul3A_0 : i32 to vector<16xi32>
      %sub3A_163 = arith.subi %get3A_161, %sub3A_162 : vector<16xi32>
      %ge3A_164 = arith.constant 0 : i32
      %ge3A_165 = vector.broadcast %ge3A_164 : i32 to vector<16xi32>
      %ge3A_166 = arith.cmpi sge, %sub3A_163, %ge3A_165 : vector<16xi32>
      %lt3A_167 = arith.constant 25000 : i32
      %lt3A_168 = vector.broadcast %lt3A_167 : i32 to vector<16xi32>
      %lt3A_169 = arith.cmpi slt, %sub3A_163, %lt3A_168 : vector<16xi32>
      %and3A_170 = arith.andi %ge3A_166, %lt3A_169 : vector<16xi1>
      %jit3A_171 = arith.constant 25000 : i32
      %broadcast_in_dim3A_172 = vector.broadcast %jit3A_171 : i32 to vector<16xi32>
      %select_n3A_173 = arith.select %and3A_170, %sub3A_163, %broadcast_in_dim3A_172 : vector<16xi1>, vector<16xi32>
      %swap3A_174 = arith.constant 112 : index
      %swap3A_175 = tpu.vector_load %arg9[%swap3A_174] {strides = array<i32>} : memref<128xi32, #tpu.memory_space<vmem>>, vector<16xi32>,
      %swap3A_176 = vector.shape_cast %swap3A_175 : vector<16xi32> to vector<16xi32>
      %swap3A_177 = vector.shape_cast %select_n3A_173 : vector<16xi32> to vector<16xi32>
      tpu.vector_store %arg9[%swap3A_174], %swap3A_177 {strides = array<i32>} : memref<128xi32, #tpu.memory_space<vmem>>, vector<16xi32>,
      "tpu.region"() ({
        %run_scoped3A = tpu.sem_alloc : memref<!tpu.dma_semaphore, #tpu.memory_space<semaphore_mem>>
        %dma_start3A = arith.constant 0 : i32
        %dma_start3A_179 = arith.constant 0 : i32
        %dma_start3A_180 = tpu.memref_slice %arg12[%dma_start3A, %dma_start3A_179] : memref<25088x8xf32, #tpu.memory_space<vmem_shared>> -> memref<25088x8xf32, #tpu.memory_space<vmem_shared>>
        tpu.enqueue_indirect_dma source(%arg10 : memref<128x8xf32, #tpu.memory_space<vmem>>) target(%dma_start3A_180 : memref<25088x8xf32, #tpu.memory_space<vmem_shared>>) offsets(%arg9 : memref<128xi32, #tpu.memory_space<vmem>>) semaphore(%run_scoped3A : memref<!tpu.dma_semaphore, #tpu.memory_space<semaphore_mem>>) {add = true}
        %dma_wait3A = arith.constant 0 : i32
        %dma_wait3A_181 = arith.constant 0 : i32
        %dma_wait3A_182 = tpu.memref_slice %arg12[%dma_wait3A, %dma_wait3A_181] : memref<25088x8xf32, #tpu.memory_space<vmem_shared>> -> memref<25088x8xf32, #tpu.memory_space<vmem_shared>>
        tpu.wait_indirect_dma semaphore(%run_scoped3A : memref<!tpu.dma_semaphore, #tpu.memory_space<semaphore_mem>>) src(%arg10 : memref<128x8xf32, #tpu.memory_space<vmem>>) dst(%dma_wait3A_182 : memref<25088x8xf32, #tpu.memory_space<vmem_shared>>)
        tpu.yield
      }) : () -> ()
      %scan3A_178 = arith.constant 0 : i32
      scf.yield %scan3A_178 : i32
    }
    %scan3A_23 = arith.constant 391 : i32
    %barrier3A_24 = arith.constant 0 : index
    tpu.barrier barrier_id(%barrier3A_24)
    %mul3A_25 = arith.constant 1568 : i32
    %mul3A_26 = arith.muli %arg1, %mul3A_25 : i32
    %mul3A_27 = arith.constant 1568 : i32
    %mul3A_28 = arith.muli %arg1, %mul3A_27 : i32
    "tpu.region"() ({
      %run_scoped3A = tpu.sem_alloc : memref<!tpu.dma_semaphore, #tpu.memory_space<semaphore_mem>>
      %dma_start3A = arith.constant 0 : i32
      %dma_start3A_29 = tpu.memref_slice %arg7[%arg0, %mul3A_28, %dma_start3A] : memref<2x25088x8xf32, #tpu.memory_space<hbm>> -> memref<1x1568x8xf32, #tpu.memory_space<hbm>>
      %dma_start3A_30 = tpu.memref_squeeze %dma_start3A_29 : memref<1x1568x8xf32, #tpu.memory_space<hbm>> -> memref<1568x8xf32, #tpu.memory_space<hbm>>
      %dma_start3A_31 = arith.constant 0 : i32
      %dma_start3A_32 = tpu.memref_slice %arg12[%mul3A_26, %dma_start3A_31] : memref<25088x8xf32, #tpu.memory_space<vmem_shared>> -> memref<1568x8xf32, #tpu.memory_space<vmem_shared>>
      tpu.enqueue_dma source(%dma_start3A_32 : memref<1568x8xf32, #tpu.memory_space<vmem_shared>>) target(%dma_start3A_30 : memref<1568x8xf32, #tpu.memory_space<hbm>>) target_semaphore(%run_scoped3A : memref<!tpu.dma_semaphore, #tpu.memory_space<semaphore_mem>>)
      %dma_wait3A = arith.constant 0 : i32
      %dma_wait3A_33 = tpu.memref_slice %arg7[%arg0, %mul3A_28, %dma_wait3A] : memref<2x25088x8xf32, #tpu.memory_space<hbm>> -> memref<1x1568x8xf32, #tpu.memory_space<hbm>>
      %dma_wait3A_34 = tpu.memref_squeeze %dma_wait3A_33 : memref<1x1568x8xf32, #tpu.memory_space<hbm>> -> memref<1568x8xf32, #tpu.memory_space<hbm>>
      %dma_wait3A_35 = arith.constant 0 : i32
      %dma_wait3A_36 = tpu.memref_slice %arg12[%mul3A_26, %dma_wait3A_35] : memref<25088x8xf32, #tpu.memory_space<vmem_shared>> -> memref<1568x8xf32, #tpu.memory_space<vmem_shared>>
      tpu.wait_dma2 semaphore(%run_scoped3A : memref<!tpu.dma_semaphore, #tpu.memory_space<semaphore_mem>>) src(%dma_wait3A_36 : memref<1568x8xf32, #tpu.memory_space<vmem_shared>>) dst(%dma_wait3A_34 : memref<1568x8xf32, #tpu.memory_space<hbm>>)
      tpu.yield
    }) : () -> ()
    return
  }
}

module attributes {stable_mosaic.version = 14 : i64} {
  func.func @_tc_init_body(%arg0: i32, %arg1: memref<1000x1xf32, #tpu.memory_space<vmem>>, %arg2: memref<1000x1xf32, #tpu.memory_space<vmem>>, %arg3: memref<1000x64xf32, #tpu.memory_space<vmem>>, %arg4: memref<1000x1xf32, #tpu.memory_space<vmem>>, %arg5: memref<1000x1xf32, #tpu.memory_space<vmem>>, %arg6: memref<1000x32xf32, #tpu.memory_space<vmem>>, %arg7: memref<1000x32xf32, #tpu.memory_space<vmem>>, %arg8: memref<1000x32xf32, #tpu.memory_space<vmem>>, %arg9: memref<1000x32xf32, #tpu.memory_space<vmem>>) attributes {dimension_semantics = [#tpu.dimension_semantics<arbitrary>], iteration_bounds = array<i64: 50>, scalar_prefetch = 0 : i64, scratch_operands = 0 : i64, tpu.core_type = #tpu.core_type<tc>, window_params = [{transform_indices = @transform_0, window_bounds = array<i64: 1000, 1>}, {transform_indices = @transform_1, window_bounds = array<i64: 1000, 1>}, {transform_indices = @transform_2, window_bounds = array<i64: 1000, 64>}, {transform_indices = @transform_3, window_bounds = array<i64: 1000, 1>}, {transform_indices = @transform_4, window_bounds = array<i64: 1000, 1>}, {transform_indices = @transform_5, window_bounds = array<i64: 1000, 32>}, {transform_indices = @transform_6, window_bounds = array<i64: 1000, 32>}, {transform_indices = @transform_7, window_bounds = array<i64: 1000, 32>}, {transform_indices = @transform_8, window_bounds = array<i64: 1000, 32>}]} {
    %get3A = arith.constant 0 : index
    %get3A_0 = arith.constant 0 : index
    %get3A_1 = vector.load %arg1[%get3A, %get3A_0] : memref<1000x1xf32, #tpu.memory_space<vmem>>, vector<1000x1xf32>
    %get3A_2 = arith.constant 0 : index
    %get3A_3 = arith.constant 0 : index
    %get3A_4 = vector.load %arg2[%get3A_2, %get3A_3] : memref<1000x1xf32, #tpu.memory_space<vmem>>, vector<1000x1xf32>
    %get3A_5 = arith.constant 0 : index
    %get3A_6 = arith.constant 0 : index
    %get3A_7 = vector.load %arg3[%get3A_5, %get3A_6] : memref<1000x64xf32, #tpu.memory_space<vmem>>, vector<1000x64xf32>
    %gt3A = arith.constant 0.000000e+00 : f32
    %gt3A_8 = vector.broadcast %gt3A : f32 to vector<1000x1xf32>
    %gt3A_9 = arith.cmpf ogt, %get3A_1, %gt3A_8 : vector<1000x1xf32>
    %max3A = arith.constant 1.000000e-30 : f32
    %max3A_10 = vector.broadcast %max3A : f32 to vector<1000x1xf32>
    %max3A_11 = arith.maximumf %get3A_1, %max3A_10 : vector<1000x1xf32>
    %rsqrt3A = math.rsqrt %max3A_11 : vector<1000x1xf32>
    %jit3A = arith.constant 0.000000e+00 : f32
    %broadcast_in_dim3A = vector.broadcast %jit3A : f32 to vector<1000x1xf32>
    %select_n3A = arith.select %gt3A_9, %rsqrt3A, %broadcast_in_dim3A : vector<1000x1xi1>, vector<1000x1xf32>
    %gt3A_12 = arith.constant 0.000000e+00 : f32
    %gt3A_13 = vector.broadcast %gt3A_12 : f32 to vector<1000x1xf32>
    %gt3A_14 = arith.cmpf ogt, %get3A_4, %gt3A_13 : vector<1000x1xf32>
    %max3A_15 = arith.constant 1.000000e-30 : f32
    %max3A_16 = vector.broadcast %max3A_15 : f32 to vector<1000x1xf32>
    %max3A_17 = arith.maximumf %get3A_4, %max3A_16 : vector<1000x1xf32>
    %rsqrt3A_18 = math.rsqrt %max3A_17 : vector<1000x1xf32>
    %jit3A_19 = arith.constant 0.000000e+00 : f32
    %broadcast_in_dim3A_20 = vector.broadcast %jit3A_19 : f32 to vector<1000x1xf32>
    %select_n3A_21 = arith.select %gt3A_14, %rsqrt3A_18, %broadcast_in_dim3A_20 : vector<1000x1xi1>, vector<1000x1xf32>
    %swap3A = arith.constant 0 : index
    %swap3A_22 = arith.constant 0 : index
    %swap3A_23 = vector.load %arg4[%swap3A, %swap3A_22] : memref<1000x1xf32, #tpu.memory_space<vmem>>, vector<1000x1xf32>
    tpu.vector_store %arg4[%swap3A, %swap3A_22], %select_n3A {strides = array<i32>} : memref<1000x1xf32, #tpu.memory_space<vmem>>, vector<1000x1xf32>,
    %swap3A_24 = arith.constant 0 : index
    %swap3A_25 = arith.constant 0 : index
    %swap3A_26 = vector.load %arg5[%swap3A_24, %swap3A_25] : memref<1000x1xf32, #tpu.memory_space<vmem>>, vector<1000x1xf32>
    tpu.vector_store %arg5[%swap3A_24, %swap3A_25], %select_n3A_21 {strides = array<i32>} : memref<1000x1xf32, #tpu.memory_space<vmem>>, vector<1000x1xf32>,
    %slice3A = vector.extract_strided_slice %get3A_7 {offsets = [0, 0], sizes = [1000, 32], strides = [1, 1]} : vector<1000x64xf32> to vector<1000x32xf32>
    %mul3A = vector.broadcast %select_n3A : vector<1000x1xf32> to vector<1000x32xf32>
    %mul3A_27 = arith.mulf %slice3A, %mul3A : vector<1000x32xf32>
    %swap3A_28 = arith.constant 0 : index
    %swap3A_29 = arith.constant 0 : index
    %swap3A_30 = vector.load %arg6[%swap3A_28, %swap3A_29] : memref<1000x32xf32, #tpu.memory_space<vmem>>, vector<1000x32xf32>
    tpu.vector_store %arg6[%swap3A_28, %swap3A_29], %mul3A_27 {strides = array<i32>} : memref<1000x32xf32, #tpu.memory_space<vmem>>, vector<1000x32xf32>,
    %slice3A_31 = vector.extract_strided_slice %get3A_7 {offsets = [0, 32], sizes = [1000, 32], strides = [1, 1]} : vector<1000x64xf32> to vector<1000x32xf32>
    %mul3A_32 = vector.broadcast %select_n3A : vector<1000x1xf32> to vector<1000x32xf32>
    %mul3A_33 = arith.mulf %slice3A_31, %mul3A_32 : vector<1000x32xf32>
    %swap3A_34 = arith.constant 0 : index
    %swap3A_35 = arith.constant 0 : index
    %swap3A_36 = vector.load %arg7[%swap3A_34, %swap3A_35] : memref<1000x32xf32, #tpu.memory_space<vmem>>, vector<1000x32xf32>
    tpu.vector_store %arg7[%swap3A_34, %swap3A_35], %mul3A_33 {strides = array<i32>} : memref<1000x32xf32, #tpu.memory_space<vmem>>, vector<1000x32xf32>,
    %slice3A_37 = vector.extract_strided_slice %get3A_7 {offsets = [0, 0], sizes = [1000, 32], strides = [1, 1]} : vector<1000x64xf32> to vector<1000x32xf32>
    %mul3A_38 = arith.constant 2.500000e-01 : f32
    %mul3A_39 = vector.broadcast %mul3A_38 : f32 to vector<1000x32xf32>
    %mul3A_40 = arith.mulf %mul3A_39, %slice3A_37 : vector<1000x32xf32>
    %swap3A_41 = arith.constant 0 : index
    %swap3A_42 = arith.constant 0 : index
    %swap3A_43 = vector.load %arg8[%swap3A_41, %swap3A_42] : memref<1000x32xf32, #tpu.memory_space<vmem>>, vector<1000x32xf32>
    tpu.vector_store %arg8[%swap3A_41, %swap3A_42], %mul3A_40 {strides = array<i32>} : memref<1000x32xf32, #tpu.memory_space<vmem>>, vector<1000x32xf32>,
    %slice3A_44 = vector.extract_strided_slice %get3A_7 {offsets = [0, 32], sizes = [1000, 32], strides = [1, 1]} : vector<1000x64xf32> to vector<1000x32xf32>
    %mul3A_45 = arith.constant 2.500000e-01 : f32
    %mul3A_46 = vector.broadcast %mul3A_45 : f32 to vector<1000x32xf32>
    %mul3A_47 = arith.mulf %mul3A_46, %slice3A_44 : vector<1000x32xf32>
    %swap3A_48 = arith.constant 0 : index
    %swap3A_49 = arith.constant 0 : index
    %swap3A_50 = vector.load %arg9[%swap3A_48, %swap3A_49] : memref<1000x32xf32, #tpu.memory_space<vmem>>, vector<1000x32xf32>
    tpu.vector_store %arg9[%swap3A_48, %swap3A_49], %mul3A_47 {strides = array<i32>} : memref<1000x32xf32, #tpu.memory_space<vmem>>, vector<1000x32xf32>,
    return
  }
  func.func @transform_0(%arg0: i32) -> (i32, i32) {
    %c0_i32 = arith.constant 0 : i32
    %c0_i32_0 = arith.constant 0 : i32
    return %arg0, %c0_i32 : i32, i32
  }
  func.func @transform_1(%arg0: i32) -> (i32, i32) {
    %c0_i32 = arith.constant 0 : i32
    %c0_i32_0 = arith.constant 0 : i32
    return %arg0, %c0_i32 : i32, i32
  }
  func.func @transform_2(%arg0: i32) -> (i32, i32) {
    %c0_i32 = arith.constant 0 : i32
    %c0_i32_0 = arith.constant 0 : i32
    return %arg0, %c0_i32 : i32, i32
  }
  func.func @transform_3(%arg0: i32) -> (i32, i32) {
    %c0_i32 = arith.constant 0 : i32
    %c0_i32_0 = arith.constant 0 : i32
    return %arg0, %c0_i32 : i32, i32
  }
  func.func @transform_4(%arg0: i32) -> (i32, i32) {
    %c0_i32 = arith.constant 0 : i32
    %c0_i32_0 = arith.constant 0 : i32
    return %arg0, %c0_i32 : i32, i32
  }
  func.func @transform_5(%arg0: i32) -> (i32, i32) {
    %c0_i32 = arith.constant 0 : i32
    %c0_i32_0 = arith.constant 0 : i32
    return %arg0, %c0_i32 : i32, i32
  }
  func.func @transform_6(%arg0: i32) -> (i32, i32) {
    %c0_i32 = arith.constant 0 : i32
    %c0_i32_0 = arith.constant 0 : i32
    return %arg0, %c0_i32 : i32, i32
  }
  func.func @transform_7(%arg0: i32) -> (i32, i32) {
    %c0_i32 = arith.constant 0 : i32
    %c0_i32_0 = arith.constant 0 : i32
    return %arg0, %c0_i32 : i32, i32
  }
  func.func @transform_8(%arg0: i32) -> (i32, i32) {
    %c0_i32 = arith.constant 0 : i32
    %c0_i32_0 = arith.constant 0 : i32
    return %arg0, %c0_i32 : i32, i32
  }
}

module attributes {stable_mosaic.version = 14 : i64} {
  func.func @_tc_layer_body(%arg0: i32, %arg1: memref<1000x32xf32, #tpu.memory_space<vmem>>, %arg2: memref<1000x1xf32, #tpu.memory_space<vmem>>, %arg3: memref<1000x1xf32, #tpu.memory_space<vmem>>, %arg4: memref<1000x32xf32, #tpu.memory_space<vmem>>, %arg5: memref<1000x32xf32, #tpu.memory_space<vmem>>, %arg6: memref<1000x32xf32, #tpu.memory_space<vmem>>) attributes {dimension_semantics = [#tpu.dimension_semantics<arbitrary>], iteration_bounds = array<i64: 50>, scalar_prefetch = 0 : i64, scratch_operands = 0 : i64, tpu.core_type = #tpu.core_type<tc>, window_params = [{transform_indices = @transform_0, window_bounds = array<i64: 1000, 32>}, {transform_indices = @transform_1, window_bounds = array<i64: 1000, 1>}, {transform_indices = @transform_2, window_bounds = array<i64: 1000, 1>}, {transform_indices = @transform_3, window_bounds = array<i64: 1000, 32>}, {transform_indices = @transform_4, window_bounds = array<i64: 1000, 32>}, {transform_indices = @transform_5, window_bounds = array<i64: 1000, 32>}]} {
    %get3A = arith.constant 0 : index
    %get3A_0 = arith.constant 0 : index
    %get3A_1 = vector.load %arg1[%get3A, %get3A_0] : memref<1000x32xf32, #tpu.memory_space<vmem>>, vector<1000x32xf32>
    %get3A_2 = arith.constant 0 : index
    %get3A_3 = arith.constant 0 : index
    %get3A_4 = vector.load %arg2[%get3A_2, %get3A_3] : memref<1000x1xf32, #tpu.memory_space<vmem>>, vector<1000x1xf32>
    %mul3A = vector.broadcast %get3A_4 : vector<1000x1xf32> to vector<1000x32xf32>
    %mul3A_5 = arith.mulf %get3A_1, %mul3A : vector<1000x32xf32>
    %get3A_6 = arith.constant 0 : index
    %get3A_7 = arith.constant 0 : index
    %get3A_8 = vector.load %arg4[%get3A_6, %get3A_7] : memref<1000x32xf32, #tpu.memory_space<vmem>>, vector<1000x32xf32>
    %mul3A_9 = arith.constant 2.500000e-01 : f32
    %mul3A_10 = vector.broadcast %mul3A_9 : f32 to vector<1000x32xf32>
    %mul3A_11 = arith.mulf %mul3A_10, %mul3A_5 : vector<1000x32xf32>
    %add3A = arith.addf %get3A_8, %mul3A_11 : vector<1000x32xf32>
    %swap3A = arith.constant 0 : index
    %swap3A_12 = arith.constant 0 : index
    %swap3A_13 = vector.load %arg5[%swap3A, %swap3A_12] : memref<1000x32xf32, #tpu.memory_space<vmem>>, vector<1000x32xf32>
    tpu.vector_store %arg5[%swap3A, %swap3A_12], %add3A {strides = array<i32>} : memref<1000x32xf32, #tpu.memory_space<vmem>>, vector<1000x32xf32>,
    %get3A_14 = arith.constant 0 : index
    %get3A_15 = arith.constant 0 : index
    %get3A_16 = vector.load %arg3[%get3A_14, %get3A_15] : memref<1000x1xf32, #tpu.memory_space<vmem>>, vector<1000x1xf32>
    %mul3A_17 = vector.broadcast %get3A_16 : vector<1000x1xf32> to vector<1000x32xf32>
    %mul3A_18 = arith.mulf %mul3A_5, %mul3A_17 : vector<1000x32xf32>
    %swap3A_19 = arith.constant 0 : index
    %swap3A_20 = arith.constant 0 : index
    %swap3A_21 = vector.load %arg6[%swap3A_19, %swap3A_20] : memref<1000x32xf32, #tpu.memory_space<vmem>>, vector<1000x32xf32>
    tpu.vector_store %arg6[%swap3A_19, %swap3A_20], %mul3A_18 {strides = array<i32>} : memref<1000x32xf32, #tpu.memory_space<vmem>>, vector<1000x32xf32>,
    return
  }
  func.func @transform_0(%arg0: i32) -> (i32, i32) {
    %c0_i32 = arith.constant 0 : i32
    %c0_i32_0 = arith.constant 0 : i32
    return %arg0, %c0_i32 : i32, i32
  }
  func.func @transform_1(%arg0: i32) -> (i32, i32) {
    %c0_i32 = arith.constant 0 : i32
    %c0_i32_0 = arith.constant 0 : i32
    return %arg0, %c0_i32 : i32, i32
  }
  func.func @transform_2(%arg0: i32) -> (i32, i32) {
    %c0_i32 = arith.constant 0 : i32
    %c0_i32_0 = arith.constant 0 : i32
    return %arg0, %c0_i32 : i32, i32
  }
  func.func @transform_3(%arg0: i32) -> (i32, i32) {
    %c0_i32 = arith.constant 0 : i32
    %c0_i32_0 = arith.constant 0 : i32
    return %arg0, %c0_i32 : i32, i32
  }
  func.func @transform_4(%arg0: i32) -> (i32, i32) {
    %c0_i32 = arith.constant 0 : i32
    %c0_i32_0 = arith.constant 0 : i32
    return %arg0, %c0_i32 : i32, i32
  }
  func.func @transform_5(%arg0: i32) -> (i32, i32) {
    %c0_i32 = arith.constant 0 : i32
    %c0_i32_0 = arith.constant 0 : i32
    return %arg0, %c0_i32 : i32, i32
  }
}

</mosaic_0001>

<sc_bundles>
// kernel: closed_call.20.cloned.1.call-start
scs
__scs_entry_jumppad:
0x0: {  	(pc) =	sbr.rel $0x88, $3  }
0x1: {  	(tag) =	ssettag $0x0;
	lr =	simm.s32 $0x1  }
0x2: {  	[smem:$0x3F9E] =	sst lr;
	_ =	strace $0xD0000000  }
0x3: {  	_ = 	snop  }
0x4: {  	_ = 	snop  }
0x5: {  	_ = 	snop  }
0x6: {  	_ = 	snop  }
0x7: {  	_ = 	snop  }
__scs_overlays_trampoline_lowered:
0x8: {  	[smem:$0x3FAD] =	sst s0  }
0x9: {  	[smem:$0x3FAE] =	sst s1  }
0xa: {  	[smem:$0x3FAF] =	sst s2  }
0xb: {  	[smem:$0x3FB0] =	sst s3  }
0xc: {  	[smem:$0x3FB1] =	sst s4  }
0xd: {  	[smem:$0x3FB2] =	sst s5  }
0xe: {  	[smem:$0x3FB3] =	sst s6  }
0xf: {  	[smem:$0x3FB4] =	sst s7  }
0x10: {  	[smem:$0x3FB5] =	sst s8  }
0x11: {  	[smem:$0x3FB6] =	sst s9;
	s0 =	simm.s32 @!p0 $0x0  }
0x12: {  	s1 =	sld [smem:$0x3F9C];
	s0 =	simm.s32 @p0 $0x1  }
0x13: {  	[smem:$0x3FB7] =	sst s0;
	s0 =	simm.s32 @!p1 $0x0  }
0x14: {  	s2 =	sld [smem:$0x3F9B];
	s0 =	simm.s32 @p1 $0x1  }
0x15: {  	[smem:$0x3FB8] =	sst s0;
	s0 =	simm.s32 @!p2 $0x0  }
0x16: {  	s3 =	sld [smem:$0x3FDB];
	s0 =	simm.s32 @p2 $0x1  }
0x17: {  	s4 =	simm.s32 $0x1BF5;
	[smem:$0x3FBA] =	sst s0  }
0x18: {  	s0 =	sld [smem:$0x3F9D];
	_ =	swait.ge [sflag:s4], $0x0  }
0x19: {  	s7 =	sld [smem:$0x3F9E]  }
0x1a: {  	s8 =	sadd.s32 $0xFFFFE003, lr  }
0x1b: {  	s9 =	sadd.s32 $0xFFFFFEF7, lr;
	s5 =	simm.s32 $0xFFFFFFFF;
	p2 =	slt.u32 s8, $0xFFFFF086  }
0x1c: {  	p1 =	slt.u32 s9, $0xF7A;
	s5 =	simm.s32 @!p2 $0x0  }
0x1d: {  	s5 =	simm.s32 @p1 $0x1;
	p0 =	seq.s32 s7, s2  }
0x1e: {  	s7 =	smul.u32 @!p0 $0xF7A, s2;
	p2 =	seq.s32 @!p0 s5, $0x0  }
0x1f: {  	s9 =	smul.u32 $0xF7A, s1;
	s8 =	simm.s32 @!p0 $0x1BF5;
	p2 =	por !p2, p0  }
0x20: {  	[sflag:s8] =	ssyncset.s32 @!p0 $0xFFFFF086;
	s6 =	sadd.s32 @!p0 s3, s7;
	s7 =	simm.s32 @!p0 $0x108  }
0x21: {  	s3 =	sadd.s32 s3, s9;
	s6 =	sadd.s32 @!p0 $0x88, s6;
	s7 =	simm.s32 @p2 $0x1082  }
0x22: {  	[simem:s7], [sflag:s8] =	dma.local @!p0 [hbm:s6], $0xF7A  }
0x23: {  	s9 =	sor.u32 $0xD0000000, s2;
	s6 =	simm.s32 $0x108;
	_ =	swait.ge @!p0 [sflag:s8], $0x0  }
0x24: {  	s3 =	sadd.s32 $0x88, s3;
	s6 =	simm.s32 @!p1 $0x1082;
	[sflag:s4] =	ssyncset.s32 $0xFFFFF086  }
0x25: {  	[simem:s6], [sflag:s4] =	dma.local [hbm:s3], $0xF7A  }
0x26: {  	[smem:$0x3F9E] =	sst s1;
	(tag) =	ssettag s2;
	_ =	strace s9  }
0x27: {  	s1 =	sld [smem:$0x3FAE]  }
0x28: {  	s2 =	sld [smem:$0x3FAF]  }
0x29: {  	s4 =	sld [smem:$0x3FB1]  }
0x2a: {  	p0 =	seq.s32 s5, $0x0;
	s5 =	sld [smem:$0x3FB2]  }
0x2b: {  	s6 =	sld [smem:$0x3FB3]  }
0x2c: {  	s7 =	sld [smem:$0x3FB4]  }
0x2d: {  	s3 =	simm.s32 $0x108;
	s8 =	sld [smem:$0x3FB5]  }
0x2e: {  	s3 =	simm.s32 @!p0 $0x1082;
	s9 =	sld [smem:$0x3FB6]  }
0x2f: {  	lr =	sadd.s32 s0, s3;
	s0 =	sld [smem:$0x3FAD]  }
0x30: {  	s3 =	sld [smem:$0x3FB0]  }
0x31: {  	[smem:$0x3FB9] =	sst s10  }
0x32: {  	s10 =	sld [smem:$0x3FB7];
	_ =	sdelay $0x3  }
0x33: {  	p0 =	seq.s32 s10, $0x1;
	s10 =	sld [smem:$0x3FB9];
	_ =	sdelay $0x3  }
0x34: {  	[smem:$0x3FB9] =	sst s10  }
0x35: {  	s10 =	sld [smem:$0x3FB8];
	_ =	sdelay $0x3  }
0x36: {  	p1 =	seq.s32 s10, $0x1;
	s10 =	sld [smem:$0x3FB9];
	_ =	sdelay $0x3  }
0x37: {  	[smem:$0x3FB9] =	sst s10  }
0x38: {  	s10 =	sld [smem:$0x3FBA]  }
0x39: {  	_ = 	snop;
	(pc) =	sbr.ind lr, $3  }
0x3a: {  	_ = 	snop  }
0x3b: {  	_ = 	snop  }
0x3c: {  	p2 =	seq.s32 s10, $0x1;
	s10 =	sld [smem:$0x3FB9]  }
0x3d: {  	_ =	shalt  }
0x3e: {  	_ =	shalt  }
0x3f: {  	_ =	shalt  }
0x40: {  	_ =	shalt  }
0x41: {  	_ =	shalt  }
0x42: {  	_ =	shalt  }
0x43: {  	_ =	shalt  }
0x44: {  	_ =	shalt  }
0x45: {  	_ =	shalt  }
0x46: {  	_ =	shalt  }
0x47: {  	_ =	shalt  }
0x48: {  	_ =	shalt  }
0x49: {  	_ =	shalt  }
0x4a: {  	_ =	shalt  }
0x4b: {  	_ =	shalt  }
0x4c: {  	_ =	shalt  }
0x4d: {  	_ =	shalt  }
0x4e: {  	_ =	shalt  }
0x4f: {  	_ =	shalt  }
0x50: {  	_ =	shalt  }
0x51: {  	_ =	shalt  }
0x52: {  	_ =	shalt  }
0x53: {  	_ =	shalt  }
0x54: {  	_ =	shalt  }
0x55: {  	_ =	shalt  }
0x56: {  	_ =	shalt  }
0x57: {  	_ =	shalt  }
0x58: {  	_ =	shalt  }
0x59: {  	_ =	shalt  }
0x5a: {  	_ =	shalt  }
0x5b: {  	_ =	shalt  }
0x5c: {  	_ =	shalt  }
0x5d: {  	_ =	shalt  }
0x5e: {  	_ =	shalt  }
0x5f: {  	_ =	shalt  }
0x60: {  	_ =	shalt  }
0x61: {  	_ =	shalt  }
0x62: {  	_ =	shalt  }
0x63: {  	_ =	shalt  }
0x64: {  	_ =	shalt  }
0x65: {  	_ =	shalt  }
0x66: {  	_ =	shalt  }
0x67: {  	_ =	shalt  }
0x68: {  	_ =	shalt  }
0x69: {  	_ =	shalt  }
0x6a: {  	_ =	shalt  }
0x6b: {  	_ =	shalt  }
0x6c: {  	_ =	shalt  }
0x6d: {  	_ =	shalt  }
0x6e: {  	_ =	shalt  }
0x6f: {  	_ =	shalt  }
0x70: {  	_ =	shalt  }
0x71: {  	_ =	shalt  }
0x72: {  	_ =	shalt  }
0x73: {  	_ =	shalt  }
0x74: {  	_ =	shalt  }
0x75: {  	_ =	shalt  }
0x76: {  	_ =	shalt  }
0x77: {  	_ =	shalt  }
0x78: {  	_ =	shalt  }
0x79: {  	_ =	shalt  }
0x7a: {  	_ =	shalt  }
0x7b: {  	_ =	shalt  }
0x7c: {  	_ =	shalt  }
0x7d: {  	_ =	shalt  }
0x7e: {  	_ =	shalt  }
0x7f: {  	_ =	shalt  }
0x80: {  	_ =	shalt  }
0x81: {  	_ =	shalt  }
0x82: {  	_ =	shalt  }
0x83: {  	_ =	shalt  }
0x84: {  	_ =	shalt  }
0x85: {  	_ =	shalt  }
0x86: {  	_ =	shalt  }
0x87: {  	_ =	shalt  }
.Lfunc_end0:
.L_simem_size_0:
called_computation_lowered:
.L_overlay_start_0:
0x88: {  	s2 =	sld [smem:$0x3FD9]  }
0x89: {  	s3 =	sld [smem:$0x3FFE];
	_ =	sdelay $0x1  }
0x8a: {  	s1 =	srdreg.scid  }
0x8b: {  	s0 =	sand.u32 $0x1, s1  }
0x8c: {  	s17 =	sshll.u32 s0, $0xA;
	s2 =	sadd.s32 s3, s2  }
0x8d: {  	s2 =	sadd.s32 s2, s17  }
0x8e: {  	[smem:$0x3FC5] =	sst s2  }
0x8f: {  	_ = 	snop  }
0x90: {  	s2 =	sld [smem:$0x3FD0];
	(tm) =	ssettm $0x1  }
0x91: {  	s18 =	sld [smem:$0x3FFB];
	_ =	sdelay $0x3  }
0x92: {  	_ =	strace s18  }
0x93: {  	s3 =	sld [smem:$0x3FFC];
	_ =	sdelay $0x3  }
0x94: {  	_ =	strace s3  }
0x95: {  	s3 =	sld [smem:$0x3FFD];
	_ =	sdelay $0x3  }
0x96: {  	_ =	strace s3  }
0x97: {  	_ =	strace $0x8FFFFFFF  }
0x98: {  	s19 =	sld [smem:$0x3FDB];
	_ =	sdelay $0x1  }
0x99: {  	s4 =	simm.s32 $_scs_section_size  }
0x9a: {  	s5 =	simm.s32 $_size__tile_overlayer_lowered;
	s6 =	simm.s32 $_tile_overlayer_lowered  }
0x9b: {  	s22 =	simm.s32 $0x1BFF;
	s21 =	sshll.u32 s6, $0x1;
	s3 =	sadd.s32 s4, s19  }
0x9c: {  	s7 =	simm.s32 $0x0;
	s20 =	sshll.u32 s5, $0x1;
	s5 =	sadd.s32 s21, s3  }
0x9d: {  	[timem:s7], [sflag:s22] =	dma.local [hbm:s5], s20  }
0x9e: {  	_ =	swait.ge [sflag:s22], s20  }
0x9f: {  	s4 =	ssub.s32 $0x0, s20;
	[sflag:s22] =	ssyncset.done $0x0  }
0xa0: {  	[sflag:s22] =	ssyncadd.s32 s4;
	_ =	sdelay $0x1  }
0xa1: {  	s23 =	simm.s32 $0x1B8B  }
0xa2: {  	_ =	swait.ge [sflag:s23], $0x1  }
0xa3: {  	[sflag:s23] =	ssyncset.done $0x0  }
0xa4: {  	s25 =	simm.s32 $0x1B8E;
	s24 =	sld [smem:$0x3FFE];
	[sflag:s23] =	ssyncadd.s32 $0xFFFFFFFF  }
0xa5: {  	s26 =	simm.s32 $execute0_lowered;
	[smem:$0x3FD2] =	sst s25  }
0xa6: {  	s5 =	sshll.u32 s26, $0x1;
	_ =	strace $0x80000049;
	[dreg:$0x1] =	wrdreg $0xFFFFFFFF  }
0xa7: {  	s28 =	simm.s32 $_size_execute0_lowered;
	s3 =	sadd.s32 s3, s5;
	[dreg:$0x0] =	wrdreg $0x0  }
0xa8: {  	s5 =	sshll.u32 s28, $0x1;
	[dreg:$0x2] =	wrdreg s3  }
0xa9: {  	[dreg:$0x3] =	wrdreg s5  }
0xaa: {  	[dreg:$0x4] =	wrdreg $0xC0  }
0xab: {  	_ =	task [dreg:s7], $0x5FFFF  }
0xac: {  	[dreg:$0x1] =	wrdreg $0xFFFFFFFF  }
0xad: {  	[dreg:$0x0] =	wrdreg $0x60  }
0xae: {  	[dreg:$0x2] =	wrdreg s2  }
0xaf: {  	[dreg:$0x3] =	wrdreg s24  }
0xb0: {  	[dreg:$0x4] =	wrdreg $0xE6000  }
0xb1: {  	[dreg:$0x5] =	wrdreg $0x9  }
0xb2: {  	_ =	task.clear_ibuf [dreg:s7], $0x6FFFF;
	_ =	strace $0x90000049  }
0xb3: {  	s29 =	simm.s32 $0x9;
	_ =	strace $0x8000004B  }
0xb4: {  	_ =	swait.ge [sflag:s29], $0x1  }
0xb5: {  	[sflag:s29] =	ssyncadd.s32 $0xFFFFFFFF  }
0xb6: {  	_ =	strace $0x9000004B  }
0xb7: {  	_ =	sfence  }
0xb8: {  	s30 =	sld [smem:$0x0];
	_ =	sdelay $0x2  }
0xb9: {  	s31 =	sshll.u32 s1, $0xD;
	s1 =	sshrl.u32 s1, $0x2  }
0xba: {  	s3 =	sand.u32 $0x4000, s31;
	s1 =	sadd.s32 s1, s30  }
0xbb: {  	s0 =	sor.u32 s3, s0;
	s1 =	sshll.u32 s1, $0x11  }
0xbc: {  	s0 =	sor.u32 s1, s0  }
0xbd: {  	s0 =	sadd.s32 $0x8F2B, s0  }
0xbe: {  	[sflag:s0] =	ssyncadd.remote.s32 $0x1  }
0xbf: {  	_ =	sfence.sel $0xFFFF  }
0xc0: {  	[dreg:$0x0] =	wrdreg $0xFFFFFFFF;
	(pc) =	sbr.abs _section_cstart, $3  }
0xc1: {  	[dreg:$0x1] =	wrdreg $0xFFFFFFFF  }
0xc2: {  	_ =	task.clear_ibuf [dreg:s7], $0x2FFFF;
	_ =	strace $0x9FFFFFFF  }
0xc3: {  	(tm) =	ssettm $0x7FFFFFFF  }
tec
execute0_lowered:
.L_overlay_start_1:
0x0: {  	(tag) =	ssettag $0x1  }
0x1: {  	s2 =	rddreg [dreg:$0x0]  }
0x2: {  	s6 =	rddreg [dreg:$0x1]  }
0x3: {  	s3 =	rddreg [dreg:$0x2]  }
0x4: {  	s0 =	rddreg [dreg:$0x3]  }
0x5: {  	s1 =	stileid.u32;
	s5 =	srdreg.scid  }
0x6: {  	s4 =	simm.s32 $0x0;
	s14 =	simm.s32 $0x3;
	s15 =	simm.s32 $0x80  }
0x7: {  	s16 =	simm.s32 $0x200;
	s17 =	simm.s32 $0x1200;
	s18 =	simm.s32 $0x1  }
0x8: {  	s19 =	simm.s32 $0x100;
	s21 =	simm.s32 $0x2;
	s22 =	simm.s32 $0x0  }
0x9: {  	s7 =	sand.u32 $0x1, s5;
	s8 =	smul.u32 $0xC400, s1;
	[smem:$0x7FF] =	sst s4  }
0xa: {  	s5 =	sadd.s32 $0x33C00, s6;
	s11 =	sshll.u32 s1, $0x4;
	s9 =	smul.u32 $0x188000, s7  }
0xb: {  	s10 =	ssub.s32 $0x2, s7;
	s13 =	sadd.s32 s11, s6;
	s20 =	smul.u32 $0x61A8, s7  }
0xc: {  	_ =	strace $0x8000004A;
	s12 =	sshrl.u32 s10, $0x1;
	s7 =	sadd.s32 $0x1A800, s13  }
0xd: {  	s9 =	sadd.s32 s8, s9;
	s12 =	ssub.s32 s10, s12;
	v0 =	vmov s20;
	s20 =	simm.s32 $0x180  }
0xe: {  	s9 =	sshrl.u32 s9, $0x3;
	s11 =	smax.u32 s12, $0x1;
	s12 =	sadd.s32 $0x2000, s13  }
0xf: {  	s31 =	sadd.s32 s9, s6;
	s6 =	sadd.s32 s8, s3;
	s8 =	sadd.s32 $0x1A600, s13  }
0x10: {  	v1 =	vimm.f32 $0.0e+00;
	s13 =	simm.s32 $0x2200;
	s9 =	sadd.s32 $0x64A00, s31;
	s10 =	sadd.s32 $0x7D200, s31  }
.LBB2_1:
0x11: {  	s23 =	simm.s32 $0x80;
	s24 =	simm.s32 $0x0  }
.LBB2_2:
0x12: {  	p0 =	sne.s32 s23, $0x30F80;
	[tilespmem:s24+$0x2200] =	vst v1;
	s25 =	smov.u32 s23;
	s23 =	sadd.s32 $0x80, s23  }
.Ltmp0:
0x13: {  	[tilespmem:s24+$0x2210] =	vst v1;
	(pc) =	sbr.rel @p0 .LBB2_2-.Ltmp0, $2  }
0x14: {  	_ =	sdelay $0x2  }
0x15: {  	s24 =	sshra.s32 s25, $0x2  }
0x16: {  	[tilespmem:s24+$0x2200] =	vst v1  }
0x17: {  	[tilespmem:s24+$0x2210] =	vst v1  }
0x18: {  	[spmem:s6] =	stream.linear.scatter [tilespmem:s13], [sflag:$0x3], $0xC400, $0x38;
	[tilespmem:$0x1AA00] =	vst v63  }
0x19: {  	_ =	swait.ge [sflag:s14], $0xC400  }
0x1a: {  	[sflag:s14] =	ssyncset.done $0x0  }
0x1b: {  	[sflag:s14] =	ssyncadd.s32 $0xFFFF3C00  }
0x1c: {  	s23 =	simm.s32 $0x0;
	[bflag:$0x0] =	sbarrier.arrive $0xFFFF  }
0x1d: {  	[tilespmem:s23], [sflag:$0x3] =	stream.linear.gather [hbm4b:s7+s23], $0x80, $0x38;
	[tilespmem:$0x1AA00] =	vst v63  }
0x1e: {  	_ =	swait.ge [sflag:s14], $0x80  }
0x1f: {  	[sflag:s14] =	ssyncset.done $0x0  }
0x20: {  	s25 =	sadd.s32 $0x0, s7;
	[sflag:s14] =	ssyncadd.s32 $0xFFFFFF80  }
0x21: {  	[tilespmem:s16], [sflag:$0x1] =	stream.indirect.gather [hbm4b:s2+s15], $0x20, s23, s15, $0xb8;
	[tilespmem:$0x1AA00] =	vst v63  }
0x22: {  	s31 =	sadd.s32 $0x100, s25  }
0x23: {  	[tilespmem:s15], [sflag:$0x3] =	stream.linear.gather [hbm4b:s31+s4], $0x80, $0x38;
	[tilespmem:$0x1AA00] =	vst v63  }
0x24: {  	_ =	swait.ge [sflag:s14], $0x80  }
0x25: {  	[sflag:s14] =	ssyncset.done $0x0  }
0x26: {  	[sflag:s14] =	ssyncadd.s32 $0xFFFFFF80  }
0x27: {  	[tilespmem:s17], [sflag:$0x2] =	stream.indirect.gather [hbm4b:s2+s15], $0x20, s15, s15, $0xb8;
	[tilespmem:$0x1AA00] =	vst v63  }
0x28: {  	_ =	swait.ge [sflag:s18], $0x1000  }
0x29: {  	[sflag:s18] =	ssyncset.done $0x0  }
0x2a: {  	s26 =	sadd.s32 $0x0, s12;
	[sflag:s18] =	ssyncadd.s32 $0xFFFFF000  }
0x2b: {  	[tilespmem:s19], [sflag:$0x3] =	stream.linear.gather [hbm4b:s26+s4], $0x80, $0x38;
	[tilespmem:$0x1AA00] =	vst v63  }
0x2c: {  	_ =	swait.ge [sflag:s14], $0x80  }
0x2d: {  	s23 =	simm.s32 $0x200;
	[sflag:s14] =	ssyncset.done $0x0  }
.LBB2_4:
0x2e: {  	p0 =	sne.s32 s23, $0x18400  }
0x2f: {  	[sflag:s14] =	ssyncadd.s32 $0xFFFFFF80;
	s24 =	smov.u32 s23;
	s23 =	sadd.s32 $0x200, s23  }
0x30: {  	v2 =	vld [tilespmem:$0x170]  }
0x31: {  	v3 =	vld [tilespmem:$0x110]  }
0x32: {  	v4 =	vld [tilespmem:$0x100]  }
0x33: {  	v5 =	vld [tilespmem:$0x160]  }
0x34: {  	v6 =	vld [tilespmem:$0x120]  }
0x35: {  	v7 =	vld [tilespmem:$0x140];
	v2 =	vsub.s32 v2, v0  }
0x36: {  	v3 =	vsub.s32 v3, v0;
	v8 =	vld [tilespmem:$0x130];
	v2 =	vmin.u32 v2, $0x61A8  }
0x37: {  	v4 =	vsub.s32 v4, v0;
	v3 =	vmin.u32 v3, $0x61A8;
	v9 =	vld [tilespmem:$0x150];
	[tilespmem:$0x1F0] =	vst v2  }
0x38: {  	v2 =	vmin.u32 v4, $0x61A8;
	[tilespmem:$0x190] =	vst v3;
	v3 =	vsub.s32 v5, v0  }
0x39: {  	[tilespmem:$0x180] =	vst v2;
	v2 =	vsub.s32 v6, v0;
	v3 =	vmin.u32 v3, $0x61A8  }
0x3a: {  	v2 =	vmin.u32 v2, $0x61A8;
	v4 =	vsub.s32 v7, v0;
	[tilespmem:$0x1E0] =	vst v3  }
0x3b: {  	[tilespmem:$0x1A0] =	vst v2;
	v2 =	vsub.s32 v8, v0;
	v3 =	vmin.u32 v4, $0x61A8  }
0x3c: {  	v2 =	vmin.u32 v2, $0x61A8;
	[tilespmem:$0x1C0] =	vst v3;
	v3 =	vsub.s32 v9, v0  }
0x3d: {  	[tilespmem:$0x1B0] =	vst v2;
	v2 =	vmin.u32 v3, $0x61A8  }
0x3e: {  	[tilespmem:$0x1D0] =	vst v2  }
0x3f: {  	[spmem:s3] =	stream.indirect.scatter.add.f32 [tilespmem:s16], [sflag:$0x3], $0x20, s20, s15, $0xb8;
	[tilespmem:$0x1AA00] =	vst v63  }
0x40: {  	_ =	swait.ge [sflag:s14], $0x1000  }
0x41: {  	[sflag:s14] =	ssyncset.done $0x0  }
0x42: {  	s25 =	sadd.s32 $0x200, s25;
	[sflag:s14] =	ssyncadd.s32 $0xFFFFF000  }
0x43: {  	[tilespmem:s4], [sflag:$0x3] =	stream.linear.gather [hbm4b:s25+s4], $0x80, $0x38;
	[tilespmem:$0x1AA00] =	vst v63  }
0x44: {  	_ =	swait.ge [sflag:s14], $0x80  }
0x45: {  	[sflag:s14] =	ssyncset.done $0x0  }
0x46: {  	[sflag:s14] =	ssyncadd.s32 $0xFFFFFF80  }
0x47: {  	[tilespmem:s16], [sflag:$0x1] =	stream.indirect.gather [hbm4b:s2+s15], $0x20, s4, s15, $0xb8;
	[tilespmem:$0x1AA00] =	vst v63  }
0x48: {  	_ =	swait.ge [sflag:s21], $0x1000  }
0x49: {  	[sflag:s21] =	ssyncset.done $0x0  }
0x4a: {  	s25 =	sadd.s32 $0x100, s26;
	[sflag:s21] =	ssyncadd.s32 $0xFFFFF000  }
0x4b: {  	[tilespmem:s19], [sflag:$0x3] =	stream.linear.gather [hbm4b:s25+s4], $0x80, $0x38;
	[tilespmem:$0x1AA00] =	vst v63  }
0x4c: {  	_ =	swait.ge [sflag:s14], $0x80  }
0x4d: {  	[sflag:s14] =	ssyncset.done $0x0  }
0x4e: {  	[sflag:s14] =	ssyncadd.s32 $0xFFFFFF80  }
0x4f: {  	v2 =	vld [tilespmem:$0x100]  }
0x50: {  	v3 =	vld [tilespmem:$0x110]  }
0x51: {  	v4 =	vld [tilespmem:$0x120]  }
0x52: {  	v5 =	vld [tilespmem:$0x170]  }
0x53: {  	v6 =	vld [tilespmem:$0x140]  }
0x54: {  	v2 =	vsub.s32 v2, v0;
	v7 =	vld [tilespmem:$0x150]  }
0x55: {  	v2 =	vmin.u32 v2, $0x61A8;
	v3 =	vsub.s32 v3, v0;
	v8 =	vld [tilespmem:$0x130]  }
0x56: {  	[tilespmem:$0x180] =	vst v2;
	v2 =	vmin.u32 v3, $0x61A8;
	v3 =	vsub.s32 v4, v0;
	v4 =	vld [tilespmem:$0x160]  }
0x57: {  	[tilespmem:$0x190] =	vst v2;
	v2 =	vmin.u32 v3, $0x61A8;
	v3 =	vsub.s32 v5, v0  }
0x58: {  	[tilespmem:$0x1A0] =	vst v2;
	v2 =	vsub.s32 v6, v0;
	v3 =	vmin.u32 v3, $0x61A8  }
0x59: {  	v2 =	vmin.u32 v2, $0x61A8;
	v5 =	vsub.s32 v7, v0;
	[tilespmem:$0x1F0] =	vst v3  }
0x5a: {  	v3 =	vsub.s32 v8, v0;
	[tilespmem:$0x1C0] =	vst v2;
	v2 =	vmin.u32 v5, $0x61A8  }
0x5b: {  	v3 =	vmin.u32 v3, $0x61A8;
	[tilespmem:$0x1D0] =	vst v2;
	v2 =	vsub.s32 v4, v0  }
0x5c: {  	[tilespmem:$0x1B0] =	vst v3;
	v2 =	vmin.u32 v2, $0x61A8  }
0x5d: {  	[tilespmem:$0x1E0] =	vst v2  }
0x5e: {  	[spmem:s3] =	stream.indirect.scatter.add.f32 [tilespmem:s17], [sflag:$0x3], $0x20, s20, s15, $0xb8;
	[tilespmem:$0x1AA00] =	vst v63  }
0x5f: {  	_ =	swait.ge [sflag:s14], $0x1000  }
0x60: {  	s25 =	sadd.s32 s24, s7;
	[sflag:s14] =	ssyncset.done $0x0  }
0x61: {  	s26 =	sadd.s32 $0x100, s25;
	[sflag:s14] =	ssyncadd.s32 $0xFFFFF000  }
0x62: {  	[tilespmem:s15], [sflag:$0x3] =	stream.linear.gather [hbm4b:s26+s4], $0x80, $0x38;
	[tilespmem:$0x1AA00] =	vst v63  }
0x63: {  	_ =	swait.ge [sflag:s14], $0x80  }
0x64: {  	[sflag:s14] =	ssyncset.done $0x0  }
0x65: {  	[sflag:s14] =	ssyncadd.s32 $0xFFFFFF80  }
0x66: {  	[tilespmem:s17], [sflag:$0x2] =	stream.indirect.gather [hbm4b:s2+s15], $0x20, s15, s15, $0xb8;
	[tilespmem:$0x1AA00] =	vst v63  }
0x67: {  	_ =	swait.ge [sflag:s18], $0x1000  }
.Ltmp1:
0x68: {  	[sflag:s18] =	ssyncset.done $0x0;
	(pc) =	sbr.rel @p0 .LBB2_4-.Ltmp1, $4  }
0x69: {  	s26 =	sadd.s32 s24, s12;
	[sflag:s18] =	ssyncadd.s32 $0xFFFFF000  }
0x6a: {  	[tilespmem:s19], [sflag:$0x3] =	stream.linear.gather [hbm4b:s26+s4], $0x80, $0x38;
	[tilespmem:$0x1AA00] =	vst v63  }
0x6b: {  	_ =	swait.ge [sflag:s14], $0x80  }
0x6c: {  	[sflag:s14] =	ssyncset.done $0x0  }
0x6d: {  	[sflag:s14] =	ssyncadd.s32 $0xFFFFFF80  }
0x6e: {  	v2 =	vld [tilespmem:$0x170]  }
0x6f: {  	v3 =	vld [tilespmem:$0x110]  }
0x70: {  	v4 =	vld [tilespmem:$0x100]  }
0x71: {  	v5 =	vld [tilespmem:$0x160]  }
0x72: {  	v6 =	vld [tilespmem:$0x120]  }
0x73: {  	v7 =	vld [tilespmem:$0x140];
	v2 =	vsub.s32 v2, v0  }
0x74: {  	v8 =	vld [tilespmem:$0x130];
	v3 =	vsub.s32 v3, v0;
	v2 =	vmin.u32 v2, $0x61A8  }
0x75: {  	v9 =	vld [tilespmem:$0x150];
	v4 =	vsub.s32 v4, v0;
	v3 =	vmin.u32 v3, $0x61A8;
	[tilespmem:$0x1F0] =	vst v2  }
0x76: {  	v2 =	vmin.u32 v4, $0x61A8;
	[tilespmem:$0x190] =	vst v3;
	v3 =	vsub.s32 v5, v0  }
0x77: {  	[tilespmem:$0x180] =	vst v2;
	v2 =	vsub.s32 v6, v0;
	v3 =	vmin.u32 v3, $0x61A8  }
0x78: {  	v50 =	vsub.s32 v7, v0;
	v2 =	vmin.u32 v2, $0x61A8;
	[tilespmem:$0x1E0] =	vst v3  }
0x79: {  	v3 =	vmin.u32 v50, $0x61A8;
	[tilespmem:$0x1A0] =	vst v2;
	v2 =	vsub.s32 v8, v0  }
0x7a: {  	[tilespmem:$0x1C0] =	vst v3;
	v3 =	vsub.s32 v9, v0;
	v2 =	vmin.u32 v2, $0x61A8  }
0x7b: {  	[tilespmem:$0x1B0] =	vst v2;
	v2 =	vmin.u32 v3, $0x61A8  }
0x7c: {  	[tilespmem:$0x1D0] =	vst v2  }
0x7d: {  	[spmem:s3] =	stream.indirect.scatter.add.f32 [tilespmem:s16], [sflag:$0x3], $0x20, s20, s15, $0xb8;
	[tilespmem:$0x1AA00] =	vst v63  }
0x7e: {  	_ =	swait.ge [sflag:s14], $0x1000  }
0x7f: {  	[sflag:s14] =	ssyncset.done $0x0  }
0x80: {  	s23 =	sadd.s32 $0x200, s25;
	[sflag:s14] =	ssyncadd.s32 $0xFFFFF000  }
0x81: {  	[tilespmem:s4], [sflag:$0x3] =	stream.linear.gather [hbm4b:s23+s4], $0x80, $0x38;
	[tilespmem:$0x1AA00] =	vst v63  }
0x82: {  	_ =	swait.ge [sflag:s14], $0x80  }
0x83: {  	[sflag:s14] =	ssyncset.done $0x0  }
0x84: {  	[sflag:s14] =	ssyncadd.s32 $0xFFFFFF80  }
0x85: {  	[tilespmem:s16], [sflag:$0x1] =	stream.indirect.gather [hbm4b:s2+s15], $0x20, s4, s15, $0xb8;
	[tilespmem:$0x1AA00] =	vst v63  }
0x86: {  	_ =	swait.ge [sflag:s21], $0x1000  }
0x87: {  	[sflag:s21] =	ssyncset.done $0x0  }
0x88: {  	s25 =	sadd.s32 $0x100, s26;
	[sflag:s21] =	ssyncadd.s32 $0xFFFFF000  }
0x89: {  	[tilespmem:s19], [sflag:$0x3] =	stream.linear.gather [hbm4b:s25+s4], $0x80, $0x38;
	[tilespmem:$0x1AA00] =	vst v63  }
0x8a: {  	_ =	swait.ge [sflag:s14], $0x80  }
0x8b: {  	[sflag:s14] =	ssyncset.done $0x0  }
0x8c: {  	[sflag:s14] =	ssyncadd.s32 $0xFFFFFF80  }
0x8d: {  	v2 =	vld [tilespmem:$0x100]  }
0x8e: {  	v3 =	vld [tilespmem:$0x110]  }
0x8f: {  	v51 =	vld [tilespmem:$0x120]  }
0x90: {  	v52 =	vld [tilespmem:$0x170]  }
0x91: {  	v53 =	vld [tilespmem:$0x140]  }
0x92: {  	v54 =	vld [tilespmem:$0x150];
	v2 =	vsub.s32 v2, v0  }
0x93: {  	v55 =	vld [tilespmem:$0x130];
	v3 =	vsub.s32 v3, v0;
	v2 =	vmin.u32 v2, $0x61A8  }
0x94: {  	v56 =	vld [tilespmem:$0x160];
	[tilespmem:$0x180] =	vst v2;
	v2 =	vmin.u32 v3, $0x61A8;
	v3 =	vsub.s32 v51, v0  }
0x95: {  	[tilespmem:$0x190] =	vst v2;
	v2 =	vmin.u32 v3, $0x61A8;
	v3 =	vsub.s32 v52, v0  }
0x96: {  	[tilespmem:$0x1A0] =	vst v2;
	v2 =	vsub.s32 v53, v0;
	v3 =	vmin.u32 v3, $0x61A8  }
0x97: {  	v57 =	vsub.s32 v54, v0;
	v2 =	vmin.u32 v2, $0x61A8;
	[tilespmem:$0x1F0] =	vst v3  }
0x98: {  	v3 =	vsub.s32 v55, v0;
	[tilespmem:$0x1C0] =	vst v2;
	v2 =	vmin.u32 v57, $0x61A8  }
0x99: {  	v3 =	vmin.u32 v3, $0x61A8;
	[tilespmem:$0x1D0] =	vst v2;
	v2 =	vsub.s32 v56, v0  }
0x9a: {  	[tilespmem:$0x1B0] =	vst v3;
	v2 =	vmin.u32 v2, $0x61A8  }
0x9b: {  	[tilespmem:$0x1E0] =	vst v2  }
0x9c: {  	[spmem:s3] =	stream.indirect.scatter.add.f32 [tilespmem:s17], [sflag:$0x3], $0x20, s20, s15, $0xb8;
	[tilespmem:$0x1AA00] =	vst v63  }
0x9d: {  	_ =	swait.ge [sflag:s14], $0x1000  }
0x9e: {  	[sflag:s14] =	ssyncset.done $0x0  }
0x9f: {  	[sflag:s14] =	ssyncadd.s32 $0xFFFFF000  }
0xa0: {  	_ =	swait.ge [sflag:s18], $0x1000  }
0xa1: {  	[sflag:s18] =	ssyncset.done $0x0  }
0xa2: {  	s26 =	simm.s32 $0x0;
	[sflag:s18] =	ssyncadd.s32 $0xFFFFF000  }
0xa3: {  	[tilespmem:s19], [sflag:$0x3] =	stream.linear.gather [hbm4b:s8+s26], $0x80, $0x38;
	[tilespmem:$0x1AA00] =	vst v63  }
0xa4: {  	_ =	swait.ge [sflag:s14], $0x80  }
0xa5: {  	[sflag:s14] =	ssyncset.done $0x0  }
0xa6: {  	[sflag:s14] =	ssyncadd.s32 $0xFFFFFF80  }
0xa7: {  	v2 =	vld [tilespmem:$0x100]  }
0xa8: {  	v3 =	vld [tilespmem:$0x110]  }
0xa9: {  	v58 =	vld [tilespmem:$0x120]  }
0xaa: {  	v59 =	vld [tilespmem:$0x130]  }
0xab: {  	v60 =	vld [tilespmem:$0x140]  }
0xac: {  	v61 =	vld [tilespmem:$0x150];
	v2 =	vsub.s32 v2, v0  }
0xad: {  	v62 =	vld [tilespmem:$0x160];
	v3 =	vsub.s32 v3, v0;
	v2 =	vmin.u32 v2, $0x61A8  }
0xae: {  	v63 =	vld [tilespmem:$0x170];
	[tilespmem:$0x180] =	vst v2;
	v2 =	vmin.u32 v3, $0x61A8;
	v3 =	vsub.s32 v58, v0  }
0xaf: {  	[tilespmem:$0x190] =	vst v2;
	v2 =	vmin.u32 v3, $0x61A8;
	v3 =	vsub.s32 v59, v0  }
0xb0: {  	[tilespmem:$0x1A0] =	vst v2;
	v2 =	vmin.u32 v3, $0x61A8;
	v3 =	vsub.s32 v60, v0  }
0xb1: {  	[tilespmem:$0x1B0] =	vst v2;
	v2 =	vmin.u32 v3, $0x61A8;
	v3 =	vsub.s32 v61, v0  }
0xb2: {  	[tilespmem:$0x1C0] =	vst v2;
	v2 =	vmin.u32 v3, $0x61A8;
	v3 =	vsub.s32 v62, v0  }
0xb3: {  	[tilespmem:$0x1D0] =	vst v2;
	v2 =	vmin.u32 v3, $0x61A8;
	v3 =	vsub.s32 v63, v0  }
0xb4: {  	[tilespmem:$0x1E0] =	vst v2;
	v2 =	vmin.u32 v3, $0x61A8  }
0xb5: {  	[tilespmem:$0x1F0] =	vst v2  }
0xb6: {  	[spmem:s3] =	stream.indirect.scatter.add.f32 [tilespmem:s16], [sflag:$0x3], $0x20, s20, s15, $0xb8;
	[tilespmem:$0x1AA00] =	vst v63  }
0xb7: {  	_ =	swait.ge [sflag:s14], $0x1000  }
0xb8: {  	[sflag:s14] =	ssyncset.done $0x0  }
0xb9: {  	s30 =	sshll.u32 s1, $0x6;
	[sflag:s14] =	ssyncadd.s32 $0xFFFFF000  }
0xba: {  	s24 =	sshrl.u32 s6, $0x3;
	s23 =	sor.u32 $0x1C03, s30;
	[bflag:$0x0] =	sbarrier.arrive $0xFFFF  }
0xbb: {  	[hbm:s9], [sflag:s23] =	dma.local [spmem:s24], $0x1880  }
0xbc: {  	_ =	swait.ge [sflag:s14], $0x1880  }
0xbd: {  	[sflag:s14] =	ssyncset.done $0x0  }
0xbe: {  	[sflag:s14] =	ssyncadd.s32 $0xFFFFE780  }
0xbf: {  	[spmem:s6] =	stream.linear.scatter [tilespmem:s13], [sflag:$0x3], $0xC400, $0x38;
	[tilespmem:$0x1AA00] =	vst v63  }
0xc0: {  	_ =	swait.ge [sflag:s14], $0xC400  }
0xc1: {  	[sflag:s14] =	ssyncset.done $0x0  }
0xc2: {  	[sflag:s14] =	ssyncadd.s32 $0xFFFF3C00  }
0xc3: {  	[bflag:$0x0] =	sbarrier.arrive $0xFFFF  }
0xc4: {  	[tilespmem:s26], [sflag:$0x3] =	stream.linear.gather [hbm4b:s7+s26], $0x80, $0x38;
	[tilespmem:$0x1AA00] =	vst v63  }
0xc5: {  	_ =	swait.ge [sflag:s14], $0x80  }
0xc6: {  	[sflag:s14] =	ssyncset.done $0x0  }
0xc7: {  	s28 =	sadd.s32 $0x0, s7;
	[sflag:s14] =	ssyncadd.s32 $0xFFFFFF80  }
0xc8: {  	[tilespmem:s16], [sflag:$0x1] =	stream.indirect.gather [hbm4b:s5+s15], $0x20, s26, s15, $0xb8;
	[tilespmem:$0x1AA00] =	vst v63  }
0xc9: {  	s31 =	sadd.s32 $0x100, s28  }
0xca: {  	[tilespmem:s15], [sflag:$0x3] =	stream.linear.gather [hbm4b:s31+s4], $0x80, $0x38;
	[tilespmem:$0x1AA00] =	vst v63  }
0xcb: {  	_ =	swait.ge [sflag:s14], $0x80  }
0xcc: {  	[sflag:s14] =	ssyncset.done $0x0  }
0xcd: {  	[sflag:s14] =	ssyncadd.s32 $0xFFFFFF80  }
0xce: {  	[tilespmem:s17], [sflag:$0x2] =	stream.indirect.gather [hbm4b:s5+s15], $0x20, s15, s15, $0xb8;
	[tilespmem:$0x1AA00] =	vst v63  }
0xcf: {  	_ =	swait.ge [sflag:s18], $0x1000  }
0xd0: {  	[sflag:s18] =	ssyncset.done $0x0  }
0xd1: {  	s29 =	sadd.s32 $0x0, s12;
	[sflag:s18] =	ssyncadd.s32 $0xFFFFF000  }
0xd2: {  	[tilespmem:s19], [sflag:$0x3] =	stream.linear.gather [hbm4b:s29+s4], $0x80, $0x38;
	[tilespmem:$0x1AA00] =	vst v63  }
0xd3: {  	_ =	swait.ge [sflag:s14], $0x80  }
0xd4: {  	s25 =	simm.s32 $0x200;
	[sflag:s14] =	ssyncset.done $0x0  }
.LBB2_6:
0xd5: {  	p0 =	sne.s32 s25, $0x18400  }
0xd6: {  	[sflag:s14] =	ssyncadd.s32 $0xFFFFFF80;
	s26 =	smov.u32 s25;
	s25 =	sadd.s32 $0x200, s25  }
0xd7: {  	v2 =	vld [tilespmem:$0x170]  }
0xd8: {  	v3 =	vld [tilespmem:$0x110]  }
0xd9: {  	v4 =	vld [tilespmem:$0x100]  }
0xda: {  	v5 =	vld [tilespmem:$0x160]  }
0xdb: {  	v6 =	vld [tilespmem:$0x120]  }
0xdc: {  	v7 =	vld [tilespmem:$0x140];
	v2 =	vsub.s32 v2, v0  }
0xdd: {  	v3 =	vsub.s32 v3, v0;
	v8 =	vld [tilespmem:$0x130];
	v2 =	vmin.u32 v2, $0x61A8  }
0xde: {  	v4 =	vsub.s32 v4, v0;
	v3 =	vmin.u32 v3, $0x61A8;
	v9 =	vld [tilespmem:$0x150];
	[tilespmem:$0x1F0] =	vst v2  }
0xdf: {  	v2 =	vmin.u32 v4, $0x61A8;
	[tilespmem:$0x190] =	vst v3;
	v3 =	vsub.s32 v5, v0  }
0xe0: {  	[tilespmem:$0x180] =	vst v2;
	v2 =	vsub.s32 v6, v0;
	v3 =	vmin.u32 v3, $0x61A8  }
0xe1: {  	v2 =	vmin.u32 v2, $0x61A8;
	v4 =	vsub.s32 v7, v0;
	[tilespmem:$0x1E0] =	vst v3  }
0xe2: {  	[tilespmem:$0x1A0] =	vst v2;
	v2 =	vsub.s32 v8, v0;
	v3 =	vmin.u32 v4, $0x61A8  }
0xe3: {  	v2 =	vmin.u32 v2, $0x61A8;
	[tilespmem:$0x1C0] =	vst v3;
	v3 =	vsub.s32 v9, v0  }
0xe4: {  	[tilespmem:$0x1B0] =	vst v2;
	v2 =	vmin.u32 v3, $0x61A8  }
0xe5: {  	[tilespmem:$0x1D0] =	vst v2  }
0xe6: {  	[spmem:s3] =	stream.indirect.scatter.add.f32 [tilespmem:s16], [sflag:$0x3], $0x20, s20, s15, $0xb8;
	[tilespmem:$0x1AA00] =	vst v63  }
0xe7: {  	_ =	swait.ge [sflag:s14], $0x1000  }
0xe8: {  	[sflag:s14] =	ssyncset.done $0x0  }
0xe9: {  	s28 =	sadd.s32 $0x200, s28;
	[sflag:s14] =	ssyncadd.s32 $0xFFFFF000  }
0xea: {  	[tilespmem:s4], [sflag:$0x3] =	stream.linear.gather [hbm4b:s28+s4], $0x80, $0x38;
	[tilespmem:$0x1AA00] =	vst v63  }
0xeb: {  	_ =	swait.ge [sflag:s14], $0x80  }
0xec: {  	[sflag:s14] =	ssyncset.done $0x0  }
0xed: {  	[sflag:s14] =	ssyncadd.s32 $0xFFFFFF80  }
0xee: {  	[tilespmem:s16], [sflag:$0x1] =	stream.indirect.gather [hbm4b:s5+s15], $0x20, s4, s15, $0xb8;
	[tilespmem:$0x1AA00] =	vst v63  }
0xef: {  	_ =	swait.ge [sflag:s21], $0x1000  }
0xf0: {  	[sflag:s21] =	ssyncset.done $0x0  }
0xf1: {  	s28 =	sadd.s32 $0x100, s29;
	[sflag:s21] =	ssyncadd.s32 $0xFFFFF000  }
0xf2: {  	[tilespmem:s19], [sflag:$0x3] =	stream.linear.gather [hbm4b:s28+s4], $0x80, $0x38;
	[tilespmem:$0x1AA00] =	vst v63  }
0xf3: {  	_ =	swait.ge [sflag:s14], $0x80  }
0xf4: {  	[sflag:s14] =	ssyncset.done $0x0  }
0xf5: {  	[sflag:s14] =	ssyncadd.s32 $0xFFFFFF80  }
0xf6: {  	v2 =	vld [tilespmem:$0x100]  }
0xf7: {  	v3 =	vld [tilespmem:$0x110]  }
0xf8: {  	v4 =	vld [tilespmem:$0x120]  }
0xf9: {  	v5 =	vld [tilespmem:$0x170]  }
0xfa: {  	v6 =	vld [tilespmem:$0x140]  }
0xfb: {  	v2 =	vsub.s32 v2, v0;
	v7 =	vld [tilespmem:$0x150]  }
0xfc: {  	v2 =	vmin.u32 v2, $0x61A8;
	v3 =	vsub.s32 v3, v0;
	v8 =	vld [tilespmem:$0x130]  }
0xfd: {  	[tilespmem:$0x180] =	vst v2;
	v2 =	vmin.u32 v3, $0x61A8;
	v3 =	vsub.s32 v4, v0;
	v4 =	vld [tilespmem:$0x160]  }
0xfe: {  	[tilespmem:$0x190] =	vst v2;
	v2 =	vmin.u32 v3, $0x61A8;
	v3 =	vsub.s32 v5, v0  }
0xff: {  	[tilespmem:$0x1A0] =	vst v2;
	v2 =	vsub.s32 v6, v0;
	v3 =	vmin.u32 v3, $0x61A8  }
0x100: {  	v2 =	vmin.u32 v2, $0x61A8;
	v5 =	vsub.s32 v7, v0;
	[tilespmem:$0x1F0] =	vst v3  }
0x101: {  	v3 =	vsub.s32 v8, v0;
	[tilespmem:$0x1C0] =	vst v2;
	v2 =	vmin.u32 v5, $0x61A8  }
0x102: {  	v3 =	vmin.u32 v3, $0x61A8;
	[tilespmem:$0x1D0] =	vst v2;
	v2 =	vsub.s32 v4, v0  }
0x103: {  	[tilespmem:$0x1B0] =	vst v3;
	v2 =	vmin.u32 v2, $0x61A8  }
0x104: {  	[tilespmem:$0x1E0] =	vst v2  }
0x105: {  	[spmem:s3] =	stream.indirect.scatter.add.f32 [tilespmem:s17], [sflag:$0x3], $0x20, s20, s15, $0xb8;
	[tilespmem:$0x1AA00] =	vst v63  }
0x106: {  	_ =	swait.ge [sflag:s14], $0x1000  }
0x107: {  	s28 =	sadd.s32 s26, s7;
	[sflag:s14] =	ssyncset.done $0x0  }
0x108: {  	s29 =	sadd.s32 $0x100, s28;
	[sflag:s14] =	ssyncadd.s32 $0xFFFFF000  }
0x109: {  	[tilespmem:s15], [sflag:$0x3] =	stream.linear.gather [hbm4b:s29+s4], $0x80, $0x38;
	[tilespmem:$0x1AA00] =	vst v63  }
0x10a: {  	_ =	swait.ge [sflag:s14], $0x80  }
0x10b: {  	[sflag:s14] =	ssyncset.done $0x0  }
0x10c: {  	[sflag:s14] =	ssyncadd.s32 $0xFFFFFF80  }
0x10d: {  	[tilespmem:s17], [sflag:$0x2] =	stream.indirect.gather [hbm4b:s5+s15], $0x20, s15, s15, $0xb8;
	[tilespmem:$0x1AA00] =	vst v63  }
0x10e: {  	_ =	swait.ge [sflag:s18], $0x1000  }
.Ltmp2:
0x10f: {  	[sflag:s18] =	ssyncset.done $0x0;
	(pc) =	sbr.rel @p0 .LBB2_6-.Ltmp2, $4  }
0x110: {  	s29 =	sadd.s32 s26, s12;
	[sflag:s18] =	ssyncadd.s32 $0xFFFFF000  }
0x111: {  	[tilespmem:s19], [sflag:$0x3] =	stream.linear.gather [hbm4b:s29+s4], $0x80, $0x38;
	[tilespmem:$0x1AA00] =	vst v63  }
0x112: {  	_ =	swait.ge [sflag:s14], $0x80  }
0x113: {  	[sflag:s14] =	ssyncset.done $0x0  }
0x114: {  	[sflag:s14] =	ssyncadd.s32 $0xFFFFFF80  }
0x115: {  	v2 =	vld [tilespmem:$0x170]  }
0x116: {  	v3 =	vld [tilespmem:$0x110]  }
0x117: {  	v4 =	vld [tilespmem:$0x100]  }
0x118: {  	v5 =	vld [tilespmem:$0x160]  }
0x119: {  	v6 =	vld [tilespmem:$0x120]  }
0x11a: {  	v7 =	vld [tilespmem:$0x140];
	v2 =	vsub.s32 v2, v0  }
0x11b: {  	v8 =	vld [tilespmem:$0x130];
	v3 =	vsub.s32 v3, v0;
	v2 =	vmin.u32 v2, $0x61A8  }
0x11c: {  	v9 =	vld [tilespmem:$0x150];
	v4 =	vsub.s32 v4, v0;
	v3 =	vmin.u32 v3, $0x61A8;
	[tilespmem:$0x1F0] =	vst v2  }
0x11d: {  	v2 =	vmin.u32 v4, $0x61A8;
	[tilespmem:$0x190] =	vst v3;
	v3 =	vsub.s32 v5, v0  }
0x11e: {  	[tilespmem:$0x180] =	vst v2;
	v2 =	vsub.s32 v6, v0;
	v3 =	vmin.u32 v3, $0x61A8  }
0x11f: {  	v50 =	vsub.s32 v7, v0;
	v2 =	vmin.u32 v2, $0x61A8;
	[tilespmem:$0x1E0] =	vst v3  }
0x120: {  	v3 =	vmin.u32 v50, $0x61A8;
	[tilespmem:$0x1A0] =	vst v2;
	v2 =	vsub.s32 v8, v0  }
0x121: {  	[tilespmem:$0x1C0] =	vst v3;
	v3 =	vsub.s32 v9, v0;
	v2 =	vmin.u32 v2, $0x61A8  }
0x122: {  	[tilespmem:$0x1B0] =	vst v2;
	v2 =	vmin.u32 v3, $0x61A8  }
0x123: {  	[tilespmem:$0x1D0] =	vst v2  }
0x124: {  	[spmem:s3] =	stream.indirect.scatter.add.f32 [tilespmem:s16], [sflag:$0x3], $0x20, s20, s15, $0xb8;
	[tilespmem:$0x1AA00] =	vst v63  }
0x125: {  	_ =	swait.ge [sflag:s14], $0x1000  }
0x126: {  	[sflag:s14] =	ssyncset.done $0x0  }
0x127: {  	s25 =	sadd.s32 $0x200, s28;
	[sflag:s14] =	ssyncadd.s32 $0xFFFFF000  }
0x128: {  	[tilespmem:s4], [sflag:$0x3] =	stream.linear.gather [hbm4b:s25+s4], $0x80, $0x38;
	[tilespmem:$0x1AA00] =	vst v63  }
0x129: {  	_ =	swait.ge [sflag:s14], $0x80  }
0x12a: {  	[sflag:s14] =	ssyncset.done $0x0  }
0x12b: {  	[sflag:s14] =	ssyncadd.s32 $0xFFFFFF80  }
0x12c: {  	[tilespmem:s16], [sflag:$0x1] =	stream.indirect.gather [hbm4b:s5+s15], $0x20, s4, s15, $0xb8;
	[tilespmem:$0x1AA00] =	vst v63  }
0x12d: {  	_ =	swait.ge [sflag:s21], $0x1000  }
0x12e: {  	[sflag:s21] =	ssyncset.done $0x0  }
0x12f: {  	s31 =	sadd.s32 $0x100, s29;
	[sflag:s21] =	ssyncadd.s32 $0xFFFFF000  }
0x130: {  	[tilespmem:s19], [sflag:$0x3] =	stream.linear.gather [hbm4b:s31+s4], $0x80, $0x38;
	[tilespmem:$0x1AA00] =	vst v63  }
0x131: {  	_ =	swait.ge [sflag:s14], $0x80  }
0x132: {  	[sflag:s14] =	ssyncset.done $0x0  }
0x133: {  	[sflag:s14] =	ssyncadd.s32 $0xFFFFFF80  }
0x134: {  	v2 =	vld [tilespmem:$0x100]  }
0x135: {  	v3 =	vld [tilespmem:$0x110]  }
0x136: {  	v51 =	vld [tilespmem:$0x120]  }
0x137: {  	v52 =	vld [tilespmem:$0x170]  }
0x138: {  	v53 =	vld [tilespmem:$0x140]  }
0x139: {  	v54 =	vld [tilespmem:$0x150];
	v2 =	vsub.s32 v2, v0  }
0x13a: {  	v55 =	vld [tilespmem:$0x130];
	v3 =	vsub.s32 v3, v0;
	v2 =	vmin.u32 v2, $0x61A8  }
0x13b: {  	v56 =	vld [tilespmem:$0x160];
	[tilespmem:$0x180] =	vst v2;
	v2 =	vmin.u32 v3, $0x61A8;
	v3 =	vsub.s32 v51, v0  }
0x13c: {  	[tilespmem:$0x190] =	vst v2;
	v2 =	vmin.u32 v3, $0x61A8;
	v3 =	vsub.s32 v52, v0  }
0x13d: {  	[tilespmem:$0x1A0] =	vst v2;
	v2 =	vsub.s32 v53, v0;
	v3 =	vmin.u32 v3, $0x61A8  }
0x13e: {  	v57 =	vsub.s32 v54, v0;
	v2 =	vmin.u32 v2, $0x61A8;
	[tilespmem:$0x1F0] =	vst v3  }
0x13f: {  	v3 =	vsub.s32 v55, v0;
	[tilespmem:$0x1C0] =	vst v2;
	v2 =	vmin.u32 v57, $0x61A8  }
0x140: {  	v3 =	vmin.u32 v3, $0x61A8;
	[tilespmem:$0x1D0] =	vst v2;
	v2 =	vsub.s32 v56, v0  }
0x141: {  	[tilespmem:$0x1B0] =	vst v3;
	v2 =	vmin.u32 v2, $0x61A8  }
0x142: {  	[tilespmem:$0x1E0] =	vst v2  }
0x143: {  	[spmem:s3] =	stream.indirect.scatter.add.f32 [tilespmem:s17], [sflag:$0x3], $0x20, s20, s15, $0xb8;
	[tilespmem:$0x1AA00] =	vst v63  }
0x144: {  	_ =	swait.ge [sflag:s14], $0x1000  }
0x145: {  	[sflag:s14] =	ssyncset.done $0x0  }
0x146: {  	[sflag:s14] =	ssyncadd.s32 $0xFFFFF000  }
0x147: {  	_ =	swait.ge [sflag:s18], $0x1000  }
0x148: {  	[sflag:s18] =	ssyncset.done $0x0  }
0x149: {  	[sflag:s18] =	ssyncadd.s32 $0xFFFFF000  }
0x14a: {  	[tilespmem:s19], [sflag:$0x3] =	stream.linear.gather [hbm4b:s8+s4], $0x80, $0x38;
	[tilespmem:$0x1AA00] =	vst v63  }
0x14b: {  	_ =	swait.ge [sflag:s14], $0x80  }
0x14c: {  	[sflag:s14] =	ssyncset.done $0x0  }
0x14d: {  	[sflag:s14] =	ssyncadd.s32 $0xFFFFFF80  }
0x14e: {  	v2 =	vld [tilespmem:$0x100]  }
0x14f: {  	v3 =	vld [tilespmem:$0x110]  }
0x150: {  	v58 =	vld [tilespmem:$0x120]  }
0x151: {  	v59 =	vld [tilespmem:$0x130]  }
0x152: {  	v60 =	vld [tilespmem:$0x140]  }
0x153: {  	v61 =	vld [tilespmem:$0x150];
	v2 =	vsub.s32 v2, v0  }
0x154: {  	v62 =	vld [tilespmem:$0x160];
	v3 =	vsub.s32 v3, v0;
	v2 =	vmin.u32 v2, $0x61A8  }
0x155: {  	v63 =	vld [tilespmem:$0x170];
	[tilespmem:$0x180] =	vst v2;
	v2 =	vmin.u32 v3, $0x61A8;
	v3 =	vsub.s32 v58, v0  }
0x156: {  	[tilespmem:$0x190] =	vst v2;
	v2 =	vmin.u32 v3, $0x61A8;
	v3 =	vsub.s32 v59, v0  }
0x157: {  	[tilespmem:$0x1A0] =	vst v2;
	v2 =	vmin.u32 v3, $0x61A8;
	v3 =	vsub.s32 v60, v0  }
0x158: {  	[tilespmem:$0x1B0] =	vst v2;
	v2 =	vmin.u32 v3, $0x61A8;
	v3 =	vsub.s32 v61, v0  }
0x159: {  	[tilespmem:$0x1C0] =	vst v2;
	v2 =	vmin.u32 v3, $0x61A8;
	v3 =	vsub.s32 v62, v0  }
0x15a: {  	[tilespmem:$0x1D0] =	vst v2;
	v2 =	vmin.u32 v3, $0x61A8;
	v3 =	vsub.s32 v63, v0  }
0x15b: {  	[tilespmem:$0x1E0] =	vst v2;
	v2 =	vmin.u32 v3, $0x61A8  }
0x15c: {  	[tilespmem:$0x1F0] =	vst v2  }
0x15d: {  	[spmem:s3] =	stream.indirect.scatter.add.f32 [tilespmem:s16], [sflag:$0x3], $0x20, s20, s15, $0xb8;
	[tilespmem:$0x1AA00] =	vst v63  }
0x15e: {  	_ =	swait.ge [sflag:s14], $0x1000  }
0x15f: {  	s22 =	sadd.s32 $0x1, s22;
	[sflag:s14] =	ssyncset.done $0x0  }
0x160: {  	p0 =	sne.s32 s22, s11;
	[sflag:s14] =	ssyncadd.s32 $0xFFFFF000  }
.Ltmp3:
0x161: {  	[bflag:$0x0] =	sbarrier.arrive $0xFFFF;
	(pc) =	sbr.rel @p0 .LBB2_1-.Ltmp3, $4  }
0x162: {  	[hbm:s10], [sflag:s23] =	dma.local [spmem:s24], $0x1880  }
0x163: {  	_ =	swait.ge [sflag:s14], $0x1880  }
0x164: {  	[sflag:s14] =	ssyncset.done $0x0  }
0x165: {  	[sflag:s14] =	ssyncadd.s32 $0xFFFFE780  }
0x166: {  	_ =	sfence.sel $0x180000  }
0x167: {  	[bflag:$0x0] =	sbarrier.arrive $0xFFFF  }
0x168: {  	p0 =	sne.s32 s1, $0x0;
	_ =	strace $0x9000004A  }
0x169: {  	s0 =	sadd.s32 @!p0 $0x100000, s0;
	[bflag:$0x2] =	sbarrier.arrive $0xFFFF  }
0x16a: {  	[sflag:s0] =	ssyncadd.tile.s32 @!p0 $0x1;
	_ =	shalt  }
.Lfunc_end2:
_tile_overlayer_lowered:
.L_overlay_start_2:
0x16b: {  	(tag) =	ssettag $0x2  }
0x16c: {  	s0 =	rddreg [dreg:$0x0];
	s2 =	stileid.u32  }
0x16d: {  	s1 =	rddreg [dreg:$0x1];
	p0 =	sne.s32 s2, $0x0  }
0x16e: {  	s3 =	rddreg [dreg:$0x2];
	[bflag:$0x3] =	sbarrier.arrive $0xFFFF;
	s2 =	simm.s32 @!p0 $0x1C03  }
0x16f: {  	[timem:s3], [sflag:s2] =	dma.local @!p0 [hbm:s0], s1  }
0x170: {  	s0 =	simm.s32 @!p0 $0x3  }
0x171: {  	_ =	swait.ge @!p0 [sflag:s0], s1  }
0x172: {  	s1 =	ssub.s32 @!p0 $0x0, s1;
	[sflag:s0] =	ssyncset.done @!p0 $0x0  }
0x173: {  	[sflag:s0] =	ssyncadd.s32 @!p0 s1  }
0x174: {  	[bflag:$0x3] =	sbarrier.arrive $0xFFFF  }
0x175: {  	_ =	shalt  }

// kernel: kernel.4.cloned.1.call-start
scs
__scs_entry_jumppad:
0x0: {  	(pc) =	sbr.rel $0x88, $3  }
0x1: {  	(tag) =	ssettag $0x0;
	lr =	simm.s32 $0x1  }
0x2: {  	[smem:$0x3F9E] =	sst lr;
	_ =	strace $0xD0000000  }
0x3: {  	_ = 	snop  }
0x4: {  	_ = 	snop  }
0x5: {  	_ = 	snop  }
0x6: {  	_ = 	snop  }
0x7: {  	_ = 	snop  }
__scs_overlays_trampoline_lowered:
0x8: {  	[smem:$0x3FAD] =	sst s0  }
0x9: {  	[smem:$0x3FAE] =	sst s1  }
0xa: {  	[smem:$0x3FAF] =	sst s2  }
0xb: {  	[smem:$0x3FB0] =	sst s3  }
0xc: {  	[smem:$0x3FB1] =	sst s4  }
0xd: {  	[smem:$0x3FB2] =	sst s5  }
0xe: {  	[smem:$0x3FB3] =	sst s6  }
0xf: {  	[smem:$0x3FB4] =	sst s7  }
0x10: {  	[smem:$0x3FB5] =	sst s8  }
0x11: {  	[smem:$0x3FB6] =	sst s9;
	s0 =	simm.s32 @!p0 $0x0  }
0x12: {  	s1 =	sld [smem:$0x3F9C];
	s0 =	simm.s32 @p0 $0x1  }
0x13: {  	[smem:$0x3FB7] =	sst s0;
	s0 =	simm.s32 @!p1 $0x0  }
0x14: {  	s2 =	sld [smem:$0x3F9B];
	s0 =	simm.s32 @p1 $0x1  }
0x15: {  	[smem:$0x3FB8] =	sst s0;
	s0 =	simm.s32 @!p2 $0x0  }
0x16: {  	s3 =	sld [smem:$0x3FDB];
	s0 =	simm.s32 @p2 $0x1  }
0x17: {  	s4 =	simm.s32 $0x1BF5;
	[smem:$0x3FBA] =	sst s0  }
0x18: {  	s0 =	sld [smem:$0x3F9D];
	_ =	swait.ge [sflag:s4], $0x0  }
0x19: {  	s7 =	sld [smem:$0x3F9E]  }
0x1a: {  	s8 =	sadd.s32 $0xFFFFE003, lr  }
0x1b: {  	s9 =	sadd.s32 $0xFFFFFEF7, lr;
	s5 =	simm.s32 $0xFFFFFFFF;
	p2 =	slt.u32 s8, $0xFFFFF086  }
0x1c: {  	p1 =	slt.u32 s9, $0xF7A;
	s5 =	simm.s32 @!p2 $0x0  }
0x1d: {  	s5 =	simm.s32 @p1 $0x1;
	p0 =	seq.s32 s7, s2  }
0x1e: {  	s7 =	smul.u32 @!p0 $0xF7A, s2;
	p2 =	seq.s32 @!p0 s5, $0x0  }
0x1f: {  	s9 =	smul.u32 $0xF7A, s1;
	s8 =	simm.s32 @!p0 $0x1BF5;
	p2 =	por !p2, p0  }
0x20: {  	[sflag:s8] =	ssyncset.s32 @!p0 $0xFFFFF086;
	s6 =	sadd.s32 @!p0 s3, s7;
	s7 =	simm.s32 @!p0 $0x108  }
0x21: {  	s3 =	sadd.s32 s3, s9;
	s6 =	sadd.s32 @!p0 $0x88, s6;
	s7 =	simm.s32 @p2 $0x1082  }
0x22: {  	[simem:s7], [sflag:s8] =	dma.local @!p0 [hbm:s6], $0xF7A  }
0x23: {  	s9 =	sor.u32 $0xD0000000, s2;
	s6 =	simm.s32 $0x108;
	_ =	swait.ge @!p0 [sflag:s8], $0x0  }
0x24: {  	s3 =	sadd.s32 $0x88, s3;
	s6 =	simm.s32 @!p1 $0x1082;
	[sflag:s4] =	ssyncset.s32 $0xFFFFF086  }
0x25: {  	[simem:s6], [sflag:s4] =	dma.local [hbm:s3], $0xF7A  }
0x26: {  	[smem:$0x3F9E] =	sst s1;
	(tag) =	ssettag s2;
	_ =	strace s9  }
0x27: {  	s1 =	sld [smem:$0x3FAE]  }
0x28: {  	s2 =	sld [smem:$0x3FAF]  }
0x29: {  	s4 =	sld [smem:$0x3FB1]  }
0x2a: {  	p0 =	seq.s32 s5, $0x0;
	s5 =	sld [smem:$0x3FB2]  }
0x2b: {  	s6 =	sld [smem:$0x3FB3]  }
0x2c: {  	s7 =	sld [smem:$0x3FB4]  }
0x2d: {  	s3 =	simm.s32 $0x108;
	s8 =	sld [smem:$0x3FB5]  }
0x2e: {  	s3 =	simm.s32 @!p0 $0x1082;
	s9 =	sld [smem:$0x3FB6]  }
0x2f: {  	lr =	sadd.s32 s0, s3;
	s0 =	sld [smem:$0x3FAD]  }
0x30: {  	s3 =	sld [smem:$0x3FB0]  }
0x31: {  	[smem:$0x3FB9] =	sst s10  }
0x32: {  	s10 =	sld [smem:$0x3FB7];
	_ =	sdelay $0x3  }
0x33: {  	p0 =	seq.s32 s10, $0x1;
	s10 =	sld [smem:$0x3FB9];
	_ =	sdelay $0x3  }
0x34: {  	[smem:$0x3FB9] =	sst s10  }
0x35: {  	s10 =	sld [smem:$0x3FB8];
	_ =	sdelay $0x3  }
0x36: {  	p1 =	seq.s32 s10, $0x1;
	s10 =	sld [smem:$0x3FB9];
	_ =	sdelay $0x3  }
0x37: {  	[smem:$0x3FB9] =	sst s10  }
0x38: {  	s10 =	sld [smem:$0x3FBA]  }
0x39: {  	_ = 	snop;
	(pc) =	sbr.ind lr, $3  }
0x3a: {  	_ = 	snop  }
0x3b: {  	_ = 	snop  }
0x3c: {  	p2 =	seq.s32 s10, $0x1;
	s10 =	sld [smem:$0x3FB9]  }
0x3d: {  	_ =	shalt  }
0x3e: {  	_ =	shalt  }
0x3f: {  	_ =	shalt  }
0x40: {  	_ =	shalt  }
0x41: {  	_ =	shalt  }
0x42: {  	_ =	shalt  }
0x43: {  	_ =	shalt  }
0x44: {  	_ =	shalt  }
0x45: {  	_ =	shalt  }
0x46: {  	_ =	shalt  }
0x47: {  	_ =	shalt  }
0x48: {  	_ =	shalt  }
0x49: {  	_ =	shalt  }
0x4a: {  	_ =	shalt  }
0x4b: {  	_ =	shalt  }
0x4c: {  	_ =	shalt  }
0x4d: {  	_ =	shalt  }
0x4e: {  	_ =	shalt  }
0x4f: {  	_ =	shalt  }
0x50: {  	_ =	shalt  }
0x51: {  	_ =	shalt  }
0x52: {  	_ =	shalt  }
0x53: {  	_ =	shalt  }
0x54: {  	_ =	shalt  }
0x55: {  	_ =	shalt  }
0x56: {  	_ =	shalt  }
0x57: {  	_ =	shalt  }
0x58: {  	_ =	shalt  }
0x59: {  	_ =	shalt  }
0x5a: {  	_ =	shalt  }
0x5b: {  	_ =	shalt  }
0x5c: {  	_ =	shalt  }
0x5d: {  	_ =	shalt  }
0x5e: {  	_ =	shalt  }
0x5f: {  	_ =	shalt  }
0x60: {  	_ =	shalt  }
0x61: {  	_ =	shalt  }
0x62: {  	_ =	shalt  }
0x63: {  	_ =	shalt  }
0x64: {  	_ =	shalt  }
0x65: {  	_ =	shalt  }
0x66: {  	_ =	shalt  }
0x67: {  	_ =	shalt  }
0x68: {  	_ =	shalt  }
0x69: {  	_ =	shalt  }
0x6a: {  	_ =	shalt  }
0x6b: {  	_ =	shalt  }
0x6c: {  	_ =	shalt  }
0x6d: {  	_ =	shalt  }
0x6e: {  	_ =	shalt  }
0x6f: {  	_ =	shalt  }
0x70: {  	_ =	shalt  }
0x71: {  	_ =	shalt  }
0x72: {  	_ =	shalt  }
0x73: {  	_ =	shalt  }
0x74: {  	_ =	shalt  }
0x75: {  	_ =	shalt  }
0x76: {  	_ =	shalt  }
0x77: {  	_ =	shalt  }
0x78: {  	_ =	shalt  }
0x79: {  	_ =	shalt  }
0x7a: {  	_ =	shalt  }
0x7b: {  	_ =	shalt  }
0x7c: {  	_ =	shalt  }
0x7d: {  	_ =	shalt  }
0x7e: {  	_ =	shalt  }
0x7f: {  	_ =	shalt  }
0x80: {  	_ =	shalt  }
0x81: {  	_ =	shalt  }
0x82: {  	_ =	shalt  }
0x83: {  	_ =	shalt  }
0x84: {  	_ =	shalt  }
0x85: {  	_ =	shalt  }
0x86: {  	_ =	shalt  }
0x87: {  	_ =	shalt  }
.Lfunc_end0:
.L_simem_size_0:
called_computation.1_lowered:
.L_overlay_start_0:
0x88: {  	s2 =	sld [smem:$0x3FD9]  }
0x89: {  	s3 =	sld [smem:$0x3FFE];
	_ =	sdelay $0x1  }
0x8a: {  	s1 =	srdreg.scid  }
0x8b: {  	s0 =	sand.u32 $0x1, s1  }
0x8c: {  	s17 =	sshll.u32 s0, $0xA;
	s2 =	sadd.s32 s3, s2  }
0x8d: {  	s2 =	sadd.s32 s2, s17  }
0x8e: {  	[smem:$0x3FC5] =	sst s2  }
0x8f: {  	_ = 	snop  }
0x90: {  	s2 =	sld [smem:$0x3FD0];
	(tm) =	ssettm $0x1  }
0x91: {  	s18 =	sld [smem:$0x3FFB];
	_ =	sdelay $0x3  }
0x92: {  	_ =	strace s18  }
0x93: {  	s3 =	sld [smem:$0x3FFC];
	_ =	sdelay $0x3  }
0x94: {  	_ =	strace s3  }
0x95: {  	s3 =	sld [smem:$0x3FFD];
	_ =	sdelay $0x3  }
0x96: {  	_ =	strace s3  }
0x97: {  	_ =	strace $0x8FFFFFFF  }
0x98: {  	s19 =	sld [smem:$0x3FDB];
	_ =	sdelay $0x1  }
0x99: {  	s4 =	simm.s32 $_scs_section_size  }
0x9a: {  	s5 =	simm.s32 $_size__tile_overlayer_lowered;
	s6 =	simm.s32 $_tile_overlayer_lowered  }
0x9b: {  	s22 =	simm.s32 $0x1BFF;
	s21 =	sshll.u32 s6, $0x1;
	s3 =	sadd.s32 s4, s19  }
0x9c: {  	s7 =	simm.s32 $0x0;
	s20 =	sshll.u32 s5, $0x1;
	s5 =	sadd.s32 s21, s3  }
0x9d: {  	[timem:s7], [sflag:s22] =	dma.local [hbm:s5], s20  }
0x9e: {  	_ =	swait.ge [sflag:s22], s20  }
0x9f: {  	s4 =	ssub.s32 $0x0, s20;
	[sflag:s22] =	ssyncset.done $0x0  }
0xa0: {  	[sflag:s22] =	ssyncadd.s32 s4;
	_ =	sdelay $0x1  }
0xa1: {  	s23 =	simm.s32 $0x1B8B  }
0xa2: {  	_ =	swait.ge [sflag:s23], $0x1  }
0xa3: {  	[sflag:s23] =	ssyncset.done $0x0  }
0xa4: {  	s25 =	simm.s32 $0x1B8E;
	s24 =	sld [smem:$0x3FFE];
	[sflag:s23] =	ssyncadd.s32 $0xFFFFFFFF  }
0xa5: {  	s26 =	simm.s32 $execute0_lowered;
	[smem:$0x3FD2] =	sst s25  }
0xa6: {  	s5 =	sshll.u32 s26, $0x1;
	_ =	strace $0x80000046;
	[dreg:$0x1] =	wrdreg $0xFFFFFFFF  }
0xa7: {  	s28 =	simm.s32 $_size_execute0_lowered;
	s3 =	sadd.s32 s3, s5;
	[dreg:$0x0] =	wrdreg $0x0  }
0xa8: {  	s5 =	sshll.u32 s28, $0x1;
	[dreg:$0x2] =	wrdreg s3  }
0xa9: {  	[dreg:$0x3] =	wrdreg s5  }
0xaa: {  	[dreg:$0x4] =	wrdreg $0xC0  }
0xab: {  	_ =	task [dreg:s7], $0x5FFFF  }
0xac: {  	[dreg:$0x1] =	wrdreg $0xFFFFFFFF  }
0xad: {  	[dreg:$0x0] =	wrdreg $0x60  }
0xae: {  	[dreg:$0x2] =	wrdreg s2  }
0xaf: {  	[dreg:$0x3] =	wrdreg s24  }
0xb0: {  	[dreg:$0x4] =	wrdreg $0x36000  }
0xb1: {  	[dreg:$0x5] =	wrdreg $0x9  }
0xb2: {  	_ =	task.clear_ibuf [dreg:s7], $0x6FFFF;
	_ =	strace $0x90000046  }
0xb3: {  	s29 =	simm.s32 $0x9;
	_ =	strace $0x80000048  }
0xb4: {  	_ =	swait.ge [sflag:s29], $0x1  }
0xb5: {  	[sflag:s29] =	ssyncadd.s32 $0xFFFFFFFF  }
0xb6: {  	_ =	strace $0x90000048  }
0xb7: {  	_ =	sfence  }
0xb8: {  	s30 =	sld [smem:$0x0];
	_ =	sdelay $0x2  }
0xb9: {  	s31 =	sshll.u32 s1, $0xD;
	s1 =	sshrl.u32 s1, $0x2  }
0xba: {  	s3 =	sand.u32 $0x4000, s31;
	s1 =	sadd.s32 s1, s30  }
0xbb: {  	s0 =	sor.u32 s3, s0;
	s1 =	sshll.u32 s1, $0x11  }
0xbc: {  	s0 =	sor.u32 s1, s0  }
0xbd: {  	s0 =	sadd.s32 $0x8F2B, s0  }
0xbe: {  	[sflag:s0] =	ssyncadd.remote.s32 $0x1  }
0xbf: {  	_ =	sfence.sel $0xFFFF  }
0xc0: {  	[dreg:$0x0] =	wrdreg $0xFFFFFFFF;
	(pc) =	sbr.abs _section_cstart, $3  }
0xc1: {  	[dreg:$0x1] =	wrdreg $0xFFFFFFFF  }
0xc2: {  	_ =	task.clear_ibuf [dreg:s7], $0x2FFFF;
	_ =	strace $0x9FFFFFFF  }
0xc3: {  	(tm) =	ssettm $0x7FFFFFFF  }
tec
execute0_lowered:
.L_overlay_start_1:
0x0: {  	(tag) =	ssettag $0x1  }
0x1: {  	s10 =	rddreg [dreg:$0x0]  }
0x2: {  	s6 =	rddreg [dreg:$0x1]  }
0x3: {  	s2 =	rddreg [dreg:$0x2]  }
0x4: {  	s0 =	rddreg [dreg:$0x3]  }
0x5: {  	s1 =	stileid.u32;
	s4 =	srdreg.scid;
	s3 =	simm.s32 $0x0  }
0x6: {  	s15 =	simm.s32 $0x80;
	s18 =	simm.s32 $0x0;
	s7 =	sand.u32 $0x1, s4  }
0x7: {  	s8 =	smul.u32 $0x3100, s1;
	[smem:$0x7FF] =	sst s3;
	s11 =	sshll.u32 s1, $0x4  }
0x8: {  	s17 =	sshll.u32 s1, $0x6;
	s4 =	smul.u32 $0x31000, s7;
	_ =	strace $0x80000047  }
0x9: {  	s12 =	sadd.s32 s11, s6;
	s9 =	ssub.s32 $0x2, s7;
	s16 =	smul.u32 $0x61A8, s7  }
0xa: {  	s10 =	sadd.s32 s11, s10;
	s14 =	sshrl.u32 s9, $0x1;
	s11 =	sadd.s32 $0x2000, s12  }
0xb: {  	s12 =	simm.s32 $0x100;
	s5 =	sadd.s32 s8, s4;
	s4 =	sadd.s32 $0x1A800, s6  }
0xc: {  	s9 =	ssub.s32 s9, s14;
	s14 =	simm.s32 $0x500;
	s13 =	sshrl.u32 s5, $0x3  }
0xd: {  	v0 =	vmov s16;
	s16 =	sor.u32 $0x1C01, s17;
	s5 =	sadd.s32 $0x1AA00, s6;
	s13 =	sadd.s32 s13, s6  }
0xe: {  	s9 =	smax.u32 s9, $0x1;
	s6 =	sadd.s32 s8, s2;
	s7 =	sadd.s32 $0x27600, s13  }
0xf: {  	s8 =	sadd.s32 $0x1B200, s13;
	s13 =	simm.s32 $0x1;
	s17 =	sshrl.u32 s6, $0x3  }
.LBB2_1:
0x10: {  	[tilespmem:s12], [sflag:$0x1] =	stream.linear.gather [hbm4b:s4+s3], $0x400, $0x38;
	[tilespmem:$0x6700] =	vst v63  }
0x11: {  	_ =	swait.ge [sflag:s13], $0x400  }
0x12: {  	[sflag:s13] =	ssyncset.done $0x0  }
0x13: {  	[sflag:s13] =	ssyncadd.s32 $0xFFFFFC00  }
0x14: {  	[tilespmem:s14], [sflag:$0x1] =	stream.linear.gather [hbm4b:s5+s3], $0x3100, $0x38;
	[tilespmem:$0x6700] =	vst v63  }
0x15: {  	_ =	swait.ge [sflag:s13], $0x3100  }
0x16: {  	[sflag:s13] =	ssyncset.done $0x0  }
0x17: {  	[sflag:s13] =	ssyncadd.s32 $0xFFFFCF00  }
0x18: {  	[spmem:s6] =	stream.linear.scatter [tilespmem:s14], [sflag:$0x1], $0x3100, $0x38;
	[tilespmem:$0x6700] =	vst v63  }
0x19: {  	_ =	swait.ge [sflag:s13], $0x3100  }
0x1a: {  	[sflag:s13] =	ssyncset.done $0x0  }
0x1b: {  	[sflag:s13] =	ssyncadd.s32 $0xFFFFCF00  }
0x1c: {  	s19 =	sadd.s32 $0x0, s10;
	[bflag:$0x0] =	sbarrier.arrive $0xFFFF  }
0x1d: {  	[tilespmem:s3], [sflag:$0x1] =	stream.linear.gather [hbm4b:s19+s3], $0x80, $0x38;
	[tilespmem:$0x6700] =	vst v63  }
0x1e: {  	_ =	swait.ge [sflag:s13], $0x80  }
0x1f: {  	[sflag:s13] =	ssyncset.done $0x0  }
0x20: {  	[sflag:s13] =	ssyncadd.s32 $0xFFFFFF80  }
0x21: {  	v1 =	vld [tilespmem:$0x0]  }
0x22: {  	v2 =	vld [tilespmem:$0x30]  }
0x23: {  	v3 =	vld [tilespmem:$0x70];
	_ =	sdelay $0x1  }
0x24: {  	v5 =	vld [tilespmem:$0x10]  }
0x25: {  	v4 =	vld [tilespmem:$0x60]  }
0x26: {  	v6 =	vld [tilespmem:$0x50];
	v1 =	vsub.s32 v1, v0  }
0x27: {  	v7 =	vld [tilespmem:$0x20];
	v2 =	vsub.s32 v2, v0;
	v3 =	vsub.s32 v3, v0;
	v1 =	vmin.u32 v1, $0x61A8  }
0x28: {  	v3 =	vmin.u32 v3, $0x61A8;
	[tilespmem:$0x80] =	vst v1;
	v1 =	vmin.u32 v2, $0x61A8;
	v2 =	vld [tilespmem:$0x40]  }
0x29: {  	v62 =	vsub.s32 v5, v0;
	[tilespmem:$0xF0] =	vst v3  }
0x2a: {  	v3 =	vmin.u32 v62, $0x61A8;
	[tilespmem:$0xB0] =	vst v1;
	v1 =	vsub.s32 v4, v0  }
0x2b: {  	v63 =	vsub.s32 v6, v0;
	[tilespmem:$0x90] =	vst v3;
	v1 =	vmin.u32 v1, $0x61A8  }
0x2c: {  	v3 =	vmin.u32 v63, $0x61A8;
	[tilespmem:$0xE0] =	vst v1;
	v1 =	vsub.s32 v7, v0  }
0x2d: {  	s20 =	simm.s32 $0x100;
	s21 =	simm.s32 $0x300;
	s19 =	simm.s32 $0x200;
	[tilespmem:$0xD0] =	vst v3;
	v1 =	vmin.u32 v1, $0x61A8;
	v2 =	vsub.s32 v2, v0  }
.LBB2_2:
0x2e: {  	p0 =	sne.s32 s21, $0x18600;
	[tilespmem:$0xA0] =	vst v1;
	v1 =	vmin.u32 v2, $0x61A8;
	s22 =	smov.u32 s21;
	s21 =	sadd.s32 $0x100, s21  }
0x2f: {  	[tilespmem:$0xC0] =	vst v1  }
0x30: {  	[spmem:s2] =	stream.indirect.scatter.add.f32 [tilespmem:s12], [sflag:$0x1], $0x8, s15, s15, $0xb8;
	[tilespmem:$0x6700] =	vst v63  }
0x31: {  	_ =	swait.ge [sflag:s13], $0x400  }
0x32: {  	[sflag:s13] =	ssyncset.done $0x0  }
0x33: {  	s23 =	sadd.s32 s20, s10;
	s20 =	smov.u32 s19;
	[sflag:s13] =	ssyncadd.s32 $0xFFFFFC00  }
0x34: {  	[tilespmem:s3], [sflag:$0x1] =	stream.linear.gather [hbm4b:s23+s3], $0x80, $0x38;
	[tilespmem:$0x6700] =	vst v63  }
0x35: {  	s19 =	smov.u32 s22;
	_ =	swait.ge [sflag:s13], $0x80  }
0x36: {  	[sflag:s13] =	ssyncset.done $0x0  }
0x37: {  	[sflag:s13] =	ssyncadd.s32 $0xFFFFFF80  }
0x38: {  	v1 =	vld [tilespmem:$0x0]  }
0x39: {  	v2 =	vld [tilespmem:$0x30]  }
0x3a: {  	v3 =	vld [tilespmem:$0x70]  }
0x3b: {  	v4 =	vld [tilespmem:$0x60]  }
0x3c: {  	v5 =	vld [tilespmem:$0x10]  }
0x3d: {  	v1 =	vsub.s32 v1, v0;
	v6 =	vld [tilespmem:$0x50]  }
0x3e: {  	v1 =	vmin.u32 v1, $0x61A8;
	v7 =	vld [tilespmem:$0x20];
	v2 =	vsub.s32 v2, v0  }
0x3f: {  	[tilespmem:$0x80] =	vst v1;
	v1 =	vmin.u32 v2, $0x61A8;
	v2 =	vld [tilespmem:$0x40];
	v3 =	vsub.s32 v3, v0  }
.Ltmp0:
0x40: {  	[tilespmem:$0xB0] =	vst v1;
	v1 =	vsub.s32 v4, v0;
	v3 =	vmin.u32 v3, $0x61A8;
	(pc) =	sbr.rel @p0 .LBB2_2-.Ltmp0, $4  }
0x41: {  	v4 =	vsub.s32 v5, v0;
	v1 =	vmin.u32 v1, $0x61A8;
	[tilespmem:$0xF0] =	vst v3  }
0x42: {  	v3 =	vmin.u32 v4, $0x61A8;
	v4 =	vsub.s32 v6, v0;
	[tilespmem:$0xE0] =	vst v1  }
0x43: {  	[tilespmem:$0x90] =	vst v3;
	v1 =	vsub.s32 v7, v0;
	v3 =	vmin.u32 v4, $0x61A8  }
0x44: {  	v1 =	vmin.u32 v1, $0x61A8;
	v2 =	vsub.s32 v2, v0;
	[tilespmem:$0xD0] =	vst v3  }
0x45: {  	[tilespmem:$0xA0] =	vst v1;
	v1 =	vmin.u32 v2, $0x61A8  }
0x46: {  	[tilespmem:$0xC0] =	vst v1  }
0x47: {  	[spmem:s2] =	stream.indirect.scatter.add.f32 [tilespmem:s12], [sflag:$0x1], $0x8, s15, s15, $0xb8;
	[tilespmem:$0x6700] =	vst v63  }
0x48: {  	_ =	swait.ge [sflag:s13], $0x400  }
0x49: {  	[sflag:s13] =	ssyncset.done $0x0  }
0x4a: {  	s20 =	sadd.s32 s20, s10;
	[sflag:s13] =	ssyncadd.s32 $0xFFFFFC00  }
0x4b: {  	[tilespmem:s3], [sflag:$0x1] =	stream.linear.gather [hbm4b:s20+s3], $0x80, $0x38;
	[tilespmem:$0x6700] =	vst v63  }
0x4c: {  	_ =	swait.ge [sflag:s13], $0x80  }
0x4d: {  	[sflag:s13] =	ssyncset.done $0x0  }
0x4e: {  	[sflag:s13] =	ssyncadd.s32 $0xFFFFFF80  }
0x4f: {  	v1 =	vld [tilespmem:$0x0]  }
0x50: {  	v2 =	vld [tilespmem:$0x30]  }
0x51: {  	v3 =	vld [tilespmem:$0x70];
	_ =	sdelay $0x1  }
0x52: {  	v5 =	vld [tilespmem:$0x10]  }
0x53: {  	v4 =	vld [tilespmem:$0x60]  }
0x54: {  	v6 =	vld [tilespmem:$0x50];
	v1 =	vsub.s32 v1, v0  }
0x55: {  	v7 =	vld [tilespmem:$0x20];
	v2 =	vsub.s32 v2, v0;
	v3 =	vsub.s32 v3, v0;
	v1 =	vmin.u32 v1, $0x61A8  }
0x56: {  	v3 =	vmin.u32 v3, $0x61A8;
	[tilespmem:$0x80] =	vst v1;
	v1 =	vmin.u32 v2, $0x61A8;
	v2 =	vld [tilespmem:$0x40]  }
0x57: {  	v50 =	vsub.s32 v5, v0;
	[tilespmem:$0xF0] =	vst v3  }
0x58: {  	v3 =	vmin.u32 v50, $0x61A8;
	[tilespmem:$0xB0] =	vst v1;
	v1 =	vsub.s32 v4, v0  }
0x59: {  	v51 =	vsub.s32 v6, v0;
	[tilespmem:$0x90] =	vst v3;
	v1 =	vmin.u32 v1, $0x61A8  }
0x5a: {  	v3 =	vmin.u32 v51, $0x61A8;
	[tilespmem:$0xE0] =	vst v1;
	v1 =	vsub.s32 v7, v0  }
0x5b: {  	[tilespmem:$0xD0] =	vst v3;
	v1 =	vmin.u32 v1, $0x61A8;
	v2 =	vsub.s32 v2, v0  }
0x5c: {  	[tilespmem:$0xA0] =	vst v1;
	v1 =	vmin.u32 v2, $0x61A8  }
0x5d: {  	[tilespmem:$0xC0] =	vst v1  }
0x5e: {  	[spmem:s2] =	stream.indirect.scatter.add.f32 [tilespmem:s12], [sflag:$0x1], $0x8, s15, s15, $0xb8;
	[tilespmem:$0x6700] =	vst v63  }
0x5f: {  	_ =	swait.ge [sflag:s13], $0x400  }
0x60: {  	[sflag:s13] =	ssyncset.done $0x0  }
0x61: {  	s19 =	sadd.s32 s19, s10;
	[sflag:s13] =	ssyncadd.s32 $0xFFFFFC00  }
0x62: {  	[tilespmem:s3], [sflag:$0x1] =	stream.linear.gather [hbm4b:s19+s3], $0x80, $0x38;
	[tilespmem:$0x6700] =	vst v63  }
0x63: {  	_ =	swait.ge [sflag:s13], $0x80  }
0x64: {  	[sflag:s13] =	ssyncset.done $0x0  }
0x65: {  	[sflag:s13] =	ssyncadd.s32 $0xFFFFFF80  }
0x66: {  	v1 =	vld [tilespmem:$0x0]  }
0x67: {  	v2 =	vld [tilespmem:$0x30]  }
0x68: {  	v3 =	vld [tilespmem:$0x70];
	_ =	sdelay $0x1  }
0x69: {  	v53 =	vld [tilespmem:$0x10]  }
0x6a: {  	v52 =	vld [tilespmem:$0x60]  }
0x6b: {  	v54 =	vld [tilespmem:$0x50];
	v1 =	vsub.s32 v1, v0  }
0x6c: {  	v55 =	vld [tilespmem:$0x20];
	v2 =	vsub.s32 v2, v0;
	v3 =	vsub.s32 v3, v0;
	v1 =	vmin.u32 v1, $0x61A8  }
0x6d: {  	v3 =	vmin.u32 v3, $0x61A8;
	[tilespmem:$0x80] =	vst v1;
	v1 =	vmin.u32 v2, $0x61A8;
	v2 =	vld [tilespmem:$0x40]  }
0x6e: {  	v56 =	vsub.s32 v53, v0;
	[tilespmem:$0xF0] =	vst v3  }
0x6f: {  	v3 =	vmin.u32 v56, $0x61A8;
	[tilespmem:$0xB0] =	vst v1;
	v1 =	vsub.s32 v52, v0  }
0x70: {  	v57 =	vsub.s32 v54, v0;
	[tilespmem:$0x90] =	vst v3;
	v1 =	vmin.u32 v1, $0x61A8  }
0x71: {  	v3 =	vmin.u32 v57, $0x61A8;
	[tilespmem:$0xE0] =	vst v1;
	v1 =	vsub.s32 v55, v0  }
0x72: {  	[tilespmem:$0xD0] =	vst v3;
	v1 =	vmin.u32 v1, $0x61A8;
	v2 =	vsub.s32 v2, v0  }
0x73: {  	[tilespmem:$0xA0] =	vst v1;
	v1 =	vmin.u32 v2, $0x61A8  }
0x74: {  	[tilespmem:$0xC0] =	vst v1  }
0x75: {  	[spmem:s2] =	stream.indirect.scatter.add.f32 [tilespmem:s12], [sflag:$0x1], $0x8, s15, s15, $0xb8;
	[tilespmem:$0x6700] =	vst v63  }
0x76: {  	_ =	swait.ge [sflag:s13], $0x400  }
0x77: {  	[sflag:s13] =	ssyncset.done $0x0  }
0x78: {  	[sflag:s13] =	ssyncadd.s32 $0xFFFFFC00  }
0x79: {  	[bflag:$0x0] =	sbarrier.arrive $0xFFFF  }
0x7a: {  	[hbm:s7], [sflag:s16] =	dma.local [spmem:s17], $0x620  }
0x7b: {  	_ =	swait.ge [sflag:s13], $0x620  }
0x7c: {  	[sflag:s13] =	ssyncset.done $0x0  }
0x7d: {  	[sflag:s13] =	ssyncadd.s32 $0xFFFFF9E0  }
0x7e: {  	[spmem:s6] =	stream.linear.scatter [tilespmem:s14], [sflag:$0x1], $0x3100, $0x38;
	[tilespmem:$0x6700] =	vst v63  }
0x7f: {  	_ =	swait.ge [sflag:s13], $0x3100  }
0x80: {  	[sflag:s13] =	ssyncset.done $0x0  }
0x81: {  	[sflag:s13] =	ssyncadd.s32 $0xFFFFCF00  }
0x82: {  	s31 =	sadd.s32 $0x0, s11;
	[bflag:$0x0] =	sbarrier.arrive $0xFFFF  }
0x83: {  	[tilespmem:s3], [sflag:$0x1] =	stream.linear.gather [hbm4b:s31+s3], $0x80, $0x38;
	[tilespmem:$0x6700] =	vst v63  }
0x84: {  	_ =	swait.ge [sflag:s13], $0x80  }
0x85: {  	[sflag:s13] =	ssyncset.done $0x0  }
0x86: {  	[sflag:s13] =	ssyncadd.s32 $0xFFFFFF80  }
0x87: {  	v1 =	vld [tilespmem:$0x0]  }
0x88: {  	v2 =	vld [tilespmem:$0x30]  }
0x89: {  	v3 =	vld [tilespmem:$0x70];
	_ =	sdelay $0x1  }
0x8a: {  	v59 =	vld [tilespmem:$0x10]  }
0x8b: {  	v58 =	vld [tilespmem:$0x60]  }
0x8c: {  	v60 =	vld [tilespmem:$0x50];
	v1 =	vsub.s32 v1, v0  }
0x8d: {  	v61 =	vld [tilespmem:$0x20];
	v2 =	vsub.s32 v2, v0;
	v3 =	vsub.s32 v3, v0;
	v1 =	vmin.u32 v1, $0x61A8  }
0x8e: {  	v3 =	vmin.u32 v3, $0x61A8;
	[tilespmem:$0x80] =	vst v1;
	v1 =	vmin.u32 v2, $0x61A8;
	v2 =	vld [tilespmem:$0x40]  }
0x8f: {  	v62 =	vsub.s32 v59, v0;
	[tilespmem:$0xF0] =	vst v3  }
0x90: {  	v3 =	vmin.u32 v62, $0x61A8;
	[tilespmem:$0xB0] =	vst v1;
	v1 =	vsub.s32 v58, v0  }
0x91: {  	v63 =	vsub.s32 v60, v0;
	[tilespmem:$0x90] =	vst v3;
	v1 =	vmin.u32 v1, $0x61A8  }
0x92: {  	v3 =	vmin.u32 v63, $0x61A8;
	[tilespmem:$0xE0] =	vst v1;
	v1 =	vsub.s32 v61, v0  }
0x93: {  	s21 =	simm.s32 $0x300;
	s20 =	simm.s32 $0x100;
	s19 =	simm.s32 $0x200;
	[tilespmem:$0xD0] =	vst v3;
	v1 =	vmin.u32 v1, $0x61A8;
	v2 =	vsub.s32 v2, v0  }
.LBB2_4:
0x94: {  	p0 =	sne.s32 s21, $0x18600;
	[tilespmem:$0xA0] =	vst v1;
	v1 =	vmin.u32 v2, $0x61A8;
	s22 =	smov.u32 s21;
	s21 =	sadd.s32 $0x100, s21  }
0x95: {  	[tilespmem:$0xC0] =	vst v1  }
0x96: {  	[spmem:s2] =	stream.indirect.scatter.add.f32 [tilespmem:s12], [sflag:$0x1], $0x8, s15, s15, $0xb8;
	[tilespmem:$0x6700] =	vst v63  }
0x97: {  	_ =	swait.ge [sflag:s13], $0x400  }
0x98: {  	[sflag:s13] =	ssyncset.done $0x0  }
0x99: {  	s23 =	sadd.s32 s20, s11;
	s20 =	smov.u32 s19;
	[sflag:s13] =	ssyncadd.s32 $0xFFFFFC00  }
0x9a: {  	[tilespmem:s3], [sflag:$0x1] =	stream.linear.gather [hbm4b:s23+s3], $0x80, $0x38;
	[tilespmem:$0x6700] =	vst v63  }
0x9b: {  	s19 =	smov.u32 s22;
	_ =	swait.ge [sflag:s13], $0x80  }
0x9c: {  	[sflag:s13] =	ssyncset.done $0x0  }
0x9d: {  	[sflag:s13] =	ssyncadd.s32 $0xFFFFFF80  }
0x9e: {  	v1 =	vld [tilespmem:$0x0]  }
0x9f: {  	v2 =	vld [tilespmem:$0x30]  }
0xa0: {  	v3 =	vld [tilespmem:$0x70]  }
0xa1: {  	v4 =	vld [tilespmem:$0x60]  }
0xa2: {  	v5 =	vld [tilespmem:$0x10]  }
0xa3: {  	v1 =	vsub.s32 v1, v0;
	v6 =	vld [tilespmem:$0x50]  }
0xa4: {  	v1 =	vmin.u32 v1, $0x61A8;
	v7 =	vld [tilespmem:$0x20];
	v2 =	vsub.s32 v2, v0  }
0xa5: {  	[tilespmem:$0x80] =	vst v1;
	v1 =	vmin.u32 v2, $0x61A8;
	v2 =	vld [tilespmem:$0x40];
	v3 =	vsub.s32 v3, v0  }
.Ltmp1:
0xa6: {  	[tilespmem:$0xB0] =	vst v1;
	v1 =	vsub.s32 v4, v0;
	v3 =	vmin.u32 v3, $0x61A8;
	(pc) =	sbr.rel @p0 .LBB2_4-.Ltmp1, $4  }
0xa7: {  	v4 =	vsub.s32 v5, v0;
	v1 =	vmin.u32 v1, $0x61A8;
	[tilespmem:$0xF0] =	vst v3  }
0xa8: {  	v3 =	vmin.u32 v4, $0x61A8;
	v4 =	vsub.s32 v6, v0;
	[tilespmem:$0xE0] =	vst v1  }
0xa9: {  	[tilespmem:$0x90] =	vst v3;
	v1 =	vsub.s32 v7, v0;
	v3 =	vmin.u32 v4, $0x61A8  }
0xaa: {  	v1 =	vmin.u32 v1, $0x61A8;
	v2 =	vsub.s32 v2, v0;
	[tilespmem:$0xD0] =	vst v3  }
0xab: {  	[tilespmem:$0xA0] =	vst v1;
	v1 =	vmin.u32 v2, $0x61A8  }
0xac: {  	[tilespmem:$0xC0] =	vst v1  }
0xad: {  	[spmem:s2] =	stream.indirect.scatter.add.f32 [tilespmem:s12], [sflag:$0x1], $0x8, s15, s15, $0xb8;
	[tilespmem:$0x6700] =	vst v63  }
0xae: {  	_ =	swait.ge [sflag:s13], $0x400  }
0xaf: {  	[sflag:s13] =	ssyncset.done $0x0  }
0xb0: {  	s20 =	sadd.s32 s20, s11;
	[sflag:s13] =	ssyncadd.s32 $0xFFFFFC00  }
0xb1: {  	[tilespmem:s3], [sflag:$0x1] =	stream.linear.gather [hbm4b:s20+s3], $0x80, $0x38;
	[tilespmem:$0x6700] =	vst v63  }
0xb2: {  	_ =	swait.ge [sflag:s13], $0x80  }
0xb3: {  	[sflag:s13] =	ssyncset.done $0x0  }
0xb4: {  	[sflag:s13] =	ssyncadd.s32 $0xFFFFFF80  }
0xb5: {  	v1 =	vld [tilespmem:$0x0]  }
0xb6: {  	v2 =	vld [tilespmem:$0x30]  }
0xb7: {  	v3 =	vld [tilespmem:$0x70];
	_ =	sdelay $0x1  }
0xb8: {  	v5 =	vld [tilespmem:$0x10]  }
0xb9: {  	v4 =	vld [tilespmem:$0x60]  }
0xba: {  	v6 =	vld [tilespmem:$0x50];
	v1 =	vsub.s32 v1, v0  }
0xbb: {  	v7 =	vld [tilespmem:$0x20];
	v2 =	vsub.s32 v2, v0;
	v3 =	vsub.s32 v3, v0;
	v1 =	vmin.u32 v1, $0x61A8  }
0xbc: {  	v3 =	vmin.u32 v3, $0x61A8;
	[tilespmem:$0x80] =	vst v1;
	v1 =	vmin.u32 v2, $0x61A8;
	v2 =	vld [tilespmem:$0x40]  }
0xbd: {  	v56 =	vsub.s32 v5, v0;
	[tilespmem:$0xF0] =	vst v3  }
0xbe: {  	v3 =	vmin.u32 v56, $0x61A8;
	[tilespmem:$0xB0] =	vst v1;
	v1 =	vsub.s32 v4, v0  }
0xbf: {  	v57 =	vsub.s32 v6, v0;
	[tilespmem:$0x90] =	vst v3;
	v1 =	vmin.u32 v1, $0x61A8  }
0xc0: {  	v3 =	vmin.u32 v57, $0x61A8;
	[tilespmem:$0xE0] =	vst v1;
	v1 =	vsub.s32 v7, v0  }
0xc1: {  	[tilespmem:$0xD0] =	vst v3;
	v1 =	vmin.u32 v1, $0x61A8;
	v2 =	vsub.s32 v2, v0  }
0xc2: {  	[tilespmem:$0xA0] =	vst v1;
	v1 =	vmin.u32 v2, $0x61A8  }
0xc3: {  	[tilespmem:$0xC0] =	vst v1  }
0xc4: {  	[spmem:s2] =	stream.indirect.scatter.add.f32 [tilespmem:s12], [sflag:$0x1], $0x8, s15, s15, $0xb8;
	[tilespmem:$0x6700] =	vst v63  }
0xc5: {  	_ =	swait.ge [sflag:s13], $0x400  }
0xc6: {  	[sflag:s13] =	ssyncset.done $0x0  }
0xc7: {  	s19 =	sadd.s32 s19, s11;
	[sflag:s13] =	ssyncadd.s32 $0xFFFFFC00  }
0xc8: {  	[tilespmem:s3], [sflag:$0x1] =	stream.linear.gather [hbm4b:s19+s3], $0x80, $0x38;
	[tilespmem:$0x6700] =	vst v63  }
0xc9: {  	_ =	swait.ge [sflag:s13], $0x80  }
0xca: {  	[sflag:s13] =	ssyncset.done $0x0  }
0xcb: {  	[sflag:s13] =	ssyncadd.s32 $0xFFFFFF80  }
0xcc: {  	v1 =	vld [tilespmem:$0x0]  }
0xcd: {  	v2 =	vld [tilespmem:$0x30]  }
0xce: {  	v3 =	vld [tilespmem:$0x70];
	_ =	sdelay $0x1  }
0xcf: {  	v59 =	vld [tilespmem:$0x10]  }
0xd0: {  	v58 =	vld [tilespmem:$0x60]  }
0xd1: {  	v60 =	vld [tilespmem:$0x50];
	v1 =	vsub.s32 v1, v0  }
0xd2: {  	v61 =	vld [tilespmem:$0x20];
	v2 =	vsub.s32 v2, v0;
	v3 =	vsub.s32 v3, v0;
	v1 =	vmin.u32 v1, $0x61A8  }
0xd3: {  	v3 =	vmin.u32 v3, $0x61A8;
	[tilespmem:$0x80] =	vst v1;
	v1 =	vmin.u32 v2, $0x61A8;
	v2 =	vld [tilespmem:$0x40]  }
0xd4: {  	v62 =	vsub.s32 v59, v0;
	[tilespmem:$0xF0] =	vst v3  }
0xd5: {  	v3 =	vmin.u32 v62, $0x61A8;
	[tilespmem:$0xB0] =	vst v1;
	v1 =	vsub.s32 v58, v0  }
0xd6: {  	v63 =	vsub.s32 v60, v0;
	[tilespmem:$0x90] =	vst v3;
	v1 =	vmin.u32 v1, $0x61A8  }
0xd7: {  	v3 =	vmin.u32 v63, $0x61A8;
	[tilespmem:$0xE0] =	vst v1;
	v1 =	vsub.s32 v61, v0  }
0xd8: {  	[tilespmem:$0xD0] =	vst v3;
	v1 =	vmin.u32 v1, $0x61A8;
	v2 =	vsub.s32 v2, v0  }
0xd9: {  	[tilespmem:$0xA0] =	vst v1;
	v1 =	vmin.u32 v2, $0x61A8  }
0xda: {  	[tilespmem:$0xC0] =	vst v1  }
0xdb: {  	[spmem:s2] =	stream.indirect.scatter.add.f32 [tilespmem:s12], [sflag:$0x1], $0x8, s15, s15, $0xb8;
	[tilespmem:$0x6700] =	vst v63  }
0xdc: {  	_ =	swait.ge [sflag:s13], $0x400  }
0xdd: {  	s18 =	sadd.s32 $0x1, s18;
	[sflag:s13] =	ssyncset.done $0x0  }
0xde: {  	p0 =	sne.s32 s18, s9;
	[sflag:s13] =	ssyncadd.s32 $0xFFFFFC00  }
.Ltmp2:
0xdf: {  	[bflag:$0x0] =	sbarrier.arrive $0xFFFF;
	(pc) =	sbr.rel @p0 .LBB2_1-.Ltmp2, $4  }
0xe0: {  	[hbm:s8], [sflag:s16] =	dma.local [spmem:s17], $0x620  }
0xe1: {  	_ =	swait.ge [sflag:s13], $0x620  }
0xe2: {  	[sflag:s13] =	ssyncset.done $0x0  }
0xe3: {  	[sflag:s13] =	ssyncadd.s32 $0xFFFFF9E0  }
0xe4: {  	_ =	sfence.sel $0x180000  }
0xe5: {  	[bflag:$0x0] =	sbarrier.arrive $0xFFFF  }
0xe6: {  	p0 =	sne.s32 s1, $0x0;
	_ =	strace $0x90000047  }
0xe7: {  	s0 =	sadd.s32 @!p0 $0x100000, s0;
	[bflag:$0x2] =	sbarrier.arrive $0xFFFF  }
0xe8: {  	[sflag:s0] =	ssyncadd.tile.s32 @!p0 $0x1;
	_ =	shalt  }
.Lfunc_end2:
_tile_overlayer_lowered:
.L_overlay_start_2:
0xe9: {  	(tag) =	ssettag $0x2  }
0xea: {  	s0 =	rddreg [dreg:$0x0];
	s2 =	stileid.u32  }
0xeb: {  	s1 =	rddreg [dreg:$0x1];
	p0 =	sne.s32 s2, $0x0  }
0xec: {  	s3 =	rddreg [dreg:$0x2];
	[bflag:$0x3] =	sbarrier.arrive $0xFFFF;
	s2 =	simm.s32 @!p0 $0x1C01  }
0xed: {  	[timem:s3], [sflag:s2] =	dma.local @!p0 [hbm:s0], s1  }
0xee: {  	s0 =	simm.s32 @!p0 $0x1  }
0xef: {  	_ =	swait.ge @!p0 [sflag:s0], s1  }
0xf0: {  	s1 =	ssub.s32 @!p0 $0x0, s1;
	[sflag:s0] =	ssyncset.done @!p0 $0x0  }
0xf1: {  	[sflag:s0] =	ssyncadd.s32 @!p0 s1  }
0xf2: {  	[bflag:$0x3] =	sbarrier.arrive $0xFFFF  }
0xf3: {  	_ =	shalt  }

</sc_bundles>
